<compile_context>
chip_gen: v7x
topology: tpu7x:2x2x1
jax: 0.10.2.dev20260603
libtpu: 0.0.44.dev20260713+nightly
codegen_flags: <defaults>
</compile_context>

<pallas_src>
import functools

import jax
import jax.numpy as jnp
from jax import lax
from jax.experimental import pallas as pl
from jax.experimental.pallas import tpu as pltpu
from jax.experimental.pallas import tpu_sc as plsc

N = 100000
E = 3200000
NC, NS = 2, 16
NW = NC * NS
TW = 48
GB = 800
SB = 800
EW = E // NW
ES = E // NS

_mesh = plsc.VectorSubcoreMesh(core_axis_name="c", subcore_axis_name="s")
_sc_params = pltpu.CompilerParams(use_tc_tiling_on_sc=False)


def _gather_body(p_hbm, q_hbm, i_hbm, j_hbm, out_hbm, ib, jb, pb, qb, s1, s2):
    cid = lax.axis_index("c")
    sid = lax.axis_index("s")
    w = sid * NC + cid

    def chunk(c, carry):
        e0 = w * EW + c * GB
        pltpu.sync_copy(i_hbm.at[pl.ds(e0, GB)], ib)
        pltpu.sync_copy(j_hbm.at[pl.ds(e0, GB)], jb)
        cp1 = pltpu.async_copy(p_hbm.at[ib], pb, s1)
        cp2 = pltpu.async_copy(q_hbm.at[jb], qb, s2)
        cp1.wait()
        cp2.wait()

        def add_row(e, cc):
            for g in range(TW // 16):
                sl = pl.ds(16 * g, 16)
                pb[e, sl] = pb[e, sl] + qb[e, sl]
            return cc

        lax.fori_loop(0, GB, add_row, 0)
        pltpu.sync_copy(pb, out_hbm.at[pl.ds(e0, GB)])
        return carry

    lax.fori_loop(0, EW // GB, chunk, 0)


_gather = pl.kernel(
    _gather_body,
    out_type=jax.ShapeDtypeStruct((E, TW), jnp.float32),
    mesh=_mesh,
    compiler_params=_sc_params,
    scratch_types=[
        pltpu.VMEM((GB,), jnp.int32),
        pltpu.VMEM((GB,), jnp.int32),
        pltpu.VMEM((GB, TW), jnp.float32),
        pltpu.VMEM((GB, TW), jnp.float32),
        pltpu.SemaphoreType.DMA,
        pltpu.SemaphoreType.DMA,
    ],
)


NSUB = N // NS
ZB = 625


def _scatter_body(d0_hbm, d1_hbm, i_hbm, out0_hbm, out1_hbm, ib, db, zb, table):
    cid = lax.axis_index("c")
    sid = lax.axis_index("s")

    def zrow(r, cc):
        zb[r, :] = jnp.zeros((16,), jnp.float32)
        return cc

    lax.fori_loop(0, ZB, zrow, 0)

    def zcp(k, cc):
        pltpu.sync_copy(zb, table.at[pl.ds(sid * NSUB + k * ZB, ZB)])
        return cc

    lax.fori_loop(0, NSUB // ZB, zcp, 0)
    plsc.subcore_barrier()

    def chunk(c, carry):
        e0 = sid * ES + c * SB
        pltpu.sync_copy(i_hbm.at[pl.ds(e0, SB)], ib)

        @pl.when(cid == 0)
        def _():
            pltpu.sync_copy(d0_hbm.at[pl.ds(e0, SB)], db)

        @pl.when(cid == 1)
        def _():
            pltpu.sync_copy(d1_hbm.at[pl.ds(e0, SB)], db)

        pltpu.sync_copy(db, table.at[ib], add=True)
        return carry

    lax.fori_loop(0, ES // SB, chunk, 0)
    plsc.subcore_barrier()

    def dump(k, cc):
        sl = pl.ds(sid * NSUB + k * ZB, ZB)

        @pl.when(cid == 0)
        def _():
            pltpu.sync_copy(table.at[sl], out0_hbm.at[sl])

        @pl.when(cid == 1)
        def _():
            pltpu.sync_copy(table.at[sl], out1_hbm.at[sl])

        return cc

    lax.fori_loop(0, NSUB // ZB, dump, 0)


_scatter = pl.kernel(
    _scatter_body,
    out_type=(
        jax.ShapeDtypeStruct((N, 16), jnp.float32),
        jax.ShapeDtypeStruct((N, 16), jnp.float32),
    ),
    mesh=_mesh,
    compiler_params=_sc_params,
    scratch_types=[
        pltpu.VMEM((SB,), jnp.int32),
        pltpu.VMEM((SB, 16), jnp.float32),
        pltpu.VMEM((ZB, 16), jnp.float32),
        pltpu.VMEM_SHARED((N, 16), jnp.float32),
    ],
)


_NB = 2000
_RB = 1600


def _full(i):
    return (0, 0)


def _rows(i):
    return (i, 0)


def _prep0_body(x_ref, pos_ref, wa_ref, wb_ref, b_ref, p_ref, q_ref):
    xb = x_ref[...]
    cb = pos_ref[...]
    z = jnp.zeros((xb.shape[0], TW - 34), jnp.float32)
    p = jnp.dot(xb, wa_ref[...], preferred_element_type=jnp.float32) + b_ref[...]
    q = jnp.dot(xb, wb_ref[...], preferred_element_type=jnp.float32)
    p_ref[...] = jnp.concatenate([p, cb, z], axis=1)
    q_ref[...] = jnp.concatenate([q, -cb, z], axis=1)


def _prep0(x, pos, wa, wb, b):
    return pl.pallas_call(
        _prep0_body,
        grid=(N // _NB,),
        in_specs=[
            pl.BlockSpec((_NB, 2), _rows),
            pl.BlockSpec((_NB, 2), _rows),
            pl.BlockSpec(wa.shape, _full),
            pl.BlockSpec(wb.shape, _full),
            pl.BlockSpec(b.shape, _full),
        ],
        out_specs=[
            pl.BlockSpec((_NB, TW), _rows),
            pl.BlockSpec((_NB, TW), _rows),
        ],
        out_shape=[
            jax.ShapeDtypeStruct((N, TW), jnp.float32),
            jax.ShapeDtypeStruct((N, TW), jnp.float32),
        ],
    )(x, pos, wa, wb, b)


def _edge_consts(p, f):
    f32 = jnp.float32
    i4 = jnp.eye(4, dtype=f32)
    wd = p["W_e1"][2 * f]
    wa = p["W_e1"][2 * f + 1]
    sel = jnp.zeros((TW, 32), f32).at[:32].set(jnp.eye(32, dtype=f32))
    p1 = jnp.kron(i4, sel)
    d = jnp.zeros((TW, 32), f32).at[32].set(wd).at[33].set(wd)
    p2 = jnp.kron(i4, d)
    s = jnp.kron(i4, wa[None, :])
    w2 = jnp.kron(i4, p["W_e2"])
    b2 = jnp.tile(p["b_e2"], 4)[None]
    wc1 = jnp.kron(i4, p["W_c1"])
    bc1 = jnp.tile(p["b_c1"], 4)[None]
    wc2 = jnp.kron(i4, jnp.tile(p["W_c2"], (1, 16)))
    bc2 = jnp.full((1, 64), p["b_c2"][0], f32)
    r = jnp.zeros((TW, 16), f32).at[32, 0].set(1.0).at[33, 1].set(1.0)
    rr = jnp.kron(i4, r)
    cc = jnp.tile(jnp.zeros((16,), f32).at[2].set(1.0), 4)[None]
    e16 = jnp.eye(16, dtype=f32)
    slo = jnp.kron(i4, jnp.concatenate([e16, jnp.zeros((16, 16), f32)]))
    shi = jnp.kron(i4, jnp.concatenate([jnp.zeros((16, 16), f32), e16]))
    return (p1, p2, s, w2, b2, wc1, bc1, wc2, bc2, rr, cc, slo, shi)


def _edge_body(with_m, hs_ref, ea_ref, p1_ref, p2_ref, s_ref, w2_ref, b2_ref,
               wc1_ref, bc1_ref, wc2_ref, bc2_ref, rr_ref, cc_ref, slo_ref,
               shi_ref, *out_refs):
    hs = hs_ref[...]
    sq = hs * hs

    def mm(a, b):
        return jnp.dot(a, b, preferred_element_type=jnp.float32)

    pre = mm(hs, p1_ref[...]) + mm(sq, p2_ref[...]) + mm(ea_ref[...], s_ref[...])
    m = jax.nn.silu(pre)
    m = jax.nn.silu(mm(m, w2_ref[...]) + b2_ref[...])
    c = jax.nn.silu(mm(m, wc1_ref[...]) + bc1_ref[...])
    cw = mm(c, wc2_ref[...]) + bc2_ref[...]
    rel = mm(hs, rr_ref[...])
    if with_m:
        out_refs[0][...] = mm(m, slo_ref[...])
        out_refs[1][...] = mm(m, shi_ref[...])
    out_refs[-1][...] = rel * cw + cc_ref[...]


def _edge(with_m, hs192, ea4, consts):
    n_out = 3 if with_m else 1
    outs = [jax.ShapeDtypeStruct((E // 4, 64), jnp.float32)] * n_out
    ospecs = [pl.BlockSpec((_RB, 64), _rows)] * n_out
    return pl.pallas_call(
        functools.partial(_edge_body, with_m),
        grid=((E // 4) // _RB,),
        in_specs=[
            pl.BlockSpec((_RB, 192), _rows),
            pl.BlockSpec((_RB, 4), _rows),
        ] + [pl.BlockSpec(w.shape, _full) for w in consts],
        out_specs=ospecs,
        out_shape=outs,
    )(hs192, ea4, *consts)


def _node0_body(x_ref, mlo_ref, mhi_ref, ag_ref, pos_ref,
                wn1x_ref, wn1a_ref, wn1b_ref, bn1_ref, wn2_ref, bn2_ref,
                w1p_ref, w1q_ref, b1_ref, p_ref, q_ref):
    ag = ag_ref[...]
    num = ag[:, 0:2]
    cnt = ag[:, 2:3]
    coors1 = pos_ref[...] + num / jnp.maximum(cnt, 1.0)

    def mm(a, b):
        return jnp.dot(a, b, preferred_element_type=jnp.float32)

    h = jax.nn.silu(mm(x_ref[...], wn1x_ref[...]) + mm(mlo_ref[...], wn1a_ref[...])
                    + mm(mhi_ref[...], wn1b_ref[...]) + bn1_ref[...])
    feats1 = mm(h, wn2_ref[...]) + bn2_ref[...]
    z = jnp.zeros((feats1.shape[0], TW - 34), jnp.float32)
    p = mm(feats1, w1p_ref[...]) + b1_ref[...]
    q = mm(feats1, w1q_ref[...])
    p_ref[...] = jnp.concatenate([p, coors1, z], axis=1)
    q_ref[...] = jnp.concatenate([q, -coors1, z], axis=1)


def _node0(x, mlo, mhi, ag, pos, wn1x, wn1a, wn1b, bn1, wn2, bn2, w1p, w1q, b1):
    return pl.pallas_call(
        _node0_body,
        grid=(N // _NB,),
        in_specs=[
            pl.BlockSpec((_NB, 2), _rows),
            pl.BlockSpec((_NB, 16), _rows),
            pl.BlockSpec((_NB, 16), _rows),
            pl.BlockSpec((_NB, 16), _rows),
            pl.BlockSpec((_NB, 2), _rows),
        ] + [pl.BlockSpec(w.shape, _full)
             for w in (wn1x, wn1a, wn1b, bn1, wn2, bn2, w1p, w1q, b1)],
        out_specs=[
            pl.BlockSpec((_NB, TW), _rows),
            pl.BlockSpec((_NB, TW), _rows),
        ],
        out_shape=[
            jax.ShapeDtypeStruct((N, TW), jnp.float32),
            jax.ShapeDtypeStruct((N, TW), jnp.float32),
        ],
    )(x, mlo, mhi, ag, pos, wn1x, wn1a, wn1b, bn1, wn2, bn2, w1p, w1q, b1)


def _node1_body(p_ref, ag_ref, o_ref):
    ag = ag_ref[...]
    num = ag[:, 0:2]
    cnt = ag[:, 2:3]
    o_ref[...] = p_ref[:, 32:34] + num / jnp.maximum(cnt, 1.0)


def _node1(p1, ag):
    return pl.pallas_call(
        _node1_body,
        grid=(N // _NB,),
        in_specs=[
            pl.BlockSpec((_NB, TW), _rows),
            pl.BlockSpec((_NB, 16), _rows),
        ],
        out_specs=pl.BlockSpec((_NB, 2), _rows),
        out_shape=jax.ShapeDtypeStruct((N, 2), jnp.float32),
    )(p1, ag)


def kernel(x, edge_index, edge_attr, batch, positions, params):
    del batch
    x = x.astype(jnp.float32)
    i1 = edge_index[0]
    j1 = edge_index[1]
    ea4 = edge_attr.reshape(E // 4, 4)

    p0 = params["l0"]
    p1 = params["l1"]
    f0 = 2

    P, Q = _prep0(x, positions,
                  p0["W_e1"][0:f0], p0["W_e1"][f0:2 * f0],
                  p0["b_e1"].reshape(1, 32))
    hs = _gather(P, Q, i1, j1).reshape(E // 4, 4 * TW)
    mlo64, mhi64, aux64 = _edge(True, hs, ea4, _edge_consts(p0, f0))
    milo, mihi = _scatter(mlo64.reshape(E, 16), mhi64.reshape(E, 16), i1)
    aux = aux64.reshape(E, 16)
    ag, _unused = _scatter(aux, aux, i1)
    P1, Q1 = _node0(
        x, milo, mihi, ag, positions,
        p0["W_n1"][0:2], p0["W_n1"][2:18], p0["W_n1"][18:34],
        p0["b_n1"].reshape(1, 32), p0["W_n2"], p0["b_n2"].reshape(1, 32),
        p1["W_e1"][0:32], p1["W_e1"][32:64], p1["b_e1"].reshape(1, 32))

    hs1 = _gather(P1, Q1, i1, j1).reshape(E // 4, 4 * TW)
    (aux64_1,) = _edge(False, hs1, ea4, _edge_consts(p1, 32))
    aux1 = aux64_1.reshape(E, 16)
    ag1, _unused1 = _scatter(aux1, aux1, i1)
    return _node1(P1, ag1)

# --- scband reference (transcript-rebuilt; emitter-appended) ---
"""Pipeline reference for scband-gcn-grad-4836133175660 (READ-ONLY COPY).

The authoritative reference and input builder live on the scoring server;
editing this copy changes nothing except your own understanding.
"""

import jax, jax.numpy as jnp
import numpy as np

N = 100000
E = 3200000
FEATS = [2, 32]
M_DIMS = [32, 32]
OUT_DIMS = [32, 32]


def _layer_params(key, f, m, o):
    ks = jax.random.split(key, 6)
    s = 0.1
    return {
        "W_e1": jax.random.normal(ks[0], (2 * f + 2, m), jnp.float32) * s,
        "b_e1": jnp.zeros((m,), jnp.float32),
        "W_e2": jax.random.normal(ks[1], (m, m), jnp.float32) * s,
        "b_e2": jnp.zeros((m,), jnp.float32),
        "W_c1": jax.random.normal(ks[2], (m, m), jnp.float32) * s,
        "b_c1": jnp.zeros((m,), jnp.float32),
        "W_c2": jax.random.normal(ks[3], (m, 1), jnp.float32) * s,
        "b_c2": jnp.zeros((1,), jnp.float32),
        "W_n1": jax.random.normal(ks[4], (f + m, m), jnp.float32) * s,
        "b_n1": jnp.zeros((m,), jnp.float32),
        "W_n2": jax.random.normal(ks[5], (m, o), jnp.float32) * s,
        "b_n2": jnp.zeros((o,), jnp.float32),
    }


def setup_inputs(seed: int = 0):
    key = jax.random.key(seed)
    ks = jax.random.split(key, 8)
    x = jax.random.normal(ks[0], (N, 2), jnp.float32)
    edge_index = jax.random.randint(ks[1], (2, E), 0, N, dtype=jnp.int32)
    edge_attr = jax.random.normal(ks[2], (E, 1), jnp.float32)
    batch = jnp.zeros((N,), jnp.int32)
    positions = jax.random.normal(ks[3], (N, 2), jnp.float32)
    params = {
        "l0": _layer_params(ks[4], FEATS[0], M_DIMS[0], OUT_DIMS[0]),
        "l1": _layer_params(ks[5], FEATS[1], M_DIMS[1], OUT_DIMS[1]),
    }
    return {"x": x, "edge_index": edge_index, "edge_attr": edge_attr,
            "batch": batch, "positions": positions, "params": params}


def _egnn_layer(xt, edge_index, edge_attr, p):
    # EGNN_Sparse layer: xt = [coors(2) | feats]
    coors = xt[:, :2]
    feats = xt[:, 2:]
    i = edge_index[0]  # target / aggregation index
    j = edge_index[1]  # source
    rel = coors[i] - coors[j]
    dist = jnp.sum(rel * rel, axis=-1, keepdims=True)
    # edge MLP (message)
    e_in = jnp.concatenate([feats[i], feats[j], dist, edge_attr], axis=-1)
    m = jax.nn.silu(e_in @ p["W_e1"] + p["b_e1"])
    m = jax.nn.silu(m @ p["W_e2"] + p["b_e2"])
    # coordinate update (update_coors=True, norm_coors=False): mean-aggregated weighted rel coors
    cw = jax.nn.silu(m @ p["W_c1"] + p["b_c1"]) @ p["W_c2"] + p["b_c2"]
    num = jax.ops.segment_sum(rel * cw, i, num_segments=N)
    cnt = jax.ops.segment_sum(jnp.ones((rel.shape[0], 1), jnp.float32), i, num_segments=N)
    coors_out = coors + num / jnp.maximum(cnt, 1.0)
    # feature update (update_feats=True, aggr='add')
    m_i = jax.ops.segment_sum(m, i, num_segments=N)
    n_in = jnp.concatenate([feats, m_i], axis=-1)
    h = jax.nn.silu(n_in @ p["W_n1"] + p["b_n1"]) @ p["W_n2"] + p["b_n2"]
    feats_out = h + feats if h.shape == feats.shape else h
    return jnp.concatenate([coors_out, feats_out], axis=-1)


def reference(x, edge_index, edge_attr, batch, positions, params):
    xt = jnp.concatenate([positions, x], axis=-1).astype(jnp.float32)
    xt = _egnn_layer(xt, edge_index, edge_attr, params["l0"])
    xt = _egnn_layer(xt, edge_index, edge_attr, params["l1"])
    x1 = xt[:, :2]
    return x1

if __name__ == "__main__":
    import jax
    _d = setup_inputs()
    print(jax.jit(kernel)(*tuple(_d.values())))

</pallas_src>

<mosaic_0001>
#map = affine_map<(d0, d1) -> (0, 0)>
#map1 = affine_map<(d0, d1) -> (0)>
module attributes {stable_mosaic.version = 14 : i64} {
  func.func @_gather_body(%arg0: i32, %arg1: i32, %arg2: memref<100000x48xf32, #tpu.memory_space<hbm>>, %arg3: memref<100000x48xf32, #tpu.memory_space<hbm>>, %arg4: memref<3200000xi32, #tpu.memory_space<hbm>>, %arg5: memref<3200000xi32, #tpu.memory_space<hbm>>, %arg6: memref<3200000x48xf32, #tpu.memory_space<hbm>>, %arg7: memref<800xi32, #tpu.memory_space<vmem>>, %arg8: memref<800xi32, #tpu.memory_space<vmem>>, %arg9: memref<800x48xf32, #tpu.memory_space<vmem>>, %arg10: memref<800x48xf32, #tpu.memory_space<vmem>>, %arg11: memref<!tpu.dma_semaphore, #tpu.memory_space<semaphore_mem>>, %arg12: memref<!tpu.dma_semaphore, #tpu.memory_space<semaphore_mem>>) attributes {dimension_semantics = [#tpu.dimension_semantics<core_parallel>, #tpu.dimension_semantics<subcore_parallel>], iteration_bounds = array<i64: 2, 16>, scalar_prefetch = 0 : i64, scratch_operands = 6 : i64, tpu.core_type = #tpu.core_type<sc_vector_subcore>, window_params = [{transform_indices = #map}, {transform_indices = #map}, {transform_indices = #map1}, {transform_indices = #map1}, {transform_indices = #map}]} {
    %mul3A = arith.constant 2 : i32
    %mul3A_0 = arith.muli %arg1, %mul3A : i32
    %add3A = arith.addi %mul3A_0, %arg0 : i32
    %scan3A = arith.constant 0 : i32
    %scan3A_1 = arith.constant 0 : i32
    %scan3A_2 = arith.constant 125 : i32
    %scan3A_3 = arith.addi %scan3A_1, %scan3A_2 : i32
    %scan3A_4 = arith.constant 1 : i32
    scf.for %scan3A_6 = %scan3A_1 to %scan3A_3 step %scan3A_4  : i32 {
      %mul3A_7 = arith.constant 100000 : i32
      %mul3A_8 = arith.muli %add3A, %mul3A_7 : i32
      %mul3A_9 = arith.constant 800 : i32
      %mul3A_10 = arith.muli %scan3A_6, %mul3A_9 : i32
      %add3A_11 = arith.addi %mul3A_8, %mul3A_10 : i32
      "tpu.region"() ({
        %run_scoped3A = tpu.sem_alloc : memref<!tpu.dma_semaphore, #tpu.memory_space<semaphore_mem>>
        %dma_start3A_28 = tpu.memref_slice %arg4[%add3A_11] : memref<3200000xi32, #tpu.memory_space<hbm>> -> memref<800xi32, #tpu.memory_space<hbm>>
        %dma_start3A_29 = tpu.memref_slice %arg4[%add3A_11] : memref<3200000xi32, #tpu.memory_space<hbm>> -> memref<800xi32, #tpu.memory_space<hbm>>
        tpu.enqueue_dma source(%dma_start3A_29 : memref<800xi32, #tpu.memory_space<hbm>>) target(%arg7 : memref<800xi32, #tpu.memory_space<vmem>>) target_semaphore(%run_scoped3A : memref<!tpu.dma_semaphore, #tpu.memory_space<semaphore_mem>>)
        %dma_wait3A_30 = tpu.memref_slice %arg4[%add3A_11] : memref<3200000xi32, #tpu.memory_space<hbm>> -> memref<800xi32, #tpu.memory_space<hbm>>
        %dma_wait3A_31 = tpu.memref_slice %arg4[%add3A_11] : memref<3200000xi32, #tpu.memory_space<hbm>> -> memref<800xi32, #tpu.memory_space<hbm>>
        tpu.wait_dma2 semaphore(%run_scoped3A : memref<!tpu.dma_semaphore, #tpu.memory_space<semaphore_mem>>) src(%dma_wait3A_31 : memref<800xi32, #tpu.memory_space<hbm>>) dst(%arg7 : memref<800xi32, #tpu.memory_space<vmem>>)
        tpu.yield
      }) : () -> ()
      "tpu.region"() ({
        %run_scoped3A = tpu.sem_alloc : memref<!tpu.dma_semaphore, #tpu.memory_space<semaphore_mem>>
        %dma_start3A_28 = tpu.memref_slice %arg5[%add3A_11] : memref<3200000xi32, #tpu.memory_space<hbm>> -> memref<800xi32, #tpu.memory_space<hbm>>
        %dma_start3A_29 = tpu.memref_slice %arg5[%add3A_11] : memref<3200000xi32, #tpu.memory_space<hbm>> -> memref<800xi32, #tpu.memory_space<hbm>>
        tpu.enqueue_dma source(%dma_start3A_29 : memref<800xi32, #tpu.memory_space<hbm>>) target(%arg8 : memref<800xi32, #tpu.memory_space<vmem>>) target_semaphore(%run_scoped3A : memref<!tpu.dma_semaphore, #tpu.memory_space<semaphore_mem>>)
        %dma_wait3A_30 = tpu.memref_slice %arg5[%add3A_11] : memref<3200000xi32, #tpu.memory_space<hbm>> -> memref<800xi32, #tpu.memory_space<hbm>>
        %dma_wait3A_31 = tpu.memref_slice %arg5[%add3A_11] : memref<3200000xi32, #tpu.memory_space<hbm>> -> memref<800xi32, #tpu.memory_space<hbm>>
        tpu.wait_dma2 semaphore(%run_scoped3A : memref<!tpu.dma_semaphore, #tpu.memory_space<semaphore_mem>>) src(%dma_wait3A_31 : memref<800xi32, #tpu.memory_space<hbm>>) dst(%arg8 : memref<800xi32, #tpu.memory_space<vmem>>)
        tpu.yield
      }) : () -> ()
      %dma_start3A = arith.constant 0 : i32
      %dma_start3A_12 = arith.constant 0 : i32
      %dma_start3A_13 = tpu.memref_slice %arg2[%dma_start3A, %dma_start3A_12] : memref<100000x48xf32, #tpu.memory_space<hbm>> -> memref<100000x48xf32, #tpu.memory_space<hbm>>
      tpu.enqueue_indirect_dma source(%dma_start3A_13 : memref<100000x48xf32, #tpu.memory_space<hbm>>) target(%arg9 : memref<800x48xf32, #tpu.memory_space<vmem>>) offsets(%arg7 : memref<800xi32, #tpu.memory_space<vmem>>) semaphore(%arg11 : memref<!tpu.dma_semaphore, #tpu.memory_space<semaphore_mem>>)
      %dma_start3A_14 = arith.constant 0 : i32
      %dma_start3A_15 = arith.constant 0 : i32
      %dma_start3A_16 = tpu.memref_slice %arg3[%dma_start3A_14, %dma_start3A_15] : memref<100000x48xf32, #tpu.memory_space<hbm>> -> memref<100000x48xf32, #tpu.memory_space<hbm>>
      tpu.enqueue_indirect_dma source(%dma_start3A_16 : memref<100000x48xf32, #tpu.memory_space<hbm>>) target(%arg10 : memref<800x48xf32, #tpu.memory_space<vmem>>) offsets(%arg8 : memref<800xi32, #tpu.memory_space<vmem>>) semaphore(%arg12 : memref<!tpu.dma_semaphore, #tpu.memory_space<semaphore_mem>>)
      %dma_wait3A = arith.constant 0 : i32
      %dma_wait3A_17 = arith.constant 0 : i32
      %dma_wait3A_18 = tpu.memref_slice %arg2[%dma_wait3A, %dma_wait3A_17] : memref<100000x48xf32, #tpu.memory_space<hbm>> -> memref<100000x48xf32, #tpu.memory_space<hbm>>
      tpu.wait_indirect_dma semaphore(%arg11 : memref<!tpu.dma_semaphore, #tpu.memory_space<semaphore_mem>>) src(%dma_wait3A_18 : memref<100000x48xf32, #tpu.memory_space<hbm>>) dst(%arg9 : memref<800x48xf32, #tpu.memory_space<vmem>>)
      %dma_wait3A_19 = arith.constant 0 : i32
      %dma_wait3A_20 = arith.constant 0 : i32
      %dma_wait3A_21 = tpu.memref_slice %arg3[%dma_wait3A_19, %dma_wait3A_20] : memref<100000x48xf32, #tpu.memory_space<hbm>> -> memref<100000x48xf32, #tpu.memory_space<hbm>>
      tpu.wait_indirect_dma semaphore(%arg12 : memref<!tpu.dma_semaphore, #tpu.memory_space<semaphore_mem>>) src(%dma_wait3A_21 : memref<100000x48xf32, #tpu.memory_space<hbm>>) dst(%arg10 : memref<800x48xf32, #tpu.memory_space<vmem>>)
      %scan3A_22 = arith.constant 0 : i32
      %scan3A_23 = arith.constant 0 : i32
      %scan3A_24 = arith.constant 800 : i32
      %scan3A_25 = arith.addi %scan3A_23, %scan3A_24 : i32
      %scan3A_26 = arith.constant 1 : i32
      scf.for %scan3A_28 = %scan3A_23 to %scan3A_25 step %scan3A_26  : i32 {
        %get3A = arith.index_cast %scan3A_28 : i32 to index
        %get3A_29 = arith.constant 0 : index
        %get3A_30 = tpu.vector_load %arg9[%get3A, %get3A_29] {strides = array<i32>} : memref<800x48xf32, #tpu.memory_space<vmem>>, vector<1x16xf32>,
        %get3A_31 = vector.shape_cast %get3A_30 : vector<1x16xf32> to vector<16xf32>
        %get3A_32 = arith.index_cast %scan3A_28 : i32 to index
        %get3A_33 = arith.constant 0 : index
        %get3A_34 = tpu.vector_load %arg10[%get3A_32, %get3A_33] {strides = array<i32>} : memref<800x48xf32, #tpu.memory_space<vmem>>, vector<1x16xf32>,
        %get3A_35 = vector.shape_cast %get3A_34 : vector<1x16xf32> to vector<16xf32>
        %add3A_36 = arith.addf %get3A_31, %get3A_35 : vector<16xf32>
        %swap3A = arith.index_cast %scan3A_28 : i32 to index
        %swap3A_37 = arith.constant 0 : index
        %swap3A_38 = tpu.vector_load %arg9[%swap3A, %swap3A_37] {strides = array<i32>} : memref<800x48xf32, #tpu.memory_space<vmem>>, vector<1x16xf32>,
        %swap3A_39 = vector.shape_cast %swap3A_38 : vector<1x16xf32> to vector<16xf32>
        %swap3A_40 = vector.shape_cast %add3A_36 : vector<16xf32> to vector<1x16xf32>
        tpu.vector_store %arg9[%swap3A, %swap3A_37], %swap3A_40 {strides = array<i32>} : memref<800x48xf32, #tpu.memory_space<vmem>>, vector<1x16xf32>,
        %get3A_41 = arith.index_cast %scan3A_28 : i32 to index
        %get3A_42 = arith.constant 16 : index
        %get3A_43 = tpu.vector_load %arg9[%get3A_41, %get3A_42] {strides = array<i32>} : memref<800x48xf32, #tpu.memory_space<vmem>>, vector<1x16xf32>,
        %get3A_44 = vector.shape_cast %get3A_43 : vector<1x16xf32> to vector<16xf32>
        %get3A_45 = arith.index_cast %scan3A_28 : i32 to index
        %get3A_46 = arith.constant 16 : index
        %get3A_47 = tpu.vector_load %arg10[%get3A_45, %get3A_46] {strides = array<i32>} : memref<800x48xf32, #tpu.memory_space<vmem>>, vector<1x16xf32>,
        %get3A_48 = vector.shape_cast %get3A_47 : vector<1x16xf32> to vector<16xf32>
        %add3A_49 = arith.addf %get3A_44, %get3A_48 : vector<16xf32>
        %swap3A_50 = arith.index_cast %scan3A_28 : i32 to index
        %swap3A_51 = arith.constant 16 : index
        %swap3A_52 = tpu.vector_load %arg9[%swap3A_50, %swap3A_51] {strides = array<i32>} : memref<800x48xf32, #tpu.memory_space<vmem>>, vector<1x16xf32>,
        %swap3A_53 = vector.shape_cast %swap3A_52 : vector<1x16xf32> to vector<16xf32>
        %swap3A_54 = vector.shape_cast %add3A_49 : vector<16xf32> to vector<1x16xf32>
        tpu.vector_store %arg9[%swap3A_50, %swap3A_51], %swap3A_54 {strides = array<i32>} : memref<800x48xf32, #tpu.memory_space<vmem>>, vector<1x16xf32>,
        %get3A_55 = arith.index_cast %scan3A_28 : i32 to index
        %get3A_56 = arith.constant 32 : index
        %get3A_57 = tpu.vector_load %arg9[%get3A_55, %get3A_56] {strides = array<i32>} : memref<800x48xf32, #tpu.memory_space<vmem>>, vector<1x16xf32>,
        %get3A_58 = vector.shape_cast %get3A_57 : vector<1x16xf32> to vector<16xf32>
        %get3A_59 = arith.index_cast %scan3A_28 : i32 to index
        %get3A_60 = arith.constant 32 : index
        %get3A_61 = tpu.vector_load %arg10[%get3A_59, %get3A_60] {strides = array<i32>} : memref<800x48xf32, #tpu.memory_space<vmem>>, vector<1x16xf32>,
        %get3A_62 = vector.shape_cast %get3A_61 : vector<1x16xf32> to vector<16xf32>
        %add3A_63 = arith.addf %get3A_58, %get3A_62 : vector<16xf32>
        %swap3A_64 = arith.index_cast %scan3A_28 : i32 to index
        %swap3A_65 = arith.constant 32 : index
        %swap3A_66 = tpu.vector_load %arg9[%swap3A_64, %swap3A_65] {strides = array<i32>} : memref<800x48xf32, #tpu.memory_space<vmem>>, vector<1x16xf32>,
        %swap3A_67 = vector.shape_cast %swap3A_66 : vector<1x16xf32> to vector<16xf32>
        %swap3A_68 = vector.shape_cast %add3A_63 : vector<16xf32> to vector<1x16xf32>
        tpu.vector_store %arg9[%swap3A_64, %swap3A_65], %swap3A_68 {strides = array<i32>} : memref<800x48xf32, #tpu.memory_space<vmem>>, vector<1x16xf32>,
      }
      %scan3A_27 = arith.constant 800 : i32
      "tpu.region"() ({
        %run_scoped3A = tpu.sem_alloc : memref<!tpu.dma_semaphore, #tpu.memory_space<semaphore_mem>>
        %dma_start3A_28 = arith.constant 0 : i32
        %dma_start3A_29 = tpu.memref_slice %arg6[%add3A_11, %dma_start3A_28] : memref<3200000x48xf32, #tpu.memory_space<hbm>> -> memref<800x48xf32, #tpu.memory_space<hbm>>
        %dma_start3A_30 = arith.constant 0 : i32
        %dma_start3A_31 = tpu.memref_slice %arg6[%add3A_11, %dma_start3A_30] : memref<3200000x48xf32, #tpu.memory_space<hbm>> -> memref<800x48xf32, #tpu.memory_space<hbm>>
        tpu.enqueue_dma source(%arg9 : memref<800x48xf32, #tpu.memory_space<vmem>>) target(%dma_start3A_31 : memref<800x48xf32, #tpu.memory_space<hbm>>) target_semaphore(%run_scoped3A : memref<!tpu.dma_semaphore, #tpu.memory_space<semaphore_mem>>)
        %dma_wait3A_32 = arith.constant 0 : i32
        %dma_wait3A_33 = tpu.memref_slice %arg6[%add3A_11, %dma_wait3A_32] : memref<3200000x48xf32, #tpu.memory_space<hbm>> -> memref<800x48xf32, #tpu.memory_space<hbm>>
        %dma_wait3A_34 = arith.constant 0 : i32
        %dma_wait3A_35 = tpu.memref_slice %arg6[%add3A_11, %dma_wait3A_34] : memref<3200000x48xf32, #tpu.memory_space<hbm>> -> memref<800x48xf32, #tpu.memory_space<hbm>>
        tpu.wait_dma2 semaphore(%run_scoped3A : memref<!tpu.dma_semaphore, #tpu.memory_space<semaphore_mem>>) src(%arg9 : memref<800x48xf32, #tpu.memory_space<vmem>>) dst(%dma_wait3A_35 : memref<800x48xf32, #tpu.memory_space<hbm>>)
        tpu.yield
      }) : () -> ()
    }
    %scan3A_5 = arith.constant 125 : i32
    return
  }
}

#map = affine_map<(d0, d1) -> (0, 0)>
#map1 = affine_map<(d0, d1) -> (0)>
module attributes {stable_mosaic.version = 14 : i64} {
  func.func @_scatter_body(%arg0: i32, %arg1: i32, %arg2: memref<3200000x16xf32, #tpu.memory_space<hbm>>, %arg3: memref<3200000x16xf32, #tpu.memory_space<hbm>>, %arg4: memref<3200000xi32, #tpu.memory_space<hbm>>, %arg5: memref<100000x16xf32, #tpu.memory_space<hbm>>, %arg6: memref<100000x16xf32, #tpu.memory_space<hbm>>, %arg7: memref<800xi32, #tpu.memory_space<vmem>>, %arg8: memref<800x16xf32, #tpu.memory_space<vmem>>, %arg9: memref<625x16xf32, #tpu.memory_space<vmem>>, %arg10: memref<100000x16xf32, #tpu.memory_space<vmem_shared>>) attributes {dimension_semantics = [#tpu.dimension_semantics<core_parallel>, #tpu.dimension_semantics<subcore_parallel>], iteration_bounds = array<i64: 2, 16>, scalar_prefetch = 0 : i64, scratch_operands = 4 : i64, tpu.core_type = #tpu.core_type<sc_vector_subcore>, window_params = [{transform_indices = #map}, {transform_indices = #map}, {transform_indices = #map1}, {transform_indices = #map}, {transform_indices = #map}]} {
    %scan3A = arith.constant 0 : i32
    %scan3A_0 = arith.constant 0 : i32
    %scan3A_1 = arith.constant 625 : i32
    %scan3A_2 = arith.addi %scan3A_0, %scan3A_1 : i32
    %scan3A_3 = arith.constant 1 : i32
    scf.for %scan3A_24 = %scan3A_0 to %scan3A_2 step %scan3A_3  : i32 {
      %broadcast_in_dim3A = arith.constant 0.000000e+00 : f32
      %broadcast_in_dim3A_25 = vector.broadcast %broadcast_in_dim3A : f32 to vector<16xf32>
      %swap3A = arith.index_cast %scan3A_24 : i32 to index
      %swap3A_26 = arith.constant 0 : index
      %swap3A_27 = tpu.vector_load %arg9[%swap3A, %swap3A_26] {strides = array<i32>} : memref<625x16xf32, #tpu.memory_space<vmem>>, vector<1x16xf32>,
      %swap3A_28 = vector.shape_cast %swap3A_27 : vector<1x16xf32> to vector<16xf32>
      %swap3A_29 = vector.shape_cast %broadcast_in_dim3A_25 : vector<16xf32> to vector<1x16xf32>
      tpu.vector_store %arg9[%swap3A, %swap3A_26], %swap3A_29 {strides = array<i32>} : memref<625x16xf32, #tpu.memory_space<vmem>>, vector<1x16xf32>,
    }
    %scan3A_4 = arith.constant 625 : i32
    %scan3A_5 = arith.constant 0 : i32
    %scan3A_6 = arith.constant 0 : i32
    %scan3A_7 = arith.constant 10 : i32
    %scan3A_8 = arith.addi %scan3A_6, %scan3A_7 : i32
    %scan3A_9 = arith.constant 1 : i32
    scf.for %scan3A_24 = %scan3A_6 to %scan3A_8 step %scan3A_9  : i32 {
      %mul3A = arith.constant 6250 : i32
      %mul3A_25 = arith.muli %arg1, %mul3A : i32
      %mul3A_26 = arith.constant 625 : i32
      %mul3A_27 = arith.muli %scan3A_24, %mul3A_26 : i32
      %add3A = arith.addi %mul3A_25, %mul3A_27 : i32
      "tpu.region"() ({
        %run_scoped3A = tpu.sem_alloc : memref<!tpu.dma_semaphore, #tpu.memory_space<semaphore_mem>>
        %dma_start3A = arith.constant 0 : i32
        %dma_start3A_28 = tpu.memref_slice %arg10[%add3A, %dma_start3A] : memref<100000x16xf32, #tpu.memory_space<vmem_shared>> -> memref<625x16xf32, #tpu.memory_space<vmem_shared>>
        %dma_start3A_29 = arith.constant 0 : i32
        %dma_start3A_30 = tpu.memref_slice %arg10[%add3A, %dma_start3A_29] : memref<100000x16xf32, #tpu.memory_space<vmem_shared>> -> memref<625x16xf32, #tpu.memory_space<vmem_shared>>
        tpu.enqueue_dma source(%arg9 : memref<625x16xf32, #tpu.memory_space<vmem>>) target(%dma_start3A_30 : memref<625x16xf32, #tpu.memory_space<vmem_shared>>) target_semaphore(%run_scoped3A : memref<!tpu.dma_semaphore, #tpu.memory_space<semaphore_mem>>)
        %dma_wait3A = arith.constant 0 : i32
        %dma_wait3A_31 = tpu.memref_slice %arg10[%add3A, %dma_wait3A] : memref<100000x16xf32, #tpu.memory_space<vmem_shared>> -> memref<625x16xf32, #tpu.memory_space<vmem_shared>>
        %dma_wait3A_32 = arith.constant 0 : i32
        %dma_wait3A_33 = tpu.memref_slice %arg10[%add3A, %dma_wait3A_32] : memref<100000x16xf32, #tpu.memory_space<vmem_shared>> -> memref<625x16xf32, #tpu.memory_space<vmem_shared>>
        tpu.wait_dma2 semaphore(%run_scoped3A : memref<!tpu.dma_semaphore, #tpu.memory_space<semaphore_mem>>) src(%arg9 : memref<625x16xf32, #tpu.memory_space<vmem>>) dst(%dma_wait3A_33 : memref<625x16xf32, #tpu.memory_space<vmem_shared>>)
        tpu.yield
      }) : () -> ()
    }
    %scan3A_10 = arith.constant 10 : i32
    %barrier3A = arith.constant 0 : index
    tpu.barrier barrier_id(%barrier3A)
    %scan3A_11 = arith.constant 0 : i32
    %scan3A_12 = arith.constant 0 : i32
    %scan3A_13 = arith.constant 250 : i32
    %scan3A_14 = arith.addi %scan3A_12, %scan3A_13 : i32
    %scan3A_15 = arith.constant 1 : i32
    scf.for %scan3A_24 = %scan3A_12 to %scan3A_14 step %scan3A_15  : i32 {
      %mul3A = arith.constant 200000 : i32
      %mul3A_25 = arith.muli %arg1, %mul3A : i32
      %mul3A_26 = arith.constant 800 : i32
      %mul3A_27 = arith.muli %scan3A_24, %mul3A_26 : i32
      %add3A = arith.addi %mul3A_25, %mul3A_27 : i32
      "tpu.region"() ({
        %run_scoped3A = tpu.sem_alloc : memref<!tpu.dma_semaphore, #tpu.memory_space<semaphore_mem>>
        %dma_start3A = tpu.memref_slice %arg4[%add3A] : memref<3200000xi32, #tpu.memory_space<hbm>> -> memref<800xi32, #tpu.memory_space<hbm>>
        %dma_start3A_35 = tpu.memref_slice %arg4[%add3A] : memref<3200000xi32, #tpu.memory_space<hbm>> -> memref<800xi32, #tpu.memory_space<hbm>>
        tpu.enqueue_dma source(%dma_start3A_35 : memref<800xi32, #tpu.memory_space<hbm>>) target(%arg7 : memref<800xi32, #tpu.memory_space<vmem>>) target_semaphore(%run_scoped3A : memref<!tpu.dma_semaphore, #tpu.memory_space<semaphore_mem>>)
        %dma_wait3A = tpu.memref_slice %arg4[%add3A] : memref<3200000xi32, #tpu.memory_space<hbm>> -> memref<800xi32, #tpu.memory_space<hbm>>
        %dma_wait3A_36 = tpu.memref_slice %arg4[%add3A] : memref<3200000xi32, #tpu.memory_space<hbm>> -> memref<800xi32, #tpu.memory_space<hbm>>
        tpu.wait_dma2 semaphore(%run_scoped3A : memref<!tpu.dma_semaphore, #tpu.memory_space<semaphore_mem>>) src(%dma_wait3A_36 : memref<800xi32, #tpu.memory_space<hbm>>) dst(%arg7 : memref<800xi32, #tpu.memory_space<vmem>>)
        tpu.yield
      }) : () -> ()
      %eq3A = arith.constant 0 : i32
      %eq3A_28 = arith.cmpi eq, %arg0, %eq3A : i32
      %convert_element_type3A = arith.extui %eq3A_28 : i1 to i32
      %cond3A = arith.constant 0 : i32
      %cond3A_29 = arith.cmpi ne, %convert_element_type3A, %cond3A : i32
      scf.if %cond3A_29 {
        "tpu.region"() ({
          %run_scoped3A = tpu.sem_alloc : memref<!tpu.dma_semaphore, #tpu.memory_space<semaphore_mem>>
          %dma_start3A = arith.constant 0 : i32
          %dma_start3A_35 = tpu.memref_slice %arg2[%add3A, %dma_start3A] : memref<3200000x16xf32, #tpu.memory_space<hbm>> -> memref<800x16xf32, #tpu.memory_space<hbm>>
          %dma_start3A_36 = arith.constant 0 : i32
          %dma_start3A_37 = tpu.memref_slice %arg2[%add3A, %dma_start3A_36] : memref<3200000x16xf32, #tpu.memory_space<hbm>> -> memref<800x16xf32, #tpu.memory_space<hbm>>
          tpu.enqueue_dma source(%dma_start3A_37 : memref<800x16xf32, #tpu.memory_space<hbm>>) target(%arg8 : memref<800x16xf32, #tpu.memory_space<vmem>>) target_semaphore(%run_scoped3A : memref<!tpu.dma_semaphore, #tpu.memory_space<semaphore_mem>>)
          %dma_wait3A = arith.constant 0 : i32
          %dma_wait3A_38 = tpu.memref_slice %arg2[%add3A, %dma_wait3A] : memref<3200000x16xf32, #tpu.memory_space<hbm>> -> memref<800x16xf32, #tpu.memory_space<hbm>>
          %dma_wait3A_39 = arith.constant 0 : i32
          %dma_wait3A_40 = tpu.memref_slice %arg2[%add3A, %dma_wait3A_39] : memref<3200000x16xf32, #tpu.memory_space<hbm>> -> memref<800x16xf32, #tpu.memory_space<hbm>>
          tpu.wait_dma2 semaphore(%run_scoped3A : memref<!tpu.dma_semaphore, #tpu.memory_space<semaphore_mem>>) src(%dma_wait3A_40 : memref<800x16xf32, #tpu.memory_space<hbm>>) dst(%arg8 : memref<800x16xf32, #tpu.memory_space<vmem>>)
          tpu.yield
        }) : () -> ()
      } else {
      }
      %eq3A_30 = arith.constant 1 : i32
      %eq3A_31 = arith.cmpi eq, %arg0, %eq3A_30 : i32
      %convert_element_type3A_32 = arith.extui %eq3A_31 : i1 to i32
      %cond3A_33 = arith.constant 0 : i32
      %cond3A_34 = arith.cmpi ne, %convert_element_type3A_32, %cond3A_33 : i32
      scf.if %cond3A_34 {
        "tpu.region"() ({
          %run_scoped3A = tpu.sem_alloc : memref<!tpu.dma_semaphore, #tpu.memory_space<semaphore_mem>>
          %dma_start3A = arith.constant 0 : i32
          %dma_start3A_35 = tpu.memref_slice %arg3[%add3A, %dma_start3A] : memref<3200000x16xf32, #tpu.memory_space<hbm>> -> memref<800x16xf32, #tpu.memory_space<hbm>>
          %dma_start3A_36 = arith.constant 0 : i32
          %dma_start3A_37 = tpu.memref_slice %arg3[%add3A, %dma_start3A_36] : memref<3200000x16xf32, #tpu.memory_space<hbm>> -> memref<800x16xf32, #tpu.memory_space<hbm>>
          tpu.enqueue_dma source(%dma_start3A_37 : memref<800x16xf32, #tpu.memory_space<hbm>>) target(%arg8 : memref<800x16xf32, #tpu.memory_space<vmem>>) target_semaphore(%run_scoped3A : memref<!tpu.dma_semaphore, #tpu.memory_space<semaphore_mem>>)
          %dma_wait3A = arith.constant 0 : i32
          %dma_wait3A_38 = tpu.memref_slice %arg3[%add3A, %dma_wait3A] : memref<3200000x16xf32, #tpu.memory_space<hbm>> -> memref<800x16xf32, #tpu.memory_space<hbm>>
          %dma_wait3A_39 = arith.constant 0 : i32
          %dma_wait3A_40 = tpu.memref_slice %arg3[%add3A, %dma_wait3A_39] : memref<3200000x16xf32, #tpu.memory_space<hbm>> -> memref<800x16xf32, #tpu.memory_space<hbm>>
          tpu.wait_dma2 semaphore(%run_scoped3A : memref<!tpu.dma_semaphore, #tpu.memory_space<semaphore_mem>>) src(%dma_wait3A_40 : memref<800x16xf32, #tpu.memory_space<hbm>>) dst(%arg8 : memref<800x16xf32, #tpu.memory_space<vmem>>)
          tpu.yield
        }) : () -> ()
      } else {
      }
      "tpu.region"() ({
        %run_scoped3A = tpu.sem_alloc : memref<!tpu.dma_semaphore, #tpu.memory_space<semaphore_mem>>
        %dma_start3A = arith.constant 0 : i32
        %dma_start3A_35 = arith.constant 0 : i32
        %dma_start3A_36 = tpu.memref_slice %arg10[%dma_start3A, %dma_start3A_35] : memref<100000x16xf32, #tpu.memory_space<vmem_shared>> -> memref<100000x16xf32, #tpu.memory_space<vmem_shared>>
        tpu.enqueue_indirect_dma source(%arg8 : memref<800x16xf32, #tpu.memory_space<vmem>>) target(%dma_start3A_36 : memref<100000x16xf32, #tpu.memory_space<vmem_shared>>) offsets(%arg7 : memref<800xi32, #tpu.memory_space<vmem>>) semaphore(%run_scoped3A : memref<!tpu.dma_semaphore, #tpu.memory_space<semaphore_mem>>) {add = true}
        %dma_wait3A = arith.constant 0 : i32
        %dma_wait3A_37 = arith.constant 0 : i32
        %dma_wait3A_38 = tpu.memref_slice %arg10[%dma_wait3A, %dma_wait3A_37] : memref<100000x16xf32, #tpu.memory_space<vmem_shared>> -> memref<100000x16xf32, #tpu.memory_space<vmem_shared>>
        tpu.wait_indirect_dma semaphore(%run_scoped3A : memref<!tpu.dma_semaphore, #tpu.memory_space<semaphore_mem>>) src(%arg8 : memref<800x16xf32, #tpu.memory_space<vmem>>) dst(%dma_wait3A_38 : memref<100000x16xf32, #tpu.memory_space<vmem_shared>>)
        tpu.yield
      }) : () -> ()
    }
    %scan3A_16 = arith.constant 250 : i32
    %barrier3A_17 = arith.constant 0 : index
    tpu.barrier barrier_id(%barrier3A_17)
    %scan3A_18 = arith.constant 0 : i32
    %scan3A_19 = arith.constant 0 : i32
    %scan3A_20 = arith.constant 10 : i32
    %scan3A_21 = arith.addi %scan3A_19, %scan3A_20 : i32
    %scan3A_22 = arith.constant 1 : i32
    scf.for %scan3A_24 = %scan3A_19 to %scan3A_21 step %scan3A_22  : i32 {
      %mul3A = arith.constant 6250 : i32
      %mul3A_25 = arith.muli %arg1, %mul3A : i32
      %mul3A_26 = arith.constant 625 : i32
      %mul3A_27 = arith.muli %scan3A_24, %mul3A_26 : i32
      %add3A = arith.addi %mul3A_25, %mul3A_27 : i32
      %eq3A = arith.constant 0 : i32
      %eq3A_28 = arith.cmpi eq, %arg0, %eq3A : i32
      %convert_element_type3A = arith.extui %eq3A_28 : i1 to i32
      %cond3A = arith.constant 0 : i32
      %cond3A_29 = arith.cmpi ne, %convert_element_type3A, %cond3A : i32
      scf.if %cond3A_29 {
        "tpu.region"() ({
          %run_scoped3A = tpu.sem_alloc : memref<!tpu.dma_semaphore, #tpu.memory_space<semaphore_mem>>
          %dma_start3A = arith.constant 0 : i32
          %dma_start3A_35 = tpu.memref_slice %arg5[%add3A, %dma_start3A] : memref<100000x16xf32, #tpu.memory_space<hbm>> -> memref<625x16xf32, #tpu.memory_space<hbm>>
          %dma_start3A_36 = arith.constant 0 : i32
          %dma_start3A_37 = tpu.memref_slice %arg10[%add3A, %dma_start3A_36] : memref<100000x16xf32, #tpu.memory_space<vmem_shared>> -> memref<625x16xf32, #tpu.memory_space<vmem_shared>>
          tpu.enqueue_dma source(%dma_start3A_37 : memref<625x16xf32, #tpu.memory_space<vmem_shared>>) target(%dma_start3A_35 : memref<625x16xf32, #tpu.memory_space<hbm>>) target_semaphore(%run_scoped3A : memref<!tpu.dma_semaphore, #tpu.memory_space<semaphore_mem>>)
          %dma_wait3A = arith.constant 0 : i32
          %dma_wait3A_38 = tpu.memref_slice %arg5[%add3A, %dma_wait3A] : memref<100000x16xf32, #tpu.memory_space<hbm>> -> memref<625x16xf32, #tpu.memory_space<hbm>>
          %dma_wait3A_39 = arith.constant 0 : i32
          %dma_wait3A_40 = tpu.memref_slice %arg10[%add3A, %dma_wait3A_39] : memref<100000x16xf32, #tpu.memory_space<vmem_shared>> -> memref<625x16xf32, #tpu.memory_space<vmem_shared>>
          tpu.wait_dma2 semaphore(%run_scoped3A : memref<!tpu.dma_semaphore, #tpu.memory_space<semaphore_mem>>) src(%dma_wait3A_40 : memref<625x16xf32, #tpu.memory_space<vmem_shared>>) dst(%dma_wait3A_38 : memref<625x16xf32, #tpu.memory_space<hbm>>)
          tpu.yield
        }) : () -> ()
      } else {
      }
      %eq3A_30 = arith.constant 1 : i32
      %eq3A_31 = arith.cmpi eq, %arg0, %eq3A_30 : i32
      %convert_element_type3A_32 = arith.extui %eq3A_31 : i1 to i32
      %cond3A_33 = arith.constant 0 : i32
      %cond3A_34 = arith.cmpi ne, %convert_element_type3A_32, %cond3A_33 : i32
      scf.if %cond3A_34 {
        "tpu.region"() ({
          %run_scoped3A = tpu.sem_alloc : memref<!tpu.dma_semaphore, #tpu.memory_space<semaphore_mem>>
          %dma_start3A = arith.constant 0 : i32
          %dma_start3A_35 = tpu.memref_slice %arg6[%add3A, %dma_start3A] : memref<100000x16xf32, #tpu.memory_space<hbm>> -> memref<625x16xf32, #tpu.memory_space<hbm>>
          %dma_start3A_36 = arith.constant 0 : i32
          %dma_start3A_37 = tpu.memref_slice %arg10[%add3A, %dma_start3A_36] : memref<100000x16xf32, #tpu.memory_space<vmem_shared>> -> memref<625x16xf32, #tpu.memory_space<vmem_shared>>
          tpu.enqueue_dma source(%dma_start3A_37 : memref<625x16xf32, #tpu.memory_space<vmem_shared>>) target(%dma_start3A_35 : memref<625x16xf32, #tpu.memory_space<hbm>>) target_semaphore(%run_scoped3A : memref<!tpu.dma_semaphore, #tpu.memory_space<semaphore_mem>>)
          %dma_wait3A = arith.constant 0 : i32
          %dma_wait3A_38 = tpu.memref_slice %arg6[%add3A, %dma_wait3A] : memref<100000x16xf32, #tpu.memory_space<hbm>> -> memref<625x16xf32, #tpu.memory_space<hbm>>
          %dma_wait3A_39 = arith.constant 0 : i32
          %dma_wait3A_40 = tpu.memref_slice %arg10[%add3A, %dma_wait3A_39] : memref<100000x16xf32, #tpu.memory_space<vmem_shared>> -> memref<625x16xf32, #tpu.memory_space<vmem_shared>>
          tpu.wait_dma2 semaphore(%run_scoped3A : memref<!tpu.dma_semaphore, #tpu.memory_space<semaphore_mem>>) src(%dma_wait3A_40 : memref<625x16xf32, #tpu.memory_space<vmem_shared>>) dst(%dma_wait3A_38 : memref<625x16xf32, #tpu.memory_space<hbm>>)
          tpu.yield
        }) : () -> ()
      } else {
      }
    }
    %scan3A_23 = arith.constant 10 : i32
    return
  }
}

#map = affine_map<(d0, d1) -> (0, 0)>
#map1 = affine_map<(d0, d1) -> (0)>
module attributes {stable_mosaic.version = 14 : i64} {
  func.func @_gather_body(%arg0: i32, %arg1: i32, %arg2: memref<100000x48xf32, #tpu.memory_space<hbm>>, %arg3: memref<100000x48xf32, #tpu.memory_space<hbm>>, %arg4: memref<3200000xi32, #tpu.memory_space<hbm>>, %arg5: memref<3200000xi32, #tpu.memory_space<hbm>>, %arg6: memref<3200000x48xf32, #tpu.memory_space<hbm>>, %arg7: memref<800xi32, #tpu.memory_space<vmem>>, %arg8: memref<800xi32, #tpu.memory_space<vmem>>, %arg9: memref<800x48xf32, #tpu.memory_space<vmem>>, %arg10: memref<800x48xf32, #tpu.memory_space<vmem>>, %arg11: memref<!tpu.dma_semaphore, #tpu.memory_space<semaphore_mem>>, %arg12: memref<!tpu.dma_semaphore, #tpu.memory_space<semaphore_mem>>) attributes {dimension_semantics = [#tpu.dimension_semantics<core_parallel>, #tpu.dimension_semantics<subcore_parallel>], iteration_bounds = array<i64: 2, 16>, scalar_prefetch = 0 : i64, scratch_operands = 6 : i64, tpu.core_type = #tpu.core_type<sc_vector_subcore>, window_params = [{transform_indices = #map}, {transform_indices = #map}, {transform_indices = #map1}, {transform_indices = #map1}, {transform_indices = #map}]} {
    %mul3A = arith.constant 2 : i32
    %mul3A_0 = arith.muli %arg1, %mul3A : i32
    %add3A = arith.addi %mul3A_0, %arg0 : i32
    %scan3A = arith.constant 0 : i32
    %scan3A_1 = arith.constant 0 : i32
    %scan3A_2 = arith.constant 125 : i32
    %scan3A_3 = arith.addi %scan3A_1, %scan3A_2 : i32
    %scan3A_4 = arith.constant 1 : i32
    scf.for %scan3A_6 = %scan3A_1 to %scan3A_3 step %scan3A_4  : i32 {
      %mul3A_7 = arith.constant 100000 : i32
      %mul3A_8 = arith.muli %add3A, %mul3A_7 : i32
      %mul3A_9 = arith.constant 800 : i32
      %mul3A_10 = arith.muli %scan3A_6, %mul3A_9 : i32
      %add3A_11 = arith.addi %mul3A_8, %mul3A_10 : i32
      "tpu.region"() ({
        %run_scoped3A = tpu.sem_alloc : memref<!tpu.dma_semaphore, #tpu.memory_space<semaphore_mem>>
        %dma_start3A_28 = tpu.memref_slice %arg4[%add3A_11] : memref<3200000xi32, #tpu.memory_space<hbm>> -> memref<800xi32, #tpu.memory_space<hbm>>
        %dma_start3A_29 = tpu.memref_slice %arg4[%add3A_11] : memref<3200000xi32, #tpu.memory_space<hbm>> -> memref<800xi32, #tpu.memory_space<hbm>>
        tpu.enqueue_dma source(%dma_start3A_29 : memref<800xi32, #tpu.memory_space<hbm>>) target(%arg7 : memref<800xi32, #tpu.memory_space<vmem>>) target_semaphore(%run_scoped3A : memref<!tpu.dma_semaphore, #tpu.memory_space<semaphore_mem>>)
        %dma_wait3A_30 = tpu.memref_slice %arg4[%add3A_11] : memref<3200000xi32, #tpu.memory_space<hbm>> -> memref<800xi32, #tpu.memory_space<hbm>>
        %dma_wait3A_31 = tpu.memref_slice %arg4[%add3A_11] : memref<3200000xi32, #tpu.memory_space<hbm>> -> memref<800xi32, #tpu.memory_space<hbm>>
        tpu.wait_dma2 semaphore(%run_scoped3A : memref<!tpu.dma_semaphore, #tpu.memory_space<semaphore_mem>>) src(%dma_wait3A_31 : memref<800xi32, #tpu.memory_space<hbm>>) dst(%arg7 : memref<800xi32, #tpu.memory_space<vmem>>)
        tpu.yield
      }) : () -> ()
      "tpu.region"() ({
        %run_scoped3A = tpu.sem_alloc : memref<!tpu.dma_semaphore, #tpu.memory_space<semaphore_mem>>
        %dma_start3A_28 = tpu.memref_slice %arg5[%add3A_11] : memref<3200000xi32, #tpu.memory_space<hbm>> -> memref<800xi32, #tpu.memory_space<hbm>>
        %dma_start3A_29 = tpu.memref_slice %arg5[%add3A_11] : memref<3200000xi32, #tpu.memory_space<hbm>> -> memref<800xi32, #tpu.memory_space<hbm>>
        tpu.enqueue_dma source(%dma_start3A_29 : memref<800xi32, #tpu.memory_space<hbm>>) target(%arg8 : memref<800xi32, #tpu.memory_space<vmem>>) target_semaphore(%run_scoped3A : memref<!tpu.dma_semaphore, #tpu.memory_space<semaphore_mem>>)
        %dma_wait3A_30 = tpu.memref_slice %arg5[%add3A_11] : memref<3200000xi32, #tpu.memory_space<hbm>> -> memref<800xi32, #tpu.memory_space<hbm>>
        %dma_wait3A_31 = tpu.memref_slice %arg5[%add3A_11] : memref<3200000xi32, #tpu.memory_space<hbm>> -> memref<800xi32, #tpu.memory_space<hbm>>
        tpu.wait_dma2 semaphore(%run_scoped3A : memref<!tpu.dma_semaphore, #tpu.memory_space<semaphore_mem>>) src(%dma_wait3A_31 : memref<800xi32, #tpu.memory_space<hbm>>) dst(%arg8 : memref<800xi32, #tpu.memory_space<vmem>>)
        tpu.yield
      }) : () -> ()
      %dma_start3A = arith.constant 0 : i32
      %dma_start3A_12 = arith.constant 0 : i32
      %dma_start3A_13 = tpu.memref_slice %arg2[%dma_start3A, %dma_start3A_12] : memref<100000x48xf32, #tpu.memory_space<hbm>> -> memref<100000x48xf32, #tpu.memory_space<hbm>>
      tpu.enqueue_indirect_dma source(%dma_start3A_13 : memref<100000x48xf32, #tpu.memory_space<hbm>>) target(%arg9 : memref<800x48xf32, #tpu.memory_space<vmem>>) offsets(%arg7 : memref<800xi32, #tpu.memory_space<vmem>>) semaphore(%arg11 : memref<!tpu.dma_semaphore, #tpu.memory_space<semaphore_mem>>)
      %dma_start3A_14 = arith.constant 0 : i32
      %dma_start3A_15 = arith.constant 0 : i32
      %dma_start3A_16 = tpu.memref_slice %arg3[%dma_start3A_14, %dma_start3A_15] : memref<100000x48xf32, #tpu.memory_space<hbm>> -> memref<100000x48xf32, #tpu.memory_space<hbm>>
      tpu.enqueue_indirect_dma source(%dma_start3A_16 : memref<100000x48xf32, #tpu.memory_space<hbm>>) target(%arg10 : memref<800x48xf32, #tpu.memory_space<vmem>>) offsets(%arg8 : memref<800xi32, #tpu.memory_space<vmem>>) semaphore(%arg12 : memref<!tpu.dma_semaphore, #tpu.memory_space<semaphore_mem>>)
      %dma_wait3A = arith.constant 0 : i32
      %dma_wait3A_17 = arith.constant 0 : i32
      %dma_wait3A_18 = tpu.memref_slice %arg2[%dma_wait3A, %dma_wait3A_17] : memref<100000x48xf32, #tpu.memory_space<hbm>> -> memref<100000x48xf32, #tpu.memory_space<hbm>>
      tpu.wait_indirect_dma semaphore(%arg11 : memref<!tpu.dma_semaphore, #tpu.memory_space<semaphore_mem>>) src(%dma_wait3A_18 : memref<100000x48xf32, #tpu.memory_space<hbm>>) dst(%arg9 : memref<800x48xf32, #tpu.memory_space<vmem>>)
      %dma_wait3A_19 = arith.constant 0 : i32
      %dma_wait3A_20 = arith.constant 0 : i32
      %dma_wait3A_21 = tpu.memref_slice %arg3[%dma_wait3A_19, %dma_wait3A_20] : memref<100000x48xf32, #tpu.memory_space<hbm>> -> memref<100000x48xf32, #tpu.memory_space<hbm>>
      tpu.wait_indirect_dma semaphore(%arg12 : memref<!tpu.dma_semaphore, #tpu.memory_space<semaphore_mem>>) src(%dma_wait3A_21 : memref<100000x48xf32, #tpu.memory_space<hbm>>) dst(%arg10 : memref<800x48xf32, #tpu.memory_space<vmem>>)
      %scan3A_22 = arith.constant 0 : i32
      %scan3A_23 = arith.constant 0 : i32
      %scan3A_24 = arith.constant 800 : i32
      %scan3A_25 = arith.addi %scan3A_23, %scan3A_24 : i32
      %scan3A_26 = arith.constant 1 : i32
      scf.for %scan3A_28 = %scan3A_23 to %scan3A_25 step %scan3A_26  : i32 {
        %get3A = arith.index_cast %scan3A_28 : i32 to index
        %get3A_29 = arith.constant 0 : index
        %get3A_30 = tpu.vector_load %arg9[%get3A, %get3A_29] {strides = array<i32>} : memref<800x48xf32, #tpu.memory_space<vmem>>, vector<1x16xf32>,
        %get3A_31 = vector.shape_cast %get3A_30 : vector<1x16xf32> to vector<16xf32>
        %get3A_32 = arith.index_cast %scan3A_28 : i32 to index
        %get3A_33 = arith.constant 0 : index
        %get3A_34 = tpu.vector_load %arg10[%get3A_32, %get3A_33] {strides = array<i32>} : memref<800x48xf32, #tpu.memory_space<vmem>>, vector<1x16xf32>,
        %get3A_35 = vector.shape_cast %get3A_34 : vector<1x16xf32> to vector<16xf32>
        %add3A_36 = arith.addf %get3A_31, %get3A_35 : vector<16xf32>
        %swap3A = arith.index_cast %scan3A_28 : i32 to index
        %swap3A_37 = arith.constant 0 : index
        %swap3A_38 = tpu.vector_load %arg9[%swap3A, %swap3A_37] {strides = array<i32>} : memref<800x48xf32, #tpu.memory_space<vmem>>, vector<1x16xf32>,
        %swap3A_39 = vector.shape_cast %swap3A_38 : vector<1x16xf32> to vector<16xf32>
        %swap3A_40 = vector.shape_cast %add3A_36 : vector<16xf32> to vector<1x16xf32>
        tpu.vector_store %arg9[%swap3A, %swap3A_37], %swap3A_40 {strides = array<i32>} : memref<800x48xf32, #tpu.memory_space<vmem>>, vector<1x16xf32>,
        %get3A_41 = arith.index_cast %scan3A_28 : i32 to index
        %get3A_42 = arith.constant 16 : index
        %get3A_43 = tpu.vector_load %arg9[%get3A_41, %get3A_42] {strides = array<i32>} : memref<800x48xf32, #tpu.memory_space<vmem>>, vector<1x16xf32>,
        %get3A_44 = vector.shape_cast %get3A_43 : vector<1x16xf32> to vector<16xf32>
        %get3A_45 = arith.index_cast %scan3A_28 : i32 to index
        %get3A_46 = arith.constant 16 : index
        %get3A_47 = tpu.vector_load %arg10[%get3A_45, %get3A_46] {strides = array<i32>} : memref<800x48xf32, #tpu.memory_space<vmem>>, vector<1x16xf32>,
        %get3A_48 = vector.shape_cast %get3A_47 : vector<1x16xf32> to vector<16xf32>
        %add3A_49 = arith.addf %get3A_44, %get3A_48 : vector<16xf32>
        %swap3A_50 = arith.index_cast %scan3A_28 : i32 to index
        %swap3A_51 = arith.constant 16 : index
        %swap3A_52 = tpu.vector_load %arg9[%swap3A_50, %swap3A_51] {strides = array<i32>} : memref<800x48xf32, #tpu.memory_space<vmem>>, vector<1x16xf32>,
        %swap3A_53 = vector.shape_cast %swap3A_52 : vector<1x16xf32> to vector<16xf32>
        %swap3A_54 = vector.shape_cast %add3A_49 : vector<16xf32> to vector<1x16xf32>
        tpu.vector_store %arg9[%swap3A_50, %swap3A_51], %swap3A_54 {strides = array<i32>} : memref<800x48xf32, #tpu.memory_space<vmem>>, vector<1x16xf32>,
        %get3A_55 = arith.index_cast %scan3A_28 : i32 to index
        %get3A_56 = arith.constant 32 : index
        %get3A_57 = tpu.vector_load %arg9[%get3A_55, %get3A_56] {strides = array<i32>} : memref<800x48xf32, #tpu.memory_space<vmem>>, vector<1x16xf32>,
        %get3A_58 = vector.shape_cast %get3A_57 : vector<1x16xf32> to vector<16xf32>
        %get3A_59 = arith.index_cast %scan3A_28 : i32 to index
        %get3A_60 = arith.constant 32 : index
        %get3A_61 = tpu.vector_load %arg10[%get3A_59, %get3A_60] {strides = array<i32>} : memref<800x48xf32, #tpu.memory_space<vmem>>, vector<1x16xf32>,
        %get3A_62 = vector.shape_cast %get3A_61 : vector<1x16xf32> to vector<16xf32>
        %add3A_63 = arith.addf %get3A_58, %get3A_62 : vector<16xf32>
        %swap3A_64 = arith.index_cast %scan3A_28 : i32 to index
        %swap3A_65 = arith.constant 32 : index
        %swap3A_66 = tpu.vector_load %arg9[%swap3A_64, %swap3A_65] {strides = array<i32>} : memref<800x48xf32, #tpu.memory_space<vmem>>, vector<1x16xf32>,
        %swap3A_67 = vector.shape_cast %swap3A_66 : vector<1x16xf32> to vector<16xf32>
        %swap3A_68 = vector.shape_cast %add3A_63 : vector<16xf32> to vector<1x16xf32>
        tpu.vector_store %arg9[%swap3A_64, %swap3A_65], %swap3A_68 {strides = array<i32>} : memref<800x48xf32, #tpu.memory_space<vmem>>, vector<1x16xf32>,
      }
      %scan3A_27 = arith.constant 800 : i32
      "tpu.region"() ({
        %run_scoped3A = tpu.sem_alloc : memref<!tpu.dma_semaphore, #tpu.memory_space<semaphore_mem>>
        %dma_start3A_28 = arith.constant 0 : i32
        %dma_start3A_29 = tpu.memref_slice %arg6[%add3A_11, %dma_start3A_28] : memref<3200000x48xf32, #tpu.memory_space<hbm>> -> memref<800x48xf32, #tpu.memory_space<hbm>>
        %dma_start3A_30 = arith.constant 0 : i32
        %dma_start3A_31 = tpu.memref_slice %arg6[%add3A_11, %dma_start3A_30] : memref<3200000x48xf32, #tpu.memory_space<hbm>> -> memref<800x48xf32, #tpu.memory_space<hbm>>
        tpu.enqueue_dma source(%arg9 : memref<800x48xf32, #tpu.memory_space<vmem>>) target(%dma_start3A_31 : memref<800x48xf32, #tpu.memory_space<hbm>>) target_semaphore(%run_scoped3A : memref<!tpu.dma_semaphore, #tpu.memory_space<semaphore_mem>>)
        %dma_wait3A_32 = arith.constant 0 : i32
        %dma_wait3A_33 = tpu.memref_slice %arg6[%add3A_11, %dma_wait3A_32] : memref<3200000x48xf32, #tpu.memory_space<hbm>> -> memref<800x48xf32, #tpu.memory_space<hbm>>
        %dma_wait3A_34 = arith.constant 0 : i32
        %dma_wait3A_35 = tpu.memref_slice %arg6[%add3A_11, %dma_wait3A_34] : memref<3200000x48xf32, #tpu.memory_space<hbm>> -> memref<800x48xf32, #tpu.memory_space<hbm>>
        tpu.wait_dma2 semaphore(%run_scoped3A : memref<!tpu.dma_semaphore, #tpu.memory_space<semaphore_mem>>) src(%arg9 : memref<800x48xf32, #tpu.memory_space<vmem>>) dst(%dma_wait3A_35 : memref<800x48xf32, #tpu.memory_space<hbm>>)
        tpu.yield
      }) : () -> ()
    }
    %scan3A_5 = arith.constant 125 : i32
    return
  }
}

#map = affine_map<(d0, d1) -> (0, 0)>
#map1 = affine_map<(d0, d1) -> (0)>
module attributes {stable_mosaic.version = 14 : i64} {
  func.func @_scatter_body(%arg0: i32, %arg1: i32, %arg2: memref<3200000x16xf32, #tpu.memory_space<hbm>>, %arg3: memref<3200000x16xf32, #tpu.memory_space<hbm>>, %arg4: memref<3200000xi32, #tpu.memory_space<hbm>>, %arg5: memref<100000x16xf32, #tpu.memory_space<hbm>>, %arg6: memref<100000x16xf32, #tpu.memory_space<hbm>>, %arg7: memref<800xi32, #tpu.memory_space<vmem>>, %arg8: memref<800x16xf32, #tpu.memory_space<vmem>>, %arg9: memref<625x16xf32, #tpu.memory_space<vmem>>, %arg10: memref<100000x16xf32, #tpu.memory_space<vmem_shared>>) attributes {dimension_semantics = [#tpu.dimension_semantics<core_parallel>, #tpu.dimension_semantics<subcore_parallel>], iteration_bounds = array<i64: 2, 16>, scalar_prefetch = 0 : i64, scratch_operands = 4 : i64, tpu.core_type = #tpu.core_type<sc_vector_subcore>, window_params = [{transform_indices = #map}, {transform_indices = #map}, {transform_indices = #map1}, {transform_indices = #map}, {transform_indices = #map}]} {
    %scan3A = arith.constant 0 : i32
    %scan3A_0 = arith.constant 0 : i32
    %scan3A_1 = arith.constant 625 : i32
    %scan3A_2 = arith.addi %scan3A_0, %scan3A_1 : i32
    %scan3A_3 = arith.constant 1 : i32
    scf.for %scan3A_24 = %scan3A_0 to %scan3A_2 step %scan3A_3  : i32 {
      %broadcast_in_dim3A = arith.constant 0.000000e+00 : f32
      %broadcast_in_dim3A_25 = vector.broadcast %broadcast_in_dim3A : f32 to vector<16xf32>
      %swap3A = arith.index_cast %scan3A_24 : i32 to index
      %swap3A_26 = arith.constant 0 : index
      %swap3A_27 = tpu.vector_load %arg9[%swap3A, %swap3A_26] {strides = array<i32>} : memref<625x16xf32, #tpu.memory_space<vmem>>, vector<1x16xf32>,
      %swap3A_28 = vector.shape_cast %swap3A_27 : vector<1x16xf32> to vector<16xf32>
      %swap3A_29 = vector.shape_cast %broadcast_in_dim3A_25 : vector<16xf32> to vector<1x16xf32>
      tpu.vector_store %arg9[%swap3A, %swap3A_26], %swap3A_29 {strides = array<i32>} : memref<625x16xf32, #tpu.memory_space<vmem>>, vector<1x16xf32>,
    }
    %scan3A_4 = arith.constant 625 : i32
    %scan3A_5 = arith.constant 0 : i32
    %scan3A_6 = arith.constant 0 : i32
    %scan3A_7 = arith.constant 10 : i32
    %scan3A_8 = arith.addi %scan3A_6, %scan3A_7 : i32
    %scan3A_9 = arith.constant 1 : i32
    scf.for %scan3A_24 = %scan3A_6 to %scan3A_8 step %scan3A_9  : i32 {
      %mul3A = arith.constant 6250 : i32
      %mul3A_25 = arith.muli %arg1, %mul3A : i32
      %mul3A_26 = arith.constant 625 : i32
      %mul3A_27 = arith.muli %scan3A_24, %mul3A_26 : i32
      %add3A = arith.addi %mul3A_25, %mul3A_27 : i32
      "tpu.region"() ({
        %run_scoped3A = tpu.sem_alloc : memref<!tpu.dma_semaphore, #tpu.memory_space<semaphore_mem>>
        %dma_start3A = arith.constant 0 : i32
        %dma_start3A_28 = tpu.memref_slice %arg10[%add3A, %dma_start3A] : memref<100000x16xf32, #tpu.memory_space<vmem_shared>> -> memref<625x16xf32, #tpu.memory_space<vmem_shared>>
        %dma_start3A_29 = arith.constant 0 : i32
        %dma_start3A_30 = tpu.memref_slice %arg10[%add3A, %dma_start3A_29] : memref<100000x16xf32, #tpu.memory_space<vmem_shared>> -> memref<625x16xf32, #tpu.memory_space<vmem_shared>>
        tpu.enqueue_dma source(%arg9 : memref<625x16xf32, #tpu.memory_space<vmem>>) target(%dma_start3A_30 : memref<625x16xf32, #tpu.memory_space<vmem_shared>>) target_semaphore(%run_scoped3A : memref<!tpu.dma_semaphore, #tpu.memory_space<semaphore_mem>>)
        %dma_wait3A = arith.constant 0 : i32
        %dma_wait3A_31 = tpu.memref_slice %arg10[%add3A, %dma_wait3A] : memref<100000x16xf32, #tpu.memory_space<vmem_shared>> -> memref<625x16xf32, #tpu.memory_space<vmem_shared>>
        %dma_wait3A_32 = arith.constant 0 : i32
        %dma_wait3A_33 = tpu.memref_slice %arg10[%add3A, %dma_wait3A_32] : memref<100000x16xf32, #tpu.memory_space<vmem_shared>> -> memref<625x16xf32, #tpu.memory_space<vmem_shared>>
        tpu.wait_dma2 semaphore(%run_scoped3A : memref<!tpu.dma_semaphore, #tpu.memory_space<semaphore_mem>>) src(%arg9 : memref<625x16xf32, #tpu.memory_space<vmem>>) dst(%dma_wait3A_33 : memref<625x16xf32, #tpu.memory_space<vmem_shared>>)
        tpu.yield
      }) : () -> ()
    }
    %scan3A_10 = arith.constant 10 : i32
    %barrier3A = arith.constant 0 : index
    tpu.barrier barrier_id(%barrier3A)
    %scan3A_11 = arith.constant 0 : i32
    %scan3A_12 = arith.constant 0 : i32
    %scan3A_13 = arith.constant 250 : i32
    %scan3A_14 = arith.addi %scan3A_12, %scan3A_13 : i32
    %scan3A_15 = arith.constant 1 : i32
    scf.for %scan3A_24 = %scan3A_12 to %scan3A_14 step %scan3A_15  : i32 {
      %mul3A = arith.constant 200000 : i32
      %mul3A_25 = arith.muli %arg1, %mul3A : i32
      %mul3A_26 = arith.constant 800 : i32
      %mul3A_27 = arith.muli %scan3A_24, %mul3A_26 : i32
      %add3A = arith.addi %mul3A_25, %mul3A_27 : i32
      "tpu.region"() ({
        %run_scoped3A = tpu.sem_alloc : memref<!tpu.dma_semaphore, #tpu.memory_space<semaphore_mem>>
        %dma_start3A = tpu.memref_slice %arg4[%add3A] : memref<3200000xi32, #tpu.memory_space<hbm>> -> memref<800xi32, #tpu.memory_space<hbm>>
        %dma_start3A_35 = tpu.memref_slice %arg4[%add3A] : memref<3200000xi32, #tpu.memory_space<hbm>> -> memref<800xi32, #tpu.memory_space<hbm>>
        tpu.enqueue_dma source(%dma_start3A_35 : memref<800xi32, #tpu.memory_space<hbm>>) target(%arg7 : memref<800xi32, #tpu.memory_space<vmem>>) target_semaphore(%run_scoped3A : memref<!tpu.dma_semaphore, #tpu.memory_space<semaphore_mem>>)
        %dma_wait3A = tpu.memref_slice %arg4[%add3A] : memref<3200000xi32, #tpu.memory_space<hbm>> -> memref<800xi32, #tpu.memory_space<hbm>>
        %dma_wait3A_36 = tpu.memref_slice %arg4[%add3A] : memref<3200000xi32, #tpu.memory_space<hbm>> -> memref<800xi32, #tpu.memory_space<hbm>>
        tpu.wait_dma2 semaphore(%run_scoped3A : memref<!tpu.dma_semaphore, #tpu.memory_space<semaphore_mem>>) src(%dma_wait3A_36 : memref<800xi32, #tpu.memory_space<hbm>>) dst(%arg7 : memref<800xi32, #tpu.memory_space<vmem>>)
        tpu.yield
      }) : () -> ()
      %eq3A = arith.constant 0 : i32
      %eq3A_28 = arith.cmpi eq, %arg0, %eq3A : i32
      %convert_element_type3A = arith.extui %eq3A_28 : i1 to i32
      %cond3A = arith.constant 0 : i32
      %cond3A_29 = arith.cmpi ne, %convert_element_type3A, %cond3A : i32
      scf.if %cond3A_29 {
        "tpu.region"() ({
          %run_scoped3A = tpu.sem_alloc : memref<!tpu.dma_semaphore, #tpu.memory_space<semaphore_mem>>
          %dma_start3A = arith.constant 0 : i32
          %dma_start3A_35 = tpu.memref_slice %arg2[%add3A, %dma_start3A] : memref<3200000x16xf32, #tpu.memory_space<hbm>> -> memref<800x16xf32, #tpu.memory_space<hbm>>
          %dma_start3A_36 = arith.constant 0 : i32
          %dma_start3A_37 = tpu.memref_slice %arg2[%add3A, %dma_start3A_36] : memref<3200000x16xf32, #tpu.memory_space<hbm>> -> memref<800x16xf32, #tpu.memory_space<hbm>>
          tpu.enqueue_dma source(%dma_start3A_37 : memref<800x16xf32, #tpu.memory_space<hbm>>) target(%arg8 : memref<800x16xf32, #tpu.memory_space<vmem>>) target_semaphore(%run_scoped3A : memref<!tpu.dma_semaphore, #tpu.memory_space<semaphore_mem>>)
          %dma_wait3A = arith.constant 0 : i32
          %dma_wait3A_38 = tpu.memref_slice %arg2[%add3A, %dma_wait3A] : memref<3200000x16xf32, #tpu.memory_space<hbm>> -> memref<800x16xf32, #tpu.memory_space<hbm>>
          %dma_wait3A_39 = arith.constant 0 : i32
          %dma_wait3A_40 = tpu.memref_slice %arg2[%add3A, %dma_wait3A_39] : memref<3200000x16xf32, #tpu.memory_space<hbm>> -> memref<800x16xf32, #tpu.memory_space<hbm>>
          tpu.wait_dma2 semaphore(%run_scoped3A : memref<!tpu.dma_semaphore, #tpu.memory_space<semaphore_mem>>) src(%dma_wait3A_40 : memref<800x16xf32, #tpu.memory_space<hbm>>) dst(%arg8 : memref<800x16xf32, #tpu.memory_space<vmem>>)
          tpu.yield
        }) : () -> ()
      } else {
      }
      %eq3A_30 = arith.constant 1 : i32
      %eq3A_31 = arith.cmpi eq, %arg0, %eq3A_30 : i32
      %convert_element_type3A_32 = arith.extui %eq3A_31 : i1 to i32
      %cond3A_33 = arith.constant 0 : i32
      %cond3A_34 = arith.cmpi ne, %convert_element_type3A_32, %cond3A_33 : i32
      scf.if %cond3A_34 {
        "tpu.region"() ({
          %run_scoped3A = tpu.sem_alloc : memref<!tpu.dma_semaphore, #tpu.memory_space<semaphore_mem>>
          %dma_start3A = arith.constant 0 : i32
          %dma_start3A_35 = tpu.memref_slice %arg3[%add3A, %dma_start3A] : memref<3200000x16xf32, #tpu.memory_space<hbm>> -> memref<800x16xf32, #tpu.memory_space<hbm>>
          %dma_start3A_36 = arith.constant 0 : i32
          %dma_start3A_37 = tpu.memref_slice %arg3[%add3A, %dma_start3A_36] : memref<3200000x16xf32, #tpu.memory_space<hbm>> -> memref<800x16xf32, #tpu.memory_space<hbm>>
          tpu.enqueue_dma source(%dma_start3A_37 : memref<800x16xf32, #tpu.memory_space<hbm>>) target(%arg8 : memref<800x16xf32, #tpu.memory_space<vmem>>) target_semaphore(%run_scoped3A : memref<!tpu.dma_semaphore, #tpu.memory_space<semaphore_mem>>)
          %dma_wait3A = arith.constant 0 : i32
          %dma_wait3A_38 = tpu.memref_slice %arg3[%add3A, %dma_wait3A] : memref<3200000x16xf32, #tpu.memory_space<hbm>> -> memref<800x16xf32, #tpu.memory_space<hbm>>
          %dma_wait3A_39 = arith.constant 0 : i32
          %dma_wait3A_40 = tpu.memref_slice %arg3[%add3A, %dma_wait3A_39] : memref<3200000x16xf32, #tpu.memory_space<hbm>> -> memref<800x16xf32, #tpu.memory_space<hbm>>
          tpu.wait_dma2 semaphore(%run_scoped3A : memref<!tpu.dma_semaphore, #tpu.memory_space<semaphore_mem>>) src(%dma_wait3A_40 : memref<800x16xf32, #tpu.memory_space<hbm>>) dst(%arg8 : memref<800x16xf32, #tpu.memory_space<vmem>>)
          tpu.yield
        }) : () -> ()
      } else {
      }
      "tpu.region"() ({
        %run_scoped3A = tpu.sem_alloc : memref<!tpu.dma_semaphore, #tpu.memory_space<semaphore_mem>>
        %dma_start3A = arith.constant 0 : i32
        %dma_start3A_35 = arith.constant 0 : i32
        %dma_start3A_36 = tpu.memref_slice %arg10[%dma_start3A, %dma_start3A_35] : memref<100000x16xf32, #tpu.memory_space<vmem_shared>> -> memref<100000x16xf32, #tpu.memory_space<vmem_shared>>
        tpu.enqueue_indirect_dma source(%arg8 : memref<800x16xf32, #tpu.memory_space<vmem>>) target(%dma_start3A_36 : memref<100000x16xf32, #tpu.memory_space<vmem_shared>>) offsets(%arg7 : memref<800xi32, #tpu.memory_space<vmem>>) semaphore(%run_scoped3A : memref<!tpu.dma_semaphore, #tpu.memory_space<semaphore_mem>>) {add = true}
        %dma_wait3A = arith.constant 0 : i32
        %dma_wait3A_37 = arith.constant 0 : i32
        %dma_wait3A_38 = tpu.memref_slice %arg10[%dma_wait3A, %dma_wait3A_37] : memref<100000x16xf32, #tpu.memory_space<vmem_shared>> -> memref<100000x16xf32, #tpu.memory_space<vmem_shared>>
        tpu.wait_indirect_dma semaphore(%run_scoped3A : memref<!tpu.dma_semaphore, #tpu.memory_space<semaphore_mem>>) src(%arg8 : memref<800x16xf32, #tpu.memory_space<vmem>>) dst(%dma_wait3A_38 : memref<100000x16xf32, #tpu.memory_space<vmem_shared>>)
        tpu.yield
      }) : () -> ()
    }
    %scan3A_16 = arith.constant 250 : i32
    %barrier3A_17 = arith.constant 0 : index
    tpu.barrier barrier_id(%barrier3A_17)
    %scan3A_18 = arith.constant 0 : i32
    %scan3A_19 = arith.constant 0 : i32
    %scan3A_20 = arith.constant 10 : i32
    %scan3A_21 = arith.addi %scan3A_19, %scan3A_20 : i32
    %scan3A_22 = arith.constant 1 : i32
    scf.for %scan3A_24 = %scan3A_19 to %scan3A_21 step %scan3A_22  : i32 {
      %mul3A = arith.constant 6250 : i32
      %mul3A_25 = arith.muli %arg1, %mul3A : i32
      %mul3A_26 = arith.constant 625 : i32
      %mul3A_27 = arith.muli %scan3A_24, %mul3A_26 : i32
      %add3A = arith.addi %mul3A_25, %mul3A_27 : i32
      %eq3A = arith.constant 0 : i32
      %eq3A_28 = arith.cmpi eq, %arg0, %eq3A : i32
      %convert_element_type3A = arith.extui %eq3A_28 : i1 to i32
      %cond3A = arith.constant 0 : i32
      %cond3A_29 = arith.cmpi ne, %convert_element_type3A, %cond3A : i32
      scf.if %cond3A_29 {
        "tpu.region"() ({
          %run_scoped3A = tpu.sem_alloc : memref<!tpu.dma_semaphore, #tpu.memory_space<semaphore_mem>>
          %dma_start3A = arith.constant 0 : i32
          %dma_start3A_35 = tpu.memref_slice %arg5[%add3A, %dma_start3A] : memref<100000x16xf32, #tpu.memory_space<hbm>> -> memref<625x16xf32, #tpu.memory_space<hbm>>
          %dma_start3A_36 = arith.constant 0 : i32
          %dma_start3A_37 = tpu.memref_slice %arg10[%add3A, %dma_start3A_36] : memref<100000x16xf32, #tpu.memory_space<vmem_shared>> -> memref<625x16xf32, #tpu.memory_space<vmem_shared>>
          tpu.enqueue_dma source(%dma_start3A_37 : memref<625x16xf32, #tpu.memory_space<vmem_shared>>) target(%dma_start3A_35 : memref<625x16xf32, #tpu.memory_space<hbm>>) target_semaphore(%run_scoped3A : memref<!tpu.dma_semaphore, #tpu.memory_space<semaphore_mem>>)
          %dma_wait3A = arith.constant 0 : i32
          %dma_wait3A_38 = tpu.memref_slice %arg5[%add3A, %dma_wait3A] : memref<100000x16xf32, #tpu.memory_space<hbm>> -> memref<625x16xf32, #tpu.memory_space<hbm>>
          %dma_wait3A_39 = arith.constant 0 : i32
          %dma_wait3A_40 = tpu.memref_slice %arg10[%add3A, %dma_wait3A_39] : memref<100000x16xf32, #tpu.memory_space<vmem_shared>> -> memref<625x16xf32, #tpu.memory_space<vmem_shared>>
          tpu.wait_dma2 semaphore(%run_scoped3A : memref<!tpu.dma_semaphore, #tpu.memory_space<semaphore_mem>>) src(%dma_wait3A_40 : memref<625x16xf32, #tpu.memory_space<vmem_shared>>) dst(%dma_wait3A_38 : memref<625x16xf32, #tpu.memory_space<hbm>>)
          tpu.yield
        }) : () -> ()
      } else {
      }
      %eq3A_30 = arith.constant 1 : i32
      %eq3A_31 = arith.cmpi eq, %arg0, %eq3A_30 : i32
      %convert_element_type3A_32 = arith.extui %eq3A_31 : i1 to i32
      %cond3A_33 = arith.constant 0 : i32
      %cond3A_34 = arith.cmpi ne, %convert_element_type3A_32, %cond3A_33 : i32
      scf.if %cond3A_34 {
        "tpu.region"() ({
          %run_scoped3A = tpu.sem_alloc : memref<!tpu.dma_semaphore, #tpu.memory_space<semaphore_mem>>
          %dma_start3A = arith.constant 0 : i32
          %dma_start3A_35 = tpu.memref_slice %arg6[%add3A, %dma_start3A] : memref<100000x16xf32, #tpu.memory_space<hbm>> -> memref<625x16xf32, #tpu.memory_space<hbm>>
          %dma_start3A_36 = arith.constant 0 : i32
          %dma_start3A_37 = tpu.memref_slice %arg10[%add3A, %dma_start3A_36] : memref<100000x16xf32, #tpu.memory_space<vmem_shared>> -> memref<625x16xf32, #tpu.memory_space<vmem_shared>>
          tpu.enqueue_dma source(%dma_start3A_37 : memref<625x16xf32, #tpu.memory_space<vmem_shared>>) target(%dma_start3A_35 : memref<625x16xf32, #tpu.memory_space<hbm>>) target_semaphore(%run_scoped3A : memref<!tpu.dma_semaphore, #tpu.memory_space<semaphore_mem>>)
          %dma_wait3A = arith.constant 0 : i32
          %dma_wait3A_38 = tpu.memref_slice %arg6[%add3A, %dma_wait3A] : memref<100000x16xf32, #tpu.memory_space<hbm>> -> memref<625x16xf32, #tpu.memory_space<hbm>>
          %dma_wait3A_39 = arith.constant 0 : i32
          %dma_wait3A_40 = tpu.memref_slice %arg10[%add3A, %dma_wait3A_39] : memref<100000x16xf32, #tpu.memory_space<vmem_shared>> -> memref<625x16xf32, #tpu.memory_space<vmem_shared>>
          tpu.wait_dma2 semaphore(%run_scoped3A : memref<!tpu.dma_semaphore, #tpu.memory_space<semaphore_mem>>) src(%dma_wait3A_40 : memref<625x16xf32, #tpu.memory_space<vmem_shared>>) dst(%dma_wait3A_38 : memref<625x16xf32, #tpu.memory_space<hbm>>)
          tpu.yield
        }) : () -> ()
      } else {
      }
    }
    %scan3A_23 = arith.constant 10 : i32
    return
  }
}

#map = affine_map<(d0, d1) -> (0, 0)>
#map1 = affine_map<(d0, d1) -> (0)>
module attributes {stable_mosaic.version = 14 : i64} {
  func.func @_scatter_body(%arg0: i32, %arg1: i32, %arg2: memref<3200000x16xf32, #tpu.memory_space<hbm>>, %arg3: memref<3200000x16xf32, #tpu.memory_space<hbm>>, %arg4: memref<3200000xi32, #tpu.memory_space<hbm>>, %arg5: memref<100000x16xf32, #tpu.memory_space<hbm>>, %arg6: memref<100000x16xf32, #tpu.memory_space<hbm>>, %arg7: memref<800xi32, #tpu.memory_space<vmem>>, %arg8: memref<800x16xf32, #tpu.memory_space<vmem>>, %arg9: memref<625x16xf32, #tpu.memory_space<vmem>>, %arg10: memref<100000x16xf32, #tpu.memory_space<vmem_shared>>) attributes {dimension_semantics = [#tpu.dimension_semantics<core_parallel>, #tpu.dimension_semantics<subcore_parallel>], iteration_bounds = array<i64: 2, 16>, scalar_prefetch = 0 : i64, scratch_operands = 4 : i64, tpu.core_type = #tpu.core_type<sc_vector_subcore>, window_params = [{transform_indices = #map}, {transform_indices = #map}, {transform_indices = #map1}, {transform_indices = #map}, {transform_indices = #map}]} {
    %scan3A = arith.constant 0 : i32
    %scan3A_0 = arith.constant 0 : i32
    %scan3A_1 = arith.constant 625 : i32
    %scan3A_2 = arith.addi %scan3A_0, %scan3A_1 : i32
    %scan3A_3 = arith.constant 1 : i32
    scf.for %scan3A_24 = %scan3A_0 to %scan3A_2 step %scan3A_3  : i32 {
      %broadcast_in_dim3A = arith.constant 0.000000e+00 : f32
      %broadcast_in_dim3A_25 = vector.broadcast %broadcast_in_dim3A : f32 to vector<16xf32>
      %swap3A = arith.index_cast %scan3A_24 : i32 to index
      %swap3A_26 = arith.constant 0 : index
      %swap3A_27 = tpu.vector_load %arg9[%swap3A, %swap3A_26] {strides = array<i32>} : memref<625x16xf32, #tpu.memory_space<vmem>>, vector<1x16xf32>,
      %swap3A_28 = vector.shape_cast %swap3A_27 : vector<1x16xf32> to vector<16xf32>
      %swap3A_29 = vector.shape_cast %broadcast_in_dim3A_25 : vector<16xf32> to vector<1x16xf32>
      tpu.vector_store %arg9[%swap3A, %swap3A_26], %swap3A_29 {strides = array<i32>} : memref<625x16xf32, #tpu.memory_space<vmem>>, vector<1x16xf32>,
    }
    %scan3A_4 = arith.constant 625 : i32
    %scan3A_5 = arith.constant 0 : i32
    %scan3A_6 = arith.constant 0 : i32
    %scan3A_7 = arith.constant 10 : i32
    %scan3A_8 = arith.addi %scan3A_6, %scan3A_7 : i32
    %scan3A_9 = arith.constant 1 : i32
    scf.for %scan3A_24 = %scan3A_6 to %scan3A_8 step %scan3A_9  : i32 {
      %mul3A = arith.constant 6250 : i32
      %mul3A_25 = arith.muli %arg1, %mul3A : i32
      %mul3A_26 = arith.constant 625 : i32
      %mul3A_27 = arith.muli %scan3A_24, %mul3A_26 : i32
      %add3A = arith.addi %mul3A_25, %mul3A_27 : i32
      "tpu.region"() ({
        %run_scoped3A = tpu.sem_alloc : memref<!tpu.dma_semaphore, #tpu.memory_space<semaphore_mem>>
        %dma_start3A = arith.constant 0 : i32
        %dma_start3A_28 = tpu.memref_slice %arg10[%add3A, %dma_start3A] : memref<100000x16xf32, #tpu.memory_space<vmem_shared>> -> memref<625x16xf32, #tpu.memory_space<vmem_shared>>
        %dma_start3A_29 = arith.constant 0 : i32
        %dma_start3A_30 = tpu.memref_slice %arg10[%add3A, %dma_start3A_29] : memref<100000x16xf32, #tpu.memory_space<vmem_shared>> -> memref<625x16xf32, #tpu.memory_space<vmem_shared>>
        tpu.enqueue_dma source(%arg9 : memref<625x16xf32, #tpu.memory_space<vmem>>) target(%dma_start3A_30 : memref<625x16xf32, #tpu.memory_space<vmem_shared>>) target_semaphore(%run_scoped3A : memref<!tpu.dma_semaphore, #tpu.memory_space<semaphore_mem>>)
        %dma_wait3A = arith.constant 0 : i32
        %dma_wait3A_31 = tpu.memref_slice %arg10[%add3A, %dma_wait3A] : memref<100000x16xf32, #tpu.memory_space<vmem_shared>> -> memref<625x16xf32, #tpu.memory_space<vmem_shared>>
        %dma_wait3A_32 = arith.constant 0 : i32
        %dma_wait3A_33 = tpu.memref_slice %arg10[%add3A, %dma_wait3A_32] : memref<100000x16xf32, #tpu.memory_space<vmem_shared>> -> memref<625x16xf32, #tpu.memory_space<vmem_shared>>
        tpu.wait_dma2 semaphore(%run_scoped3A : memref<!tpu.dma_semaphore, #tpu.memory_space<semaphore_mem>>) src(%arg9 : memref<625x16xf32, #tpu.memory_space<vmem>>) dst(%dma_wait3A_33 : memref<625x16xf32, #tpu.memory_space<vmem_shared>>)
        tpu.yield
      }) : () -> ()
    }
    %scan3A_10 = arith.constant 10 : i32
    %barrier3A = arith.constant 0 : index
    tpu.barrier barrier_id(%barrier3A)
    %scan3A_11 = arith.constant 0 : i32
    %scan3A_12 = arith.constant 0 : i32
    %scan3A_13 = arith.constant 250 : i32
    %scan3A_14 = arith.addi %scan3A_12, %scan3A_13 : i32
    %scan3A_15 = arith.constant 1 : i32
    scf.for %scan3A_24 = %scan3A_12 to %scan3A_14 step %scan3A_15  : i32 {
      %mul3A = arith.constant 200000 : i32
      %mul3A_25 = arith.muli %arg1, %mul3A : i32
      %mul3A_26 = arith.constant 800 : i32
      %mul3A_27 = arith.muli %scan3A_24, %mul3A_26 : i32
      %add3A = arith.addi %mul3A_25, %mul3A_27 : i32
      "tpu.region"() ({
        %run_scoped3A = tpu.sem_alloc : memref<!tpu.dma_semaphore, #tpu.memory_space<semaphore_mem>>
        %dma_start3A = tpu.memref_slice %arg4[%add3A] : memref<3200000xi32, #tpu.memory_space<hbm>> -> memref<800xi32, #tpu.memory_space<hbm>>
        %dma_start3A_35 = tpu.memref_slice %arg4[%add3A] : memref<3200000xi32, #tpu.memory_space<hbm>> -> memref<800xi32, #tpu.memory_space<hbm>>
        tpu.enqueue_dma source(%dma_start3A_35 : memref<800xi32, #tpu.memory_space<hbm>>) target(%arg7 : memref<800xi32, #tpu.memory_space<vmem>>) target_semaphore(%run_scoped3A : memref<!tpu.dma_semaphore, #tpu.memory_space<semaphore_mem>>)
        %dma_wait3A = tpu.memref_slice %arg4[%add3A] : memref<3200000xi32, #tpu.memory_space<hbm>> -> memref<800xi32, #tpu.memory_space<hbm>>
        %dma_wait3A_36 = tpu.memref_slice %arg4[%add3A] : memref<3200000xi32, #tpu.memory_space<hbm>> -> memref<800xi32, #tpu.memory_space<hbm>>
        tpu.wait_dma2 semaphore(%run_scoped3A : memref<!tpu.dma_semaphore, #tpu.memory_space<semaphore_mem>>) src(%dma_wait3A_36 : memref<800xi32, #tpu.memory_space<hbm>>) dst(%arg7 : memref<800xi32, #tpu.memory_space<vmem>>)
        tpu.yield
      }) : () -> ()
      %eq3A = arith.constant 0 : i32
      %eq3A_28 = arith.cmpi eq, %arg0, %eq3A : i32
      %convert_element_type3A = arith.extui %eq3A_28 : i1 to i32
      %cond3A = arith.constant 0 : i32
      %cond3A_29 = arith.cmpi ne, %convert_element_type3A, %cond3A : i32
      scf.if %cond3A_29 {
        "tpu.region"() ({
          %run_scoped3A = tpu.sem_alloc : memref<!tpu.dma_semaphore, #tpu.memory_space<semaphore_mem>>
          %dma_start3A = arith.constant 0 : i32
          %dma_start3A_35 = tpu.memref_slice %arg2[%add3A, %dma_start3A] : memref<3200000x16xf32, #tpu.memory_space<hbm>> -> memref<800x16xf32, #tpu.memory_space<hbm>>
          %dma_start3A_36 = arith.constant 0 : i32
          %dma_start3A_37 = tpu.memref_slice %arg2[%add3A, %dma_start3A_36] : memref<3200000x16xf32, #tpu.memory_space<hbm>> -> memref<800x16xf32, #tpu.memory_space<hbm>>
          tpu.enqueue_dma source(%dma_start3A_37 : memref<800x16xf32, #tpu.memory_space<hbm>>) target(%arg8 : memref<800x16xf32, #tpu.memory_space<vmem>>) target_semaphore(%run_scoped3A : memref<!tpu.dma_semaphore, #tpu.memory_space<semaphore_mem>>)
          %dma_wait3A = arith.constant 0 : i32
          %dma_wait3A_38 = tpu.memref_slice %arg2[%add3A, %dma_wait3A] : memref<3200000x16xf32, #tpu.memory_space<hbm>> -> memref<800x16xf32, #tpu.memory_space<hbm>>
          %dma_wait3A_39 = arith.constant 0 : i32
          %dma_wait3A_40 = tpu.memref_slice %arg2[%add3A, %dma_wait3A_39] : memref<3200000x16xf32, #tpu.memory_space<hbm>> -> memref<800x16xf32, #tpu.memory_space<hbm>>
          tpu.wait_dma2 semaphore(%run_scoped3A : memref<!tpu.dma_semaphore, #tpu.memory_space<semaphore_mem>>) src(%dma_wait3A_40 : memref<800x16xf32, #tpu.memory_space<hbm>>) dst(%arg8 : memref<800x16xf32, #tpu.memory_space<vmem>>)
          tpu.yield
        }) : () -> ()
      } else {
      }
      %eq3A_30 = arith.constant 1 : i32
      %eq3A_31 = arith.cmpi eq, %arg0, %eq3A_30 : i32
      %convert_element_type3A_32 = arith.extui %eq3A_31 : i1 to i32
      %cond3A_33 = arith.constant 0 : i32
      %cond3A_34 = arith.cmpi ne, %convert_element_type3A_32, %cond3A_33 : i32
      scf.if %cond3A_34 {
        "tpu.region"() ({
          %run_scoped3A = tpu.sem_alloc : memref<!tpu.dma_semaphore, #tpu.memory_space<semaphore_mem>>
          %dma_start3A = arith.constant 0 : i32
          %dma_start3A_35 = tpu.memref_slice %arg3[%add3A, %dma_start3A] : memref<3200000x16xf32, #tpu.memory_space<hbm>> -> memref<800x16xf32, #tpu.memory_space<hbm>>
          %dma_start3A_36 = arith.constant 0 : i32
          %dma_start3A_37 = tpu.memref_slice %arg3[%add3A, %dma_start3A_36] : memref<3200000x16xf32, #tpu.memory_space<hbm>> -> memref<800x16xf32, #tpu.memory_space<hbm>>
          tpu.enqueue_dma source(%dma_start3A_37 : memref<800x16xf32, #tpu.memory_space<hbm>>) target(%arg8 : memref<800x16xf32, #tpu.memory_space<vmem>>) target_semaphore(%run_scoped3A : memref<!tpu.dma_semaphore, #tpu.memory_space<semaphore_mem>>)
          %dma_wait3A = arith.constant 0 : i32
          %dma_wait3A_38 = tpu.memref_slice %arg3[%add3A, %dma_wait3A] : memref<3200000x16xf32, #tpu.memory_space<hbm>> -> memref<800x16xf32, #tpu.memory_space<hbm>>
          %dma_wait3A_39 = arith.constant 0 : i32
          %dma_wait3A_40 = tpu.memref_slice %arg3[%add3A, %dma_wait3A_39] : memref<3200000x16xf32, #tpu.memory_space<hbm>> -> memref<800x16xf32, #tpu.memory_space<hbm>>
          tpu.wait_dma2 semaphore(%run_scoped3A : memref<!tpu.dma_semaphore, #tpu.memory_space<semaphore_mem>>) src(%dma_wait3A_40 : memref<800x16xf32, #tpu.memory_space<hbm>>) dst(%arg8 : memref<800x16xf32, #tpu.memory_space<vmem>>)
          tpu.yield
        }) : () -> ()
      } else {
      }
      "tpu.region"() ({
        %run_scoped3A = tpu.sem_alloc : memref<!tpu.dma_semaphore, #tpu.memory_space<semaphore_mem>>
        %dma_start3A = arith.constant 0 : i32
        %dma_start3A_35 = arith.constant 0 : i32
        %dma_start3A_36 = tpu.memref_slice %arg10[%dma_start3A, %dma_start3A_35] : memref<100000x16xf32, #tpu.memory_space<vmem_shared>> -> memref<100000x16xf32, #tpu.memory_space<vmem_shared>>
        tpu.enqueue_indirect_dma source(%arg8 : memref<800x16xf32, #tpu.memory_space<vmem>>) target(%dma_start3A_36 : memref<100000x16xf32, #tpu.memory_space<vmem_shared>>) offsets(%arg7 : memref<800xi32, #tpu.memory_space<vmem>>) semaphore(%run_scoped3A : memref<!tpu.dma_semaphore, #tpu.memory_space<semaphore_mem>>) {add = true}
        %dma_wait3A = arith.constant 0 : i32
        %dma_wait3A_37 = arith.constant 0 : i32
        %dma_wait3A_38 = tpu.memref_slice %arg10[%dma_wait3A, %dma_wait3A_37] : memref<100000x16xf32, #tpu.memory_space<vmem_shared>> -> memref<100000x16xf32, #tpu.memory_space<vmem_shared>>
        tpu.wait_indirect_dma semaphore(%run_scoped3A : memref<!tpu.dma_semaphore, #tpu.memory_space<semaphore_mem>>) src(%arg8 : memref<800x16xf32, #tpu.memory_space<vmem>>) dst(%dma_wait3A_38 : memref<100000x16xf32, #tpu.memory_space<vmem_shared>>)
        tpu.yield
      }) : () -> ()
    }
    %scan3A_16 = arith.constant 250 : i32
    %barrier3A_17 = arith.constant 0 : index
    tpu.barrier barrier_id(%barrier3A_17)
    %scan3A_18 = arith.constant 0 : i32
    %scan3A_19 = arith.constant 0 : i32
    %scan3A_20 = arith.constant 10 : i32
    %scan3A_21 = arith.addi %scan3A_19, %scan3A_20 : i32
    %scan3A_22 = arith.constant 1 : i32
    scf.for %scan3A_24 = %scan3A_19 to %scan3A_21 step %scan3A_22  : i32 {
      %mul3A = arith.constant 6250 : i32
      %mul3A_25 = arith.muli %arg1, %mul3A : i32
      %mul3A_26 = arith.constant 625 : i32
      %mul3A_27 = arith.muli %scan3A_24, %mul3A_26 : i32
      %add3A = arith.addi %mul3A_25, %mul3A_27 : i32
      %eq3A = arith.constant 0 : i32
      %eq3A_28 = arith.cmpi eq, %arg0, %eq3A : i32
      %convert_element_type3A = arith.extui %eq3A_28 : i1 to i32
      %cond3A = arith.constant 0 : i32
      %cond3A_29 = arith.cmpi ne, %convert_element_type3A, %cond3A : i32
      scf.if %cond3A_29 {
        "tpu.region"() ({
          %run_scoped3A = tpu.sem_alloc : memref<!tpu.dma_semaphore, #tpu.memory_space<semaphore_mem>>
          %dma_start3A = arith.constant 0 : i32
          %dma_start3A_35 = tpu.memref_slice %arg5[%add3A, %dma_start3A] : memref<100000x16xf32, #tpu.memory_space<hbm>> -> memref<625x16xf32, #tpu.memory_space<hbm>>
          %dma_start3A_36 = arith.constant 0 : i32
          %dma_start3A_37 = tpu.memref_slice %arg10[%add3A, %dma_start3A_36] : memref<100000x16xf32, #tpu.memory_space<vmem_shared>> -> memref<625x16xf32, #tpu.memory_space<vmem_shared>>
          tpu.enqueue_dma source(%dma_start3A_37 : memref<625x16xf32, #tpu.memory_space<vmem_shared>>) target(%dma_start3A_35 : memref<625x16xf32, #tpu.memory_space<hbm>>) target_semaphore(%run_scoped3A : memref<!tpu.dma_semaphore, #tpu.memory_space<semaphore_mem>>)
          %dma_wait3A = arith.constant 0 : i32
          %dma_wait3A_38 = tpu.memref_slice %arg5[%add3A, %dma_wait3A] : memref<100000x16xf32, #tpu.memory_space<hbm>> -> memref<625x16xf32, #tpu.memory_space<hbm>>
          %dma_wait3A_39 = arith.constant 0 : i32
          %dma_wait3A_40 = tpu.memref_slice %arg10[%add3A, %dma_wait3A_39] : memref<100000x16xf32, #tpu.memory_space<vmem_shared>> -> memref<625x16xf32, #tpu.memory_space<vmem_shared>>
          tpu.wait_dma2 semaphore(%run_scoped3A : memref<!tpu.dma_semaphore, #tpu.memory_space<semaphore_mem>>) src(%dma_wait3A_40 : memref<625x16xf32, #tpu.memory_space<vmem_shared>>) dst(%dma_wait3A_38 : memref<625x16xf32, #tpu.memory_space<hbm>>)
          tpu.yield
        }) : () -> ()
      } else {
      }
      %eq3A_30 = arith.constant 1 : i32
      %eq3A_31 = arith.cmpi eq, %arg0, %eq3A_30 : i32
      %convert_element_type3A_32 = arith.extui %eq3A_31 : i1 to i32
      %cond3A_33 = arith.constant 0 : i32
      %cond3A_34 = arith.cmpi ne, %convert_element_type3A_32, %cond3A_33 : i32
      scf.if %cond3A_34 {
        "tpu.region"() ({
          %run_scoped3A = tpu.sem_alloc : memref<!tpu.dma_semaphore, #tpu.memory_space<semaphore_mem>>
          %dma_start3A = arith.constant 0 : i32
          %dma_start3A_35 = tpu.memref_slice %arg6[%add3A, %dma_start3A] : memref<100000x16xf32, #tpu.memory_space<hbm>> -> memref<625x16xf32, #tpu.memory_space<hbm>>
          %dma_start3A_36 = arith.constant 0 : i32
          %dma_start3A_37 = tpu.memref_slice %arg10[%add3A, %dma_start3A_36] : memref<100000x16xf32, #tpu.memory_space<vmem_shared>> -> memref<625x16xf32, #tpu.memory_space<vmem_shared>>
          tpu.enqueue_dma source(%dma_start3A_37 : memref<625x16xf32, #tpu.memory_space<vmem_shared>>) target(%dma_start3A_35 : memref<625x16xf32, #tpu.memory_space<hbm>>) target_semaphore(%run_scoped3A : memref<!tpu.dma_semaphore, #tpu.memory_space<semaphore_mem>>)
          %dma_wait3A = arith.constant 0 : i32
          %dma_wait3A_38 = tpu.memref_slice %arg6[%add3A, %dma_wait3A] : memref<100000x16xf32, #tpu.memory_space<hbm>> -> memref<625x16xf32, #tpu.memory_space<hbm>>
          %dma_wait3A_39 = arith.constant 0 : i32
          %dma_wait3A_40 = tpu.memref_slice %arg10[%add3A, %dma_wait3A_39] : memref<100000x16xf32, #tpu.memory_space<vmem_shared>> -> memref<625x16xf32, #tpu.memory_space<vmem_shared>>
          tpu.wait_dma2 semaphore(%run_scoped3A : memref<!tpu.dma_semaphore, #tpu.memory_space<semaphore_mem>>) src(%dma_wait3A_40 : memref<625x16xf32, #tpu.memory_space<vmem_shared>>) dst(%dma_wait3A_38 : memref<625x16xf32, #tpu.memory_space<hbm>>)
          tpu.yield
        }) : () -> ()
      } else {
      }
    }
    %scan3A_23 = arith.constant 10 : i32
    return
  }
}

module attributes {stable_mosaic.version = 14 : i64} {
  func.func @_prep0_body(%arg0: i32, %arg1: memref<2000x2xf32, #tpu.memory_space<vmem>>, %arg2: memref<2000x2xf32, #tpu.memory_space<vmem>>, %arg3: memref<2x32xf32, #tpu.memory_space<vmem>>, %arg4: memref<2x32xf32, #tpu.memory_space<vmem>>, %arg5: memref<1x32xf32, #tpu.memory_space<vmem>>, %arg6: memref<2000x48xf32, #tpu.memory_space<vmem>>, %arg7: memref<2000x48xf32, #tpu.memory_space<vmem>>) attributes {dimension_semantics = [#tpu.dimension_semantics<arbitrary>], iteration_bounds = array<i64: 50>, scalar_prefetch = 0 : i64, scratch_operands = 0 : i64, tpu.core_type = #tpu.core_type<tc>, window_params = [{transform_indices = @transform_0, window_bounds = array<i64: 2000, 2>}, {transform_indices = @transform_1, window_bounds = array<i64: 2000, 2>}, {pipeline_mode = #tpu.pipeline_mode<synchronous>, transform_indices = @transform_2, window_bounds = array<i64: 2, 32>}, {pipeline_mode = #tpu.pipeline_mode<synchronous>, transform_indices = @transform_3, window_bounds = array<i64: 2, 32>}, {pipeline_mode = #tpu.pipeline_mode<synchronous>, transform_indices = @transform_4, window_bounds = array<i64: 1, 32>}, {transform_indices = @transform_5, window_bounds = array<i64: 2000, 48>}, {transform_indices = @transform_6, window_bounds = array<i64: 2000, 48>}]} {
    %get3A = arith.constant 0 : index
    %get3A_0 = arith.constant 0 : index
    %get3A_1 = vector.load %arg1[%get3A, %get3A_0] : memref<2000x2xf32, #tpu.memory_space<vmem>>, vector<2000x2xf32>
    %get3A_2 = arith.constant 0 : index
    %get3A_3 = arith.constant 0 : index
    %get3A_4 = vector.load %arg2[%get3A_2, %get3A_3] : memref<2000x2xf32, #tpu.memory_space<vmem>>, vector<2000x2xf32>
    %broadcast_in_dim3A = arith.constant 0.000000e+00 : f32
    %broadcast_in_dim3A_5 = vector.broadcast %broadcast_in_dim3A : f32 to vector<2000x14xf32>
    %get3A_6 = arith.constant 0 : index
    %get3A_7 = arith.constant 0 : index
    %get3A_8 = vector.load %arg3[%get3A_6, %get3A_7] : memref<2x32xf32, #tpu.memory_space<vmem>>, vector<2x32xf32>
    %dot_general3A = arith.constant dense<0.000000e+00> : vector<2000x32xf32>
    %dot_general3A_9 = tpu.matmul %get3A_1, %get3A_8, %dot_general3A {dimension_numbers = #tpu.dot_dimension_numbers<[1], [0], [0], [1], [0, 0, 1, 1], [], []>, transpose_lhs_hint = false} : vector<2000x2xf32>, vector<2x32xf32>, vector<2000x32xf32> -> vector<2000x32xf32>
    %get3A_10 = arith.constant 0 : index
    %get3A_11 = arith.constant 0 : index
    %get3A_12 = vector.load %arg5[%get3A_10, %get3A_11] : memref<1x32xf32, #tpu.memory_space<vmem>>, vector<1x32xf32>
    %add3A = vector.broadcast %get3A_12 : vector<1x32xf32> to vector<2000x32xf32>
    %add3A_13 = arith.addf %dot_general3A_9, %add3A : vector<2000x32xf32>
    %get3A_14 = arith.constant 0 : index
    %get3A_15 = arith.constant 0 : index
    %get3A_16 = vector.load %arg4[%get3A_14, %get3A_15] : memref<2x32xf32, #tpu.memory_space<vmem>>, vector<2x32xf32>
    %dot_general3A_17 = arith.constant dense<0.000000e+00> : vector<2000x32xf32>
    %dot_general3A_18 = tpu.matmul %get3A_1, %get3A_16, %dot_general3A_17 {dimension_numbers = #tpu.dot_dimension_numbers<[1], [0], [0], [1], [0, 0, 1, 1], [], []>, transpose_lhs_hint = false} : vector<2000x2xf32>, vector<2x32xf32>, vector<2000x32xf32> -> vector<2000x32xf32>
    %concatenate3A = tpu.concatenate %add3A_13, %get3A_4, %broadcast_in_dim3A_5 in 1 : vector<2000x32xf32>, vector<2000x2xf32>, vector<2000x14xf32> -> vector<2000x48xf32>
    %swap3A = arith.constant 0 : index
    %swap3A_19 = arith.constant 0 : index
    %swap3A_20 = vector.load %arg6[%swap3A, %swap3A_19] : memref<2000x48xf32, #tpu.memory_space<vmem>>, vector<2000x48xf32>
    tpu.vector_store %arg6[%swap3A, %swap3A_19], %concatenate3A {strides = array<i32>} : memref<2000x48xf32, #tpu.memory_space<vmem>>, vector<2000x48xf32>,
    %neg3A = arith.constant 0.000000e+00 : f32
    %neg3A_21 = vector.broadcast %neg3A : f32 to vector<2000x2xf32>
    %neg3A_22 = arith.subf %neg3A_21, %get3A_4 : vector<2000x2xf32>
    %concatenate3A_23 = tpu.concatenate %dot_general3A_18, %neg3A_22, %broadcast_in_dim3A_5 in 1 : vector<2000x32xf32>, vector<2000x2xf32>, vector<2000x14xf32> -> vector<2000x48xf32>
    %swap3A_24 = arith.constant 0 : index
    %swap3A_25 = arith.constant 0 : index
    %swap3A_26 = vector.load %arg7[%swap3A_24, %swap3A_25] : memref<2000x48xf32, #tpu.memory_space<vmem>>, vector<2000x48xf32>
    tpu.vector_store %arg7[%swap3A_24, %swap3A_25], %concatenate3A_23 {strides = array<i32>} : memref<2000x48xf32, #tpu.memory_space<vmem>>, vector<2000x48xf32>,
    return
  }
  func.func @transform_0(%arg0: i32) -> (i32, i32) {
    %c0_i32 = arith.constant 0 : i32
    %c0_i32_0 = arith.constant 0 : i32
    return %arg0, %c0_i32 : i32, i32
  }
  func.func @transform_1(%arg0: i32) -> (i32, i32) {
    %c0_i32 = arith.constant 0 : i32
    %c0_i32_0 = arith.constant 0 : i32
    return %arg0, %c0_i32 : i32, i32
  }
  func.func @transform_2(%arg0: i32) -> (i32, i32) {
    %c0_i32 = arith.constant 0 : i32
    %c0_i32_0 = arith.constant 0 : i32
    %c0_i32_1 = arith.constant 0 : i32
    return %c0_i32, %c0_i32_0 : i32, i32
  }
  func.func @transform_3(%arg0: i32) -> (i32, i32) {
    %c0_i32 = arith.constant 0 : i32
    %c0_i32_0 = arith.constant 0 : i32
    %c0_i32_1 = arith.constant 0 : i32
    return %c0_i32, %c0_i32_0 : i32, i32
  }
  func.func @transform_4(%arg0: i32) -> (i32, i32) {
    %c0_i32 = arith.constant 0 : i32
    %c0_i32_0 = arith.constant 0 : i32
    %c0_i32_1 = arith.constant 0 : i32
    return %c0_i32, %c0_i32_0 : i32, i32
  }
  func.func @transform_5(%arg0: i32) -> (i32, i32) {
    %c0_i32 = arith.constant 0 : i32
    %c0_i32_0 = arith.constant 0 : i32
    return %arg0, %c0_i32 : i32, i32
  }
  func.func @transform_6(%arg0: i32) -> (i32, i32) {
    %c0_i32 = arith.constant 0 : i32
    %c0_i32_0 = arith.constant 0 : i32
    return %arg0, %c0_i32 : i32, i32
  }
}

module attributes {stable_mosaic.version = 14 : i64} {
  func.func @_edge_body(%arg0: i32, %arg1: memref<1600x192xf32, #tpu.memory_space<vmem>>, %arg2: memref<1600x4xf32, #tpu.memory_space<vmem>>, %arg3: memref<192x128xf32, #tpu.memory_space<vmem>>, %arg4: memref<192x128xf32, #tpu.memory_space<vmem>>, %arg5: memref<4x128xf32, #tpu.memory_space<vmem>>, %arg6: memref<128x128xf32, #tpu.memory_space<vmem>>, %arg7: memref<1x128xf32, #tpu.memory_space<vmem>>, %arg8: memref<128x128xf32, #tpu.memory_space<vmem>>, %arg9: memref<1x128xf32, #tpu.memory_space<vmem>>, %arg10: memref<128x64xf32, #tpu.memory_space<vmem>>, %arg11: memref<1x64xf32, #tpu.memory_space<vmem>>, %arg12: memref<192x64xf32, #tpu.memory_space<vmem>>, %arg13: memref<1x64xf32, #tpu.memory_space<vmem>>, %arg14: memref<128x64xf32, #tpu.memory_space<vmem>>, %arg15: memref<128x64xf32, #tpu.memory_space<vmem>>, %arg16: memref<1600x64xf32, #tpu.memory_space<vmem>>, %arg17: memref<1600x64xf32, #tpu.memory_space<vmem>>, %arg18: memref<1600x64xf32, #tpu.memory_space<vmem>>) attributes {dimension_semantics = [#tpu.dimension_semantics<arbitrary>], iteration_bounds = array<i64: 500>, scalar_prefetch = 0 : i64, scratch_operands = 0 : i64, tpu.core_type = #tpu.core_type<tc>, window_params = [{transform_indices = @transform_0, window_bounds = array<i64: 1600, 192>}, {transform_indices = @transform_1, window_bounds = array<i64: 1600, 4>}, {pipeline_mode = #tpu.pipeline_mode<synchronous>, transform_indices = @transform_2, window_bounds = array<i64: 192, 128>}, {pipeline_mode = #tpu.pipeline_mode<synchronous>, transform_indices = @transform_3, window_bounds = array<i64: 192, 128>}, {pipeline_mode = #tpu.pipeline_mode<synchronous>, transform_indices = @transform_4, window_bounds = array<i64: 4, 128>}, {pipeline_mode = #tpu.pipeline_mode<synchronous>, transform_indices = @transform_5, window_bounds = array<i64: 128, 128>}, {pipeline_mode = #tpu.pipeline_mode<synchronous>, transform_indices = @transform_6, window_bounds = array<i64: 1, 128>}, {pipeline_mode = #tpu.pipeline_mode<synchronous>, transform_indices = @transform_7, window_bounds = array<i64: 128, 128>}, {pipeline_mode = #tpu.pipeline_mode<synchronous>, transform_indices = @transform_8, window_bounds = array<i64: 1, 128>}, {pipeline_mode = #tpu.pipeline_mode<synchronous>, transform_indices = @transform_9, window_bounds = array<i64: 128, 64>}, {pipeline_mode = #tpu.pipeline_mode<synchronous>, transform_indices = @transform_10, window_bounds = array<i64: 1, 64>}, {pipeline_mode = #tpu.pipeline_mode<synchronous>, transform_indices = @transform_11, window_bounds = array<i64: 192, 64>}, {pipeline_mode = #tpu.pipeline_mode<synchronous>, transform_indices = @transform_12, window_bounds = array<i64: 1, 64>}, {pipeline_mode = #tpu.pipeline_mode<synchronous>, transform_indices = @transform_13, window_bounds = array<i64: 128, 64>}, {pipeline_mode = #tpu.pipeline_mode<synchronous>, transform_indices = @transform_14, window_bounds = array<i64: 128, 64>}, {transform_indices = @transform_15, window_bounds = array<i64: 1600, 64>}, {transform_indices = @transform_16, window_bounds = array<i64: 1600, 64>}, {transform_indices = @transform_17, window_bounds = array<i64: 1600, 64>}]} {
    %get3A = arith.constant 0 : index
    %get3A_0 = arith.constant 0 : index
    %get3A_1 = vector.load %arg1[%get3A, %get3A_0] : memref<1600x192xf32, #tpu.memory_space<vmem>>, vector<1600x192xf32>
    %mul3A = arith.mulf %get3A_1, %get3A_1 : vector<1600x192xf32>
    %get3A_2 = arith.constant 0 : index
    %get3A_3 = arith.constant 0 : index
    %get3A_4 = vector.load %arg3[%get3A_2, %get3A_3] : memref<192x128xf32, #tpu.memory_space<vmem>>, vector<192x128xf32>
    %dot_general3A = arith.constant dense<0.000000e+00> : vector<1600x128xf32>
    %dot_general3A_5 = tpu.matmul %get3A_1, %get3A_4, %dot_general3A {dimension_numbers = #tpu.dot_dimension_numbers<[1], [0], [0], [1], [0, 0, 1, 1], [], []>, transpose_lhs_hint = false} : vector<1600x192xf32>, vector<192x128xf32>, vector<1600x128xf32> -> vector<1600x128xf32>
    %get3A_6 = arith.constant 0 : index
    %get3A_7 = arith.constant 0 : index
    %get3A_8 = vector.load %arg4[%get3A_6, %get3A_7] : memref<192x128xf32, #tpu.memory_space<vmem>>, vector<192x128xf32>
    %dot_general3A_9 = arith.constant dense<0.000000e+00> : vector<1600x128xf32>
    %dot_general3A_10 = tpu.matmul %mul3A, %get3A_8, %dot_general3A_9 {dimension_numbers = #tpu.dot_dimension_numbers<[1], [0], [0], [1], [0, 0, 1, 1], [], []>, transpose_lhs_hint = false} : vector<1600x192xf32>, vector<192x128xf32>, vector<1600x128xf32> -> vector<1600x128xf32>
    %add3A = arith.addf %dot_general3A_5, %dot_general3A_10 : vector<1600x128xf32>
    %get3A_11 = arith.constant 0 : index
    %get3A_12 = arith.constant 0 : index
    %get3A_13 = vector.load %arg2[%get3A_11, %get3A_12] : memref<1600x4xf32, #tpu.memory_space<vmem>>, vector<1600x4xf32>
    %get3A_14 = arith.constant 0 : index
    %get3A_15 = arith.constant 0 : index
    %get3A_16 = vector.load %arg5[%get3A_14, %get3A_15] : memref<4x128xf32, #tpu.memory_space<vmem>>, vector<4x128xf32>
    %dot_general3A_17 = arith.constant dense<0.000000e+00> : vector<1600x128xf32>
    %dot_general3A_18 = tpu.matmul %get3A_13, %get3A_16, %dot_general3A_17 {dimension_numbers = #tpu.dot_dimension_numbers<[1], [0], [0], [1], [0, 0, 1, 1], [], []>, transpose_lhs_hint = false} : vector<1600x4xf32>, vector<4x128xf32>, vector<1600x128xf32> -> vector<1600x128xf32>
    %add3A_19 = arith.addf %add3A, %dot_general3A_18 : vector<1600x128xf32>
    %logistic3A = arith.negf %add3A_19 : vector<1600x128xf32>
    %logistic3A_20 = math.exp %logistic3A : vector<1600x128xf32>
    %logistic3A_21 = arith.constant 1.000000e+00 : f32
    %logistic3A_22 = vector.broadcast %logistic3A_21 : f32 to vector<1600x128xf32>
    %logistic3A_23 = arith.addf %logistic3A_22, %logistic3A_20 : vector<1600x128xf32>
    %logistic3A_24 = arith.divf %logistic3A_22, %logistic3A_23 : vector<1600x128xf32>
    %mul3A_25 = arith.mulf %add3A_19, %logistic3A_24 : vector<1600x128xf32>
    %get3A_26 = arith.constant 0 : index
    %get3A_27 = arith.constant 0 : index
    %get3A_28 = vector.load %arg6[%get3A_26, %get3A_27] : memref<128x128xf32, #tpu.memory_space<vmem>>, vector<128x128xf32>
    %dot_general3A_29 = arith.constant dense<0.000000e+00> : vector<1600x128xf32>
    %dot_general3A_30 = tpu.matmul %mul3A_25, %get3A_28, %dot_general3A_29 {dimension_numbers = #tpu.dot_dimension_numbers<[1], [0], [0], [1], [0, 0, 1, 1], [], []>, transpose_lhs_hint = false} : vector<1600x128xf32>, vector<128x128xf32>, vector<1600x128xf32> -> vector<1600x128xf32>
    %get3A_31 = arith.constant 0 : index
    %get3A_32 = arith.constant 0 : index
    %get3A_33 = vector.load %arg7[%get3A_31, %get3A_32] : memref<1x128xf32, #tpu.memory_space<vmem>>, vector<1x128xf32>
    %add3A_34 = vector.broadcast %get3A_33 : vector<1x128xf32> to vector<1600x128xf32>
    %add3A_35 = arith.addf %dot_general3A_30, %add3A_34 : vector<1600x128xf32>
    %logistic3A_36 = arith.negf %add3A_35 : vector<1600x128xf32>
    %logistic3A_37 = math.exp %logistic3A_36 : vector<1600x128xf32>
    %logistic3A_38 = arith.constant 1.000000e+00 : f32
    %logistic3A_39 = vector.broadcast %logistic3A_38 : f32 to vector<1600x128xf32>
    %logistic3A_40 = arith.addf %logistic3A_39, %logistic3A_37 : vector<1600x128xf32>
    %logistic3A_41 = arith.divf %logistic3A_39, %logistic3A_40 : vector<1600x128xf32>
    %mul3A_42 = arith.mulf %add3A_35, %logistic3A_41 : vector<1600x128xf32>
    %get3A_43 = arith.constant 0 : index
    %get3A_44 = arith.constant 0 : index
    %get3A_45 = vector.load %arg8[%get3A_43, %get3A_44] : memref<128x128xf32, #tpu.memory_space<vmem>>, vector<128x128xf32>
    %dot_general3A_46 = arith.constant dense<0.000000e+00> : vector<1600x128xf32>
    %dot_general3A_47 = tpu.matmul %mul3A_42, %get3A_45, %dot_general3A_46 {dimension_numbers = #tpu.dot_dimension_numbers<[1], [0], [0], [1], [0, 0, 1, 1], [], []>, transpose_lhs_hint = false} : vector<1600x128xf32>, vector<128x128xf32>, vector<1600x128xf32> -> vector<1600x128xf32>
    %get3A_48 = arith.constant 0 : index
    %get3A_49 = arith.constant 0 : index
    %get3A_50 = vector.load %arg9[%get3A_48, %get3A_49] : memref<1x128xf32, #tpu.memory_space<vmem>>, vector<1x128xf32>
    %add3A_51 = vector.broadcast %get3A_50 : vector<1x128xf32> to vector<1600x128xf32>
    %add3A_52 = arith.addf %dot_general3A_47, %add3A_51 : vector<1600x128xf32>
    %logistic3A_53 = arith.negf %add3A_52 : vector<1600x128xf32>
    %logistic3A_54 = math.exp %logistic3A_53 : vector<1600x128xf32>
    %logistic3A_55 = arith.constant 1.000000e+00 : f32
    %logistic3A_56 = vector.broadcast %logistic3A_55 : f32 to vector<1600x128xf32>
    %logistic3A_57 = arith.addf %logistic3A_56, %logistic3A_54 : vector<1600x128xf32>
    %logistic3A_58 = arith.divf %logistic3A_56, %logistic3A_57 : vector<1600x128xf32>
    %mul3A_59 = arith.mulf %add3A_52, %logistic3A_58 : vector<1600x128xf32>
    %get3A_60 = arith.constant 0 : index
    %get3A_61 = arith.constant 0 : index
    %get3A_62 = vector.load %arg10[%get3A_60, %get3A_61] : memref<128x64xf32, #tpu.memory_space<vmem>>, vector<128x64xf32>
    %dot_general3A_63 = arith.constant dense<0.000000e+00> : vector<1600x64xf32>
    %dot_general3A_64 = tpu.matmul %mul3A_59, %get3A_62, %dot_general3A_63 {dimension_numbers = #tpu.dot_dimension_numbers<[1], [0], [0], [1], [0, 0, 1, 1], [], []>, transpose_lhs_hint = false} : vector<1600x128xf32>, vector<128x64xf32>, vector<1600x64xf32> -> vector<1600x64xf32>
    %get3A_65 = arith.constant 0 : index
    %get3A_66 = arith.constant 0 : index
    %get3A_67 = vector.load %arg11[%get3A_65, %get3A_66] : memref<1x64xf32, #tpu.memory_space<vmem>>, vector<1x64xf32>
    %add3A_68 = vector.broadcast %get3A_67 : vector<1x64xf32> to vector<1600x64xf32>
    %add3A_69 = arith.addf %dot_general3A_64, %add3A_68 : vector<1600x64xf32>
    %get3A_70 = arith.constant 0 : index
    %get3A_71 = arith.constant 0 : index
    %get3A_72 = vector.load %arg12[%get3A_70, %get3A_71] : memref<192x64xf32, #tpu.memory_space<vmem>>, vector<192x64xf32>
    %dot_general3A_73 = arith.constant dense<0.000000e+00> : vector<1600x64xf32>
    %dot_general3A_74 = tpu.matmul %get3A_1, %get3A_72, %dot_general3A_73 {dimension_numbers = #tpu.dot_dimension_numbers<[1], [0], [0], [1], [0, 0, 1, 1], [], []>, transpose_lhs_hint = false} : vector<1600x192xf32>, vector<192x64xf32>, vector<1600x64xf32> -> vector<1600x64xf32>
    %get3A_75 = arith.constant 0 : index
    %get3A_76 = arith.constant 0 : index
    %get3A_77 = vector.load %arg14[%get3A_75, %get3A_76] : memref<128x64xf32, #tpu.memory_space<vmem>>, vector<128x64xf32>
    %dot_general3A_78 = arith.constant dense<0.000000e+00> : vector<1600x64xf32>
    %dot_general3A_79 = tpu.matmul %mul3A_42, %get3A_77, %dot_general3A_78 {dimension_numbers = #tpu.dot_dimension_numbers<[1], [0], [0], [1], [0, 0, 1, 1], [], []>, transpose_lhs_hint = false} : vector<1600x128xf32>, vector<128x64xf32>, vector<1600x64xf32> -> vector<1600x64xf32>
    %swap3A = arith.constant 0 : index
    %swap3A_80 = arith.constant 0 : index
    %swap3A_81 = vector.load %arg16[%swap3A, %swap3A_80] : memref<1600x64xf32, #tpu.memory_space<vmem>>, vector<1600x64xf32>
    tpu.vector_store %arg16[%swap3A, %swap3A_80], %dot_general3A_79 {strides = array<i32>} : memref<1600x64xf32, #tpu.memory_space<vmem>>, vector<1600x64xf32>,
    %get3A_82 = arith.constant 0 : index
    %get3A_83 = arith.constant 0 : index
    %get3A_84 = vector.load %arg15[%get3A_82, %get3A_83] : memref<128x64xf32, #tpu.memory_space<vmem>>, vector<128x64xf32>
    %dot_general3A_85 = arith.constant dense<0.000000e+00> : vector<1600x64xf32>
    %dot_general3A_86 = tpu.matmul %mul3A_42, %get3A_84, %dot_general3A_85 {dimension_numbers = #tpu.dot_dimension_numbers<[1], [0], [0], [1], [0, 0, 1, 1], [], []>, transpose_lhs_hint = false} : vector<1600x128xf32>, vector<128x64xf32>, vector<1600x64xf32> -> vector<1600x64xf32>
    %swap3A_87 = arith.constant 0 : index
    %swap3A_88 = arith.constant 0 : index
    %swap3A_89 = vector.load %arg17[%swap3A_87, %swap3A_88] : memref<1600x64xf32, #tpu.memory_space<vmem>>, vector<1600x64xf32>
    tpu.vector_store %arg17[%swap3A_87, %swap3A_88], %dot_general3A_86 {strides = array<i32>} : memref<1600x64xf32, #tpu.memory_space<vmem>>, vector<1600x64xf32>,
    %mul3A_90 = arith.mulf %dot_general3A_74, %add3A_69 : vector<1600x64xf32>
    %get3A_91 = arith.constant 0 : index
    %get3A_92 = arith.constant 0 : index
    %get3A_93 = vector.load %arg13[%get3A_91, %get3A_92] : memref<1x64xf32, #tpu.memory_space<vmem>>, vector<1x64xf32>
    %add3A_94 = vector.broadcast %get3A_93 : vector<1x64xf32> to vector<1600x64xf32>
    %add3A_95 = arith.addf %mul3A_90, %add3A_94 : vector<1600x64xf32>
    %swap3A_96 = arith.constant 0 : index
    %swap3A_97 = arith.constant 0 : index
    %swap3A_98 = vector.load %arg18[%swap3A_96, %swap3A_97] : memref<1600x64xf32, #tpu.memory_space<vmem>>, vector<1600x64xf32>
    tpu.vector_store %arg18[%swap3A_96, %swap3A_97], %add3A_95 {strides = array<i32>} : memref<1600x64xf32, #tpu.memory_space<vmem>>, vector<1600x64xf32>,
    return
  }
  func.func @transform_0(%arg0: i32) -> (i32, i32) {
    %c0_i32 = arith.constant 0 : i32
    %c0_i32_0 = arith.constant 0 : i32
    return %arg0, %c0_i32 : i32, i32
  }
  func.func @transform_1(%arg0: i32) -> (i32, i32) {
    %c0_i32 = arith.constant 0 : i32
    %c0_i32_0 = arith.constant 0 : i32
    return %arg0, %c0_i32 : i32, i32
  }
  func.func @transform_2(%arg0: i32) -> (i32, i32) {
    %c0_i32 = arith.constant 0 : i32
    %c0_i32_0 = arith.constant 0 : i32
    %c0_i32_1 = arith.constant 0 : i32
    return %c0_i32, %c0_i32_0 : i32, i32
  }
  func.func @transform_3(%arg0: i32) -> (i32, i32) {
    %c0_i32 = arith.constant 0 : i32
    %c0_i32_0 = arith.constant 0 : i32
    %c0_i32_1 = arith.constant 0 : i32
    return %c0_i32, %c0_i32_0 : i32, i32
  }
  func.func @transform_4(%arg0: i32) -> (i32, i32) {
    %c0_i32 = arith.constant 0 : i32
    %c0_i32_0 = arith.constant 0 : i32
    %c0_i32_1 = arith.constant 0 : i32
    return %c0_i32, %c0_i32_0 : i32, i32
  }
  func.func @transform_5(%arg0: i32) -> (i32, i32) {
    %c0_i32 = arith.constant 0 : i32
    %c0_i32_0 = arith.constant 0 : i32
    %c0_i32_1 = arith.constant 0 : i32
    return %c0_i32, %c0_i32_0 : i32, i32
  }
  func.func @transform_6(%arg0: i32) -> (i32, i32) {
    %c0_i32 = arith.constant 0 : i32
    %c0_i32_0 = arith.constant 0 : i32
    %c0_i32_1 = arith.constant 0 : i32
    return %c0_i32, %c0_i32_0 : i32, i32
  }
  func.func @transform_7(%arg0: i32) -> (i32, i32) {
    %c0_i32 = arith.constant 0 : i32
    %c0_i32_0 = arith.constant 0 : i32
    %c0_i32_1 = arith.constant 0 : i32
    return %c0_i32, %c0_i32_0 : i32, i32
  }
  func.func @transform_8(%arg0: i32) -> (i32, i32) {
    %c0_i32 = arith.constant 0 : i32
    %c0_i32_0 = arith.constant 0 : i32
    %c0_i32_1 = arith.constant 0 : i32
    return %c0_i32, %c0_i32_0 : i32, i32
  }
  func.func @transform_9(%arg0: i32) -> (i32, i32) {
    %c0_i32 = arith.constant 0 : i32
    %c0_i32_0 = arith.constant 0 : i32
    %c0_i32_1 = arith.constant 0 : i32
    return %c0_i32, %c0_i32_0 : i32, i32
  }
  func.func @transform_10(%arg0: i32) -> (i32, i32) {
    %c0_i32 = arith.constant 0 : i32
    %c0_i32_0 = arith.constant 0 : i32
    %c0_i32_1 = arith.constant 0 : i32
    return %c0_i32, %c0_i32_0 : i32, i32
  }
  func.func @transform_11(%arg0: i32) -> (i32, i32) {
    %c0_i32 = arith.constant 0 : i32
    %c0_i32_0 = arith.constant 0 : i32
    %c0_i32_1 = arith.constant 0 : i32
    return %c0_i32, %c0_i32_0 : i32, i32
  }
  func.func @transform_12(%arg0: i32) -> (i32, i32) {
    %c0_i32 = arith.constant 0 : i32
    %c0_i32_0 = arith.constant 0 : i32
    %c0_i32_1 = arith.constant 0 : i32
    return %c0_i32, %c0_i32_0 : i32, i32
  }
  func.func @transform_13(%arg0: i32) -> (i32, i32) {
    %c0_i32 = arith.constant 0 : i32
    %c0_i32_0 = arith.constant 0 : i32
    %c0_i32_1 = arith.constant 0 : i32
    return %c0_i32, %c0_i32_0 : i32, i32
  }
  func.func @transform_14(%arg0: i32) -> (i32, i32) {
    %c0_i32 = arith.constant 0 : i32
    %c0_i32_0 = arith.constant 0 : i32
    %c0_i32_1 = arith.constant 0 : i32
    return %c0_i32, %c0_i32_0 : i32, i32
  }
  func.func @transform_15(%arg0: i32) -> (i32, i32) {
    %c0_i32 = arith.constant 0 : i32
    %c0_i32_0 = arith.constant 0 : i32
    return %arg0, %c0_i32 : i32, i32
  }
  func.func @transform_16(%arg0: i32) -> (i32, i32) {
    %c0_i32 = arith.constant 0 : i32
    %c0_i32_0 = arith.constant 0 : i32
    return %arg0, %c0_i32 : i32, i32
  }
  func.func @transform_17(%arg0: i32) -> (i32, i32) {
    %c0_i32 = arith.constant 0 : i32
    %c0_i32_0 = arith.constant 0 : i32
    return %arg0, %c0_i32 : i32, i32
  }
}

module attributes {stable_mosaic.version = 14 : i64} {
  func.func @_node0_body(%arg0: i32, %arg1: memref<2000x2xf32, #tpu.memory_space<vmem>>, %arg2: memref<2000x16xf32, #tpu.memory_space<vmem>>, %arg3: memref<2000x16xf32, #tpu.memory_space<vmem>>, %arg4: memref<2000x16xf32, #tpu.memory_space<vmem>>, %arg5: memref<2000x2xf32, #tpu.memory_space<vmem>>, %arg6: memref<2x32xf32, #tpu.memory_space<vmem>>, %arg7: memref<16x32xf32, #tpu.memory_space<vmem>>, %arg8: memref<16x32xf32, #tpu.memory_space<vmem>>, %arg9: memref<1x32xf32, #tpu.memory_space<vmem>>, %arg10: memref<32x32xf32, #tpu.memory_space<vmem>>, %arg11: memref<1x32xf32, #tpu.memory_space<vmem>>, %arg12: memref<32x32xf32, #tpu.memory_space<vmem>>, %arg13: memref<32x32xf32, #tpu.memory_space<vmem>>, %arg14: memref<1x32xf32, #tpu.memory_space<vmem>>, %arg15: memref<2000x48xf32, #tpu.memory_space<vmem>>, %arg16: memref<2000x48xf32, #tpu.memory_space<vmem>>) attributes {dimension_semantics = [#tpu.dimension_semantics<arbitrary>], iteration_bounds = array<i64: 50>, scalar_prefetch = 0 : i64, scratch_operands = 0 : i64, tpu.core_type = #tpu.core_type<tc>, window_params = [{transform_indices = @transform_0, window_bounds = array<i64: 2000, 2>}, {transform_indices = @transform_1, window_bounds = array<i64: 2000, 16>}, {transform_indices = @transform_2, window_bounds = array<i64: 2000, 16>}, {transform_indices = @transform_3, window_bounds = array<i64: 2000, 16>}, {transform_indices = @transform_4, window_bounds = array<i64: 2000, 2>}, {pipeline_mode = #tpu.pipeline_mode<synchronous>, transform_indices = @transform_5, window_bounds = array<i64: 2, 32>}, {pipeline_mode = #tpu.pipeline_mode<synchronous>, transform_indices = @transform_6, window_bounds = array<i64: 16, 32>}, {pipeline_mode = #tpu.pipeline_mode<synchronous>, transform_indices = @transform_7, window_bounds = array<i64: 16, 32>}, {pipeline_mode = #tpu.pipeline_mode<synchronous>, transform_indices = @transform_8, window_bounds = array<i64: 1, 32>}, {pipeline_mode = #tpu.pipeline_mode<synchronous>, transform_indices = @transform_9, window_bounds = array<i64: 32, 32>}, {pipeline_mode = #tpu.pipeline_mode<synchronous>, transform_indices = @transform_10, window_bounds = array<i64: 1, 32>}, {pipeline_mode = #tpu.pipeline_mode<synchronous>, transform_indices = @transform_11, window_bounds = array<i64: 32, 32>}, {pipeline_mode = #tpu.pipeline_mode<synchronous>, transform_indices = @transform_12, window_bounds = array<i64: 32, 32>}, {pipeline_mode = #tpu.pipeline_mode<synchronous>, transform_indices = @transform_13, window_bounds = array<i64: 1, 32>}, {transform_indices = @transform_14, window_bounds = array<i64: 2000, 48>}, {transform_indices = @transform_15, window_bounds = array<i64: 2000, 48>}]} {
    %get3A = arith.constant 0 : index
    %get3A_0 = arith.constant 0 : index
    %get3A_1 = vector.load %arg4[%get3A, %get3A_0] : memref<2000x16xf32, #tpu.memory_space<vmem>>, vector<2000x16xf32>
    %slice3A = vector.extract_strided_slice %get3A_1 {offsets = [0, 0], sizes = [2000, 2], strides = [1, 1]} : vector<2000x16xf32> to vector<2000x2xf32>
    %slice3A_2 = vector.extract_strided_slice %get3A_1 {offsets = [0, 2], sizes = [2000, 1], strides = [1, 1]} : vector<2000x16xf32> to vector<2000x1xf32>
    %get3A_3 = arith.constant 0 : index
    %get3A_4 = arith.constant 0 : index
    %get3A_5 = vector.load %arg5[%get3A_3, %get3A_4] : memref<2000x2xf32, #tpu.memory_space<vmem>>, vector<2000x2xf32>
    %max3A = arith.constant 1.000000e+00 : f32
    %max3A_6 = vector.broadcast %max3A : f32 to vector<2000x1xf32>
    %max3A_7 = arith.maximumf %slice3A_2, %max3A_6 : vector<2000x1xf32>
    %div3A = vector.broadcast %max3A_7 : vector<2000x1xf32> to vector<2000x2xf32>
    %div3A_8 = arith.divf %slice3A, %div3A : vector<2000x2xf32>
    %add3A = arith.addf %get3A_5, %div3A_8 : vector<2000x2xf32>
    %get3A_9 = arith.constant 0 : index
    %get3A_10 = arith.constant 0 : index
    %get3A_11 = vector.load %arg1[%get3A_9, %get3A_10] : memref<2000x2xf32, #tpu.memory_space<vmem>>, vector<2000x2xf32>
    %get3A_12 = arith.constant 0 : index
    %get3A_13 = arith.constant 0 : index
    %get3A_14 = vector.load %arg6[%get3A_12, %get3A_13] : memref<2x32xf32, #tpu.memory_space<vmem>>, vector<2x32xf32>
    %dot_general3A = arith.constant dense<0.000000e+00> : vector<2000x32xf32>
    %dot_general3A_15 = tpu.matmul %get3A_11, %get3A_14, %dot_general3A {dimension_numbers = #tpu.dot_dimension_numbers<[1], [0], [0], [1], [0, 0, 1, 1], [], []>, transpose_lhs_hint = false} : vector<2000x2xf32>, vector<2x32xf32>, vector<2000x32xf32> -> vector<2000x32xf32>
    %get3A_16 = arith.constant 0 : index
    %get3A_17 = arith.constant 0 : index
    %get3A_18 = vector.load %arg2[%get3A_16, %get3A_17] : memref<2000x16xf32, #tpu.memory_space<vmem>>, vector<2000x16xf32>
    %get3A_19 = arith.constant 0 : index
    %get3A_20 = arith.constant 0 : index
    %get3A_21 = vector.load %arg7[%get3A_19, %get3A_20] : memref<16x32xf32, #tpu.memory_space<vmem>>, vector<16x32xf32>
    %dot_general3A_22 = arith.constant dense<0.000000e+00> : vector<2000x32xf32>
    %dot_general3A_23 = tpu.matmul %get3A_18, %get3A_21, %dot_general3A_22 {dimension_numbers = #tpu.dot_dimension_numbers<[1], [0], [0], [1], [0, 0, 1, 1], [], []>, transpose_lhs_hint = false} : vector<2000x16xf32>, vector<16x32xf32>, vector<2000x32xf32> -> vector<2000x32xf32>
    %add3A_24 = arith.addf %dot_general3A_15, %dot_general3A_23 : vector<2000x32xf32>
    %get3A_25 = arith.constant 0 : index
    %get3A_26 = arith.constant 0 : index
    %get3A_27 = vector.load %arg3[%get3A_25, %get3A_26] : memref<2000x16xf32, #tpu.memory_space<vmem>>, vector<2000x16xf32>
    %get3A_28 = arith.constant 0 : index
    %get3A_29 = arith.constant 0 : index
    %get3A_30 = vector.load %arg8[%get3A_28, %get3A_29] : memref<16x32xf32, #tpu.memory_space<vmem>>, vector<16x32xf32>
    %dot_general3A_31 = arith.constant dense<0.000000e+00> : vector<2000x32xf32>
    %dot_general3A_32 = tpu.matmul %get3A_27, %get3A_30, %dot_general3A_31 {dimension_numbers = #tpu.dot_dimension_numbers<[1], [0], [0], [1], [0, 0, 1, 1], [], []>, transpose_lhs_hint = false} : vector<2000x16xf32>, vector<16x32xf32>, vector<2000x32xf32> -> vector<2000x32xf32>
    %add3A_33 = arith.addf %add3A_24, %dot_general3A_32 : vector<2000x32xf32>
    %get3A_34 = arith.constant 0 : index
    %get3A_35 = arith.constant 0 : index
    %get3A_36 = vector.load %arg9[%get3A_34, %get3A_35] : memref<1x32xf32, #tpu.memory_space<vmem>>, vector<1x32xf32>
    %add3A_37 = vector.broadcast %get3A_36 : vector<1x32xf32> to vector<2000x32xf32>
    %add3A_38 = arith.addf %add3A_33, %add3A_37 : vector<2000x32xf32>
    %logistic3A = arith.negf %add3A_38 : vector<2000x32xf32>
    %logistic3A_39 = math.exp %logistic3A : vector<2000x32xf32>
    %logistic3A_40 = arith.constant 1.000000e+00 : f32
    %logistic3A_41 = vector.broadcast %logistic3A_40 : f32 to vector<2000x32xf32>
    %logistic3A_42 = arith.addf %logistic3A_41, %logistic3A_39 : vector<2000x32xf32>
    %logistic3A_43 = arith.divf %logistic3A_41, %logistic3A_42 : vector<2000x32xf32>
    %mul3A = arith.mulf %add3A_38, %logistic3A_43 : vector<2000x32xf32>
    %get3A_44 = arith.constant 0 : index
    %get3A_45 = arith.constant 0 : index
    %get3A_46 = vector.load %arg10[%get3A_44, %get3A_45] : memref<32x32xf32, #tpu.memory_space<vmem>>, vector<32x32xf32>
    %dot_general3A_47 = arith.constant dense<0.000000e+00> : vector<2000x32xf32>
    %dot_general3A_48 = tpu.matmul %mul3A, %get3A_46, %dot_general3A_47 {dimension_numbers = #tpu.dot_dimension_numbers<[1], [0], [0], [1], [0, 0, 1, 1], [], []>, transpose_lhs_hint = false} : vector<2000x32xf32>, vector<32x32xf32>, vector<2000x32xf32> -> vector<2000x32xf32>
    %get3A_49 = arith.constant 0 : index
    %get3A_50 = arith.constant 0 : index
    %get3A_51 = vector.load %arg11[%get3A_49, %get3A_50] : memref<1x32xf32, #tpu.memory_space<vmem>>, vector<1x32xf32>
    %add3A_52 = vector.broadcast %get3A_51 : vector<1x32xf32> to vector<2000x32xf32>
    %add3A_53 = arith.addf %dot_general3A_48, %add3A_52 : vector<2000x32xf32>
    %broadcast_in_dim3A = arith.constant 0.000000e+00 : f32
    %broadcast_in_dim3A_54 = vector.broadcast %broadcast_in_dim3A : f32 to vector<2000x14xf32>
    %get3A_55 = arith.constant 0 : index
    %get3A_56 = arith.constant 0 : index
    %get3A_57 = vector.load %arg12[%get3A_55, %get3A_56] : memref<32x32xf32, #tpu.memory_space<vmem>>, vector<32x32xf32>
    %dot_general3A_58 = arith.constant dense<0.000000e+00> : vector<2000x32xf32>
    %dot_general3A_59 = tpu.matmul %add3A_53, %get3A_57, %dot_general3A_58 {dimension_numbers = #tpu.dot_dimension_numbers<[1], [0], [0], [1], [0, 0, 1, 1], [], []>, transpose_lhs_hint = false} : vector<2000x32xf32>, vector<32x32xf32>, vector<2000x32xf32> -> vector<2000x32xf32>
    %get3A_60 = arith.constant 0 : index
    %get3A_61 = arith.constant 0 : index
    %get3A_62 = vector.load %arg14[%get3A_60, %get3A_61] : memref<1x32xf32, #tpu.memory_space<vmem>>, vector<1x32xf32>
    %add3A_63 = vector.broadcast %get3A_62 : vector<1x32xf32> to vector<2000x32xf32>
    %add3A_64 = arith.addf %dot_general3A_59, %add3A_63 : vector<2000x32xf32>
    %get3A_65 = arith.constant 0 : index
    %get3A_66 = arith.constant 0 : index
    %get3A_67 = vector.load %arg13[%get3A_65, %get3A_66] : memref<32x32xf32, #tpu.memory_space<vmem>>, vector<32x32xf32>
    %dot_general3A_68 = arith.constant dense<0.000000e+00> : vector<2000x32xf32>
    %dot_general3A_69 = tpu.matmul %add3A_53, %get3A_67, %dot_general3A_68 {dimension_numbers = #tpu.dot_dimension_numbers<[1], [0], [0], [1], [0, 0, 1, 1], [], []>, transpose_lhs_hint = false} : vector<2000x32xf32>, vector<32x32xf32>, vector<2000x32xf32> -> vector<2000x32xf32>
    %concatenate3A = tpu.concatenate %add3A_64, %add3A, %broadcast_in_dim3A_54 in 1 : vector<2000x32xf32>, vector<2000x2xf32>, vector<2000x14xf32> -> vector<2000x48xf32>
    %swap3A = arith.constant 0 : index
    %swap3A_70 = arith.constant 0 : index
    %swap3A_71 = vector.load %arg15[%swap3A, %swap3A_70] : memref<2000x48xf32, #tpu.memory_space<vmem>>, vector<2000x48xf32>
    tpu.vector_store %arg15[%swap3A, %swap3A_70], %concatenate3A {strides = array<i32>} : memref<2000x48xf32, #tpu.memory_space<vmem>>, vector<2000x48xf32>,
    %neg3A = arith.constant 0.000000e+00 : f32
    %neg3A_72 = vector.broadcast %neg3A : f32 to vector<2000x2xf32>
    %neg3A_73 = arith.subf %neg3A_72, %add3A : vector<2000x2xf32>
    %concatenate3A_74 = tpu.concatenate %dot_general3A_69, %neg3A_73, %broadcast_in_dim3A_54 in 1 : vector<2000x32xf32>, vector<2000x2xf32>, vector<2000x14xf32> -> vector<2000x48xf32>
    %swap3A_75 = arith.constant 0 : index
    %swap3A_76 = arith.constant 0 : index
    %swap3A_77 = vector.load %arg16[%swap3A_75, %swap3A_76] : memref<2000x48xf32, #tpu.memory_space<vmem>>, vector<2000x48xf32>
    tpu.vector_store %arg16[%swap3A_75, %swap3A_76], %concatenate3A_74 {strides = array<i32>} : memref<2000x48xf32, #tpu.memory_space<vmem>>, vector<2000x48xf32>,
    return
  }
  func.func @transform_0(%arg0: i32) -> (i32, i32) {
    %c0_i32 = arith.constant 0 : i32
    %c0_i32_0 = arith.constant 0 : i32
    return %arg0, %c0_i32 : i32, i32
  }
  func.func @transform_1(%arg0: i32) -> (i32, i32) {
    %c0_i32 = arith.constant 0 : i32
    %c0_i32_0 = arith.constant 0 : i32
    return %arg0, %c0_i32 : i32, i32
  }
  func.func @transform_2(%arg0: i32) -> (i32, i32) {
    %c0_i32 = arith.constant 0 : i32
    %c0_i32_0 = arith.constant 0 : i32
    return %arg0, %c0_i32 : i32, i32
  }
  func.func @transform_3(%arg0: i32) -> (i32, i32) {
    %c0_i32 = arith.constant 0 : i32
    %c0_i32_0 = arith.constant 0 : i32
    return %arg0, %c0_i32 : i32, i32
  }
  func.func @transform_4(%arg0: i32) -> (i32, i32) {
    %c0_i32 = arith.constant 0 : i32
    %c0_i32_0 = arith.constant 0 : i32
    return %arg0, %c0_i32 : i32, i32
  }
  func.func @transform_5(%arg0: i32) -> (i32, i32) {
    %c0_i32 = arith.constant 0 : i32
    %c0_i32_0 = arith.constant 0 : i32
    %c0_i32_1 = arith.constant 0 : i32
    return %c0_i32, %c0_i32_0 : i32, i32
  }
  func.func @transform_6(%arg0: i32) -> (i32, i32) {
    %c0_i32 = arith.constant 0 : i32
    %c0_i32_0 = arith.constant 0 : i32
    %c0_i32_1 = arith.constant 0 : i32
    return %c0_i32, %c0_i32_0 : i32, i32
  }
  func.func @transform_7(%arg0: i32) -> (i32, i32) {
    %c0_i32 = arith.constant 0 : i32
    %c0_i32_0 = arith.constant 0 : i32
    %c0_i32_1 = arith.constant 0 : i32
    return %c0_i32, %c0_i32_0 : i32, i32
  }
  func.func @transform_8(%arg0: i32) -> (i32, i32) {
    %c0_i32 = arith.constant 0 : i32
    %c0_i32_0 = arith.constant 0 : i32
    %c0_i32_1 = arith.constant 0 : i32
    return %c0_i32, %c0_i32_0 : i32, i32
  }
  func.func @transform_9(%arg0: i32) -> (i32, i32) {
    %c0_i32 = arith.constant 0 : i32
    %c0_i32_0 = arith.constant 0 : i32
    %c0_i32_1 = arith.constant 0 : i32
    return %c0_i32, %c0_i32_0 : i32, i32
  }
  func.func @transform_10(%arg0: i32) -> (i32, i32) {
    %c0_i32 = arith.constant 0 : i32
    %c0_i32_0 = arith.constant 0 : i32
    %c0_i32_1 = arith.constant 0 : i32
    return %c0_i32, %c0_i32_0 : i32, i32
  }
  func.func @transform_11(%arg0: i32) -> (i32, i32) {
    %c0_i32 = arith.constant 0 : i32
    %c0_i32_0 = arith.constant 0 : i32
    %c0_i32_1 = arith.constant 0 : i32
    return %c0_i32, %c0_i32_0 : i32, i32
  }
  func.func @transform_12(%arg0: i32) -> (i32, i32) {
    %c0_i32 = arith.constant 0 : i32
    %c0_i32_0 = arith.constant 0 : i32
    %c0_i32_1 = arith.constant 0 : i32
    return %c0_i32, %c0_i32_0 : i32, i32
  }
  func.func @transform_13(%arg0: i32) -> (i32, i32) {
    %c0_i32 = arith.constant 0 : i32
    %c0_i32_0 = arith.constant 0 : i32
    %c0_i32_1 = arith.constant 0 : i32
    return %c0_i32, %c0_i32_0 : i32, i32
  }
  func.func @transform_14(%arg0: i32) -> (i32, i32) {
    %c0_i32 = arith.constant 0 : i32
    %c0_i32_0 = arith.constant 0 : i32
    return %arg0, %c0_i32 : i32, i32
  }
  func.func @transform_15(%arg0: i32) -> (i32, i32) {
    %c0_i32 = arith.constant 0 : i32
    %c0_i32_0 = arith.constant 0 : i32
    return %arg0, %c0_i32 : i32, i32
  }
}

module attributes {stable_mosaic.version = 14 : i64} {
  func.func @_edge_body(%arg0: i32, %arg1: memref<1600x192xf32, #tpu.memory_space<vmem>>, %arg2: memref<1600x4xf32, #tpu.memory_space<vmem>>, %arg3: memref<192x128xf32, #tpu.memory_space<vmem>>, %arg4: memref<192x128xf32, #tpu.memory_space<vmem>>, %arg5: memref<4x128xf32, #tpu.memory_space<vmem>>, %arg6: memref<128x128xf32, #tpu.memory_space<vmem>>, %arg7: memref<1x128xf32, #tpu.memory_space<vmem>>, %arg8: memref<128x128xf32, #tpu.memory_space<vmem>>, %arg9: memref<1x128xf32, #tpu.memory_space<vmem>>, %arg10: memref<128x64xf32, #tpu.memory_space<vmem>>, %arg11: memref<1x64xf32, #tpu.memory_space<vmem>>, %arg12: memref<192x64xf32, #tpu.memory_space<vmem>>, %arg13: memref<1x64xf32, #tpu.memory_space<vmem>>, %arg14: memref<128x64xf32, #tpu.memory_space<vmem>>, %arg15: memref<128x64xf32, #tpu.memory_space<vmem>>, %arg16: memref<1600x64xf32, #tpu.memory_space<vmem>>) attributes {dimension_semantics = [#tpu.dimension_semantics<arbitrary>], iteration_bounds = array<i64: 500>, scalar_prefetch = 0 : i64, scratch_operands = 0 : i64, tpu.core_type = #tpu.core_type<tc>, window_params = [{transform_indices = @transform_0, window_bounds = array<i64: 1600, 192>}, {transform_indices = @transform_1, window_bounds = array<i64: 1600, 4>}, {pipeline_mode = #tpu.pipeline_mode<synchronous>, transform_indices = @transform_2, window_bounds = array<i64: 192, 128>}, {pipeline_mode = #tpu.pipeline_mode<synchronous>, transform_indices = @transform_3, window_bounds = array<i64: 192, 128>}, {pipeline_mode = #tpu.pipeline_mode<synchronous>, transform_indices = @transform_4, window_bounds = array<i64: 4, 128>}, {pipeline_mode = #tpu.pipeline_mode<synchronous>, transform_indices = @transform_5, window_bounds = array<i64: 128, 128>}, {pipeline_mode = #tpu.pipeline_mode<synchronous>, transform_indices = @transform_6, window_bounds = array<i64: 1, 128>}, {pipeline_mode = #tpu.pipeline_mode<synchronous>, transform_indices = @transform_7, window_bounds = array<i64: 128, 128>}, {pipeline_mode = #tpu.pipeline_mode<synchronous>, transform_indices = @transform_8, window_bounds = array<i64: 1, 128>}, {pipeline_mode = #tpu.pipeline_mode<synchronous>, transform_indices = @transform_9, window_bounds = array<i64: 128, 64>}, {pipeline_mode = #tpu.pipeline_mode<synchronous>, transform_indices = @transform_10, window_bounds = array<i64: 1, 64>}, {pipeline_mode = #tpu.pipeline_mode<synchronous>, transform_indices = @transform_11, window_bounds = array<i64: 192, 64>}, {pipeline_mode = #tpu.pipeline_mode<synchronous>, transform_indices = @transform_12, window_bounds = array<i64: 1, 64>}, {pipeline_mode = #tpu.pipeline_mode<synchronous>, transform_indices = @transform_13, window_bounds = array<i64: 128, 64>}, {pipeline_mode = #tpu.pipeline_mode<synchronous>, transform_indices = @transform_14, window_bounds = array<i64: 128, 64>}, {transform_indices = @transform_15, window_bounds = array<i64: 1600, 64>}]} {
    %get3A = arith.constant 0 : index
    %get3A_0 = arith.constant 0 : index
    %get3A_1 = vector.load %arg1[%get3A, %get3A_0] : memref<1600x192xf32, #tpu.memory_space<vmem>>, vector<1600x192xf32>
    %mul3A = arith.mulf %get3A_1, %get3A_1 : vector<1600x192xf32>
    %get3A_2 = arith.constant 0 : index
    %get3A_3 = arith.constant 0 : index
    %get3A_4 = vector.load %arg3[%get3A_2, %get3A_3] : memref<192x128xf32, #tpu.memory_space<vmem>>, vector<192x128xf32>
    %dot_general3A = arith.constant dense<0.000000e+00> : vector<1600x128xf32>
    %dot_general3A_5 = tpu.matmul %get3A_1, %get3A_4, %dot_general3A {dimension_numbers = #tpu.dot_dimension_numbers<[1], [0], [0], [1], [0, 0, 1, 1], [], []>, transpose_lhs_hint = false} : vector<1600x192xf32>, vector<192x128xf32>, vector<1600x128xf32> -> vector<1600x128xf32>
    %get3A_6 = arith.constant 0 : index
    %get3A_7 = arith.constant 0 : index
    %get3A_8 = vector.load %arg4[%get3A_6, %get3A_7] : memref<192x128xf32, #tpu.memory_space<vmem>>, vector<192x128xf32>
    %dot_general3A_9 = arith.constant dense<0.000000e+00> : vector<1600x128xf32>
    %dot_general3A_10 = tpu.matmul %mul3A, %get3A_8, %dot_general3A_9 {dimension_numbers = #tpu.dot_dimension_numbers<[1], [0], [0], [1], [0, 0, 1, 1], [], []>, transpose_lhs_hint = false} : vector<1600x192xf32>, vector<192x128xf32>, vector<1600x128xf32> -> vector<1600x128xf32>
    %add3A = arith.addf %dot_general3A_5, %dot_general3A_10 : vector<1600x128xf32>
    %get3A_11 = arith.constant 0 : index
    %get3A_12 = arith.constant 0 : index
    %get3A_13 = vector.load %arg2[%get3A_11, %get3A_12] : memref<1600x4xf32, #tpu.memory_space<vmem>>, vector<1600x4xf32>
    %get3A_14 = arith.constant 0 : index
    %get3A_15 = arith.constant 0 : index
    %get3A_16 = vector.load %arg5[%get3A_14, %get3A_15] : memref<4x128xf32, #tpu.memory_space<vmem>>, vector<4x128xf32>
    %dot_general3A_17 = arith.constant dense<0.000000e+00> : vector<1600x128xf32>
    %dot_general3A_18 = tpu.matmul %get3A_13, %get3A_16, %dot_general3A_17 {dimension_numbers = #tpu.dot_dimension_numbers<[1], [0], [0], [1], [0, 0, 1, 1], [], []>, transpose_lhs_hint = false} : vector<1600x4xf32>, vector<4x128xf32>, vector<1600x128xf32> -> vector<1600x128xf32>
    %add3A_19 = arith.addf %add3A, %dot_general3A_18 : vector<1600x128xf32>
    %logistic3A = arith.negf %add3A_19 : vector<1600x128xf32>
    %logistic3A_20 = math.exp %logistic3A : vector<1600x128xf32>
    %logistic3A_21 = arith.constant 1.000000e+00 : f32
    %logistic3A_22 = vector.broadcast %logistic3A_21 : f32 to vector<1600x128xf32>
    %logistic3A_23 = arith.addf %logistic3A_22, %logistic3A_20 : vector<1600x128xf32>
    %logistic3A_24 = arith.divf %logistic3A_22, %logistic3A_23 : vector<1600x128xf32>
    %mul3A_25 = arith.mulf %add3A_19, %logistic3A_24 : vector<1600x128xf32>
    %get3A_26 = arith.constant 0 : index
    %get3A_27 = arith.constant 0 : index
    %get3A_28 = vector.load %arg6[%get3A_26, %get3A_27] : memref<128x128xf32, #tpu.memory_space<vmem>>, vector<128x128xf32>
    %dot_general3A_29 = arith.constant dense<0.000000e+00> : vector<1600x128xf32>
    %dot_general3A_30 = tpu.matmul %mul3A_25, %get3A_28, %dot_general3A_29 {dimension_numbers = #tpu.dot_dimension_numbers<[1], [0], [0], [1], [0, 0, 1, 1], [], []>, transpose_lhs_hint = false} : vector<1600x128xf32>, vector<128x128xf32>, vector<1600x128xf32> -> vector<1600x128xf32>
    %get3A_31 = arith.constant 0 : index
    %get3A_32 = arith.constant 0 : index
    %get3A_33 = vector.load %arg7[%get3A_31, %get3A_32] : memref<1x128xf32, #tpu.memory_space<vmem>>, vector<1x128xf32>
    %add3A_34 = vector.broadcast %get3A_33 : vector<1x128xf32> to vector<1600x128xf32>
    %add3A_35 = arith.addf %dot_general3A_30, %add3A_34 : vector<1600x128xf32>
    %logistic3A_36 = arith.negf %add3A_35 : vector<1600x128xf32>
    %logistic3A_37 = math.exp %logistic3A_36 : vector<1600x128xf32>
    %logistic3A_38 = arith.constant 1.000000e+00 : f32
    %logistic3A_39 = vector.broadcast %logistic3A_38 : f32 to vector<1600x128xf32>
    %logistic3A_40 = arith.addf %logistic3A_39, %logistic3A_37 : vector<1600x128xf32>
    %logistic3A_41 = arith.divf %logistic3A_39, %logistic3A_40 : vector<1600x128xf32>
    %mul3A_42 = arith.mulf %add3A_35, %logistic3A_41 : vector<1600x128xf32>
    %get3A_43 = arith.constant 0 : index
    %get3A_44 = arith.constant 0 : index
    %get3A_45 = vector.load %arg8[%get3A_43, %get3A_44] : memref<128x128xf32, #tpu.memory_space<vmem>>, vector<128x128xf32>
    %dot_general3A_46 = arith.constant dense<0.000000e+00> : vector<1600x128xf32>
    %dot_general3A_47 = tpu.matmul %mul3A_42, %get3A_45, %dot_general3A_46 {dimension_numbers = #tpu.dot_dimension_numbers<[1], [0], [0], [1], [0, 0, 1, 1], [], []>, transpose_lhs_hint = false} : vector<1600x128xf32>, vector<128x128xf32>, vector<1600x128xf32> -> vector<1600x128xf32>
    %get3A_48 = arith.constant 0 : index
    %get3A_49 = arith.constant 0 : index
    %get3A_50 = vector.load %arg9[%get3A_48, %get3A_49] : memref<1x128xf32, #tpu.memory_space<vmem>>, vector<1x128xf32>
    %add3A_51 = vector.broadcast %get3A_50 : vector<1x128xf32> to vector<1600x128xf32>
    %add3A_52 = arith.addf %dot_general3A_47, %add3A_51 : vector<1600x128xf32>
    %logistic3A_53 = arith.negf %add3A_52 : vector<1600x128xf32>
    %logistic3A_54 = math.exp %logistic3A_53 : vector<1600x128xf32>
    %logistic3A_55 = arith.constant 1.000000e+00 : f32
    %logistic3A_56 = vector.broadcast %logistic3A_55 : f32 to vector<1600x128xf32>
    %logistic3A_57 = arith.addf %logistic3A_56, %logistic3A_54 : vector<1600x128xf32>
    %logistic3A_58 = arith.divf %logistic3A_56, %logistic3A_57 : vector<1600x128xf32>
    %mul3A_59 = arith.mulf %add3A_52, %logistic3A_58 : vector<1600x128xf32>
    %get3A_60 = arith.constant 0 : index
    %get3A_61 = arith.constant 0 : index
    %get3A_62 = vector.load %arg10[%get3A_60, %get3A_61] : memref<128x64xf32, #tpu.memory_space<vmem>>, vector<128x64xf32>
    %dot_general3A_63 = arith.constant dense<0.000000e+00> : vector<1600x64xf32>
    %dot_general3A_64 = tpu.matmul %mul3A_59, %get3A_62, %dot_general3A_63 {dimension_numbers = #tpu.dot_dimension_numbers<[1], [0], [0], [1], [0, 0, 1, 1], [], []>, transpose_lhs_hint = false} : vector<1600x128xf32>, vector<128x64xf32>, vector<1600x64xf32> -> vector<1600x64xf32>
    %get3A_65 = arith.constant 0 : index
    %get3A_66 = arith.constant 0 : index
    %get3A_67 = vector.load %arg11[%get3A_65, %get3A_66] : memref<1x64xf32, #tpu.memory_space<vmem>>, vector<1x64xf32>
    %add3A_68 = vector.broadcast %get3A_67 : vector<1x64xf32> to vector<1600x64xf32>
    %add3A_69 = arith.addf %dot_general3A_64, %add3A_68 : vector<1600x64xf32>
    %get3A_70 = arith.constant 0 : index
    %get3A_71 = arith.constant 0 : index
    %get3A_72 = vector.load %arg12[%get3A_70, %get3A_71] : memref<192x64xf32, #tpu.memory_space<vmem>>, vector<192x64xf32>
    %dot_general3A_73 = arith.constant dense<0.000000e+00> : vector<1600x64xf32>
    %dot_general3A_74 = tpu.matmul %get3A_1, %get3A_72, %dot_general3A_73 {dimension_numbers = #tpu.dot_dimension_numbers<[1], [0], [0], [1], [0, 0, 1, 1], [], []>, transpose_lhs_hint = false} : vector<1600x192xf32>, vector<192x64xf32>, vector<1600x64xf32> -> vector<1600x64xf32>
    %mul3A_75 = arith.mulf %dot_general3A_74, %add3A_69 : vector<1600x64xf32>
    %get3A_76 = arith.constant 0 : index
    %get3A_77 = arith.constant 0 : index
    %get3A_78 = vector.load %arg13[%get3A_76, %get3A_77] : memref<1x64xf32, #tpu.memory_space<vmem>>, vector<1x64xf32>
    %add3A_79 = vector.broadcast %get3A_78 : vector<1x64xf32> to vector<1600x64xf32>
    %add3A_80 = arith.addf %mul3A_75, %add3A_79 : vector<1600x64xf32>
    %swap3A = arith.constant 0 : index
    %swap3A_81 = arith.constant 0 : index
    %swap3A_82 = vector.load %arg16[%swap3A, %swap3A_81] : memref<1600x64xf32, #tpu.memory_space<vmem>>, vector<1600x64xf32>
    tpu.vector_store %arg16[%swap3A, %swap3A_81], %add3A_80 {strides = array<i32>} : memref<1600x64xf32, #tpu.memory_space<vmem>>, vector<1600x64xf32>,
    return
  }
  func.func @transform_0(%arg0: i32) -> (i32, i32) {
    %c0_i32 = arith.constant 0 : i32
    %c0_i32_0 = arith.constant 0 : i32
    return %arg0, %c0_i32 : i32, i32
  }
  func.func @transform_1(%arg0: i32) -> (i32, i32) {
    %c0_i32 = arith.constant 0 : i32
    %c0_i32_0 = arith.constant 0 : i32
    return %arg0, %c0_i32 : i32, i32
  }
  func.func @transform_2(%arg0: i32) -> (i32, i32) {
    %c0_i32 = arith.constant 0 : i32
    %c0_i32_0 = arith.constant 0 : i32
    %c0_i32_1 = arith.constant 0 : i32
    return %c0_i32, %c0_i32_0 : i32, i32
  }
  func.func @transform_3(%arg0: i32) -> (i32, i32) {
    %c0_i32 = arith.constant 0 : i32
    %c0_i32_0 = arith.constant 0 : i32
    %c0_i32_1 = arith.constant 0 : i32
    return %c0_i32, %c0_i32_0 : i32, i32
  }
  func.func @transform_4(%arg0: i32) -> (i32, i32) {
    %c0_i32 = arith.constant 0 : i32
    %c0_i32_0 = arith.constant 0 : i32
    %c0_i32_1 = arith.constant 0 : i32
    return %c0_i32, %c0_i32_0 : i32, i32
  }
  func.func @transform_5(%arg0: i32) -> (i32, i32) {
    %c0_i32 = arith.constant 0 : i32
    %c0_i32_0 = arith.constant 0 : i32
    %c0_i32_1 = arith.constant 0 : i32
    return %c0_i32, %c0_i32_0 : i32, i32
  }
  func.func @transform_6(%arg0: i32) -> (i32, i32) {
    %c0_i32 = arith.constant 0 : i32
    %c0_i32_0 = arith.constant 0 : i32
    %c0_i32_1 = arith.constant 0 : i32
    return %c0_i32, %c0_i32_0 : i32, i32
  }
  func.func @transform_7(%arg0: i32) -> (i32, i32) {
    %c0_i32 = arith.constant 0 : i32
    %c0_i32_0 = arith.constant 0 : i32
    %c0_i32_1 = arith.constant 0 : i32
    return %c0_i32, %c0_i32_0 : i32, i32
  }
  func.func @transform_8(%arg0: i32) -> (i32, i32) {
    %c0_i32 = arith.constant 0 : i32
    %c0_i32_0 = arith.constant 0 : i32
    %c0_i32_1 = arith.constant 0 : i32
    return %c0_i32, %c0_i32_0 : i32, i32
  }
  func.func @transform_9(%arg0: i32) -> (i32, i32) {
    %c0_i32 = arith.constant 0 : i32
    %c0_i32_0 = arith.constant 0 : i32
    %c0_i32_1 = arith.constant 0 : i32
    return %c0_i32, %c0_i32_0 : i32, i32
  }
  func.func @transform_10(%arg0: i32) -> (i32, i32) {
    %c0_i32 = arith.constant 0 : i32
    %c0_i32_0 = arith.constant 0 : i32
    %c0_i32_1 = arith.constant 0 : i32
    return %c0_i32, %c0_i32_0 : i32, i32
  }
  func.func @transform_11(%arg0: i32) -> (i32, i32) {
    %c0_i32 = arith.constant 0 : i32
    %c0_i32_0 = arith.constant 0 : i32
    %c0_i32_1 = arith.constant 0 : i32
    return %c0_i32, %c0_i32_0 : i32, i32
  }
  func.func @transform_12(%arg0: i32) -> (i32, i32) {
    %c0_i32 = arith.constant 0 : i32
    %c0_i32_0 = arith.constant 0 : i32
    %c0_i32_1 = arith.constant 0 : i32
    return %c0_i32, %c0_i32_0 : i32, i32
  }
  func.func @transform_13(%arg0: i32) -> (i32, i32) {
    %c0_i32 = arith.constant 0 : i32
    %c0_i32_0 = arith.constant 0 : i32
    %c0_i32_1 = arith.constant 0 : i32
    return %c0_i32, %c0_i32_0 : i32, i32
  }
  func.func @transform_14(%arg0: i32) -> (i32, i32) {
    %c0_i32 = arith.constant 0 : i32
    %c0_i32_0 = arith.constant 0 : i32
    %c0_i32_1 = arith.constant 0 : i32
    return %c0_i32, %c0_i32_0 : i32, i32
  }
  func.func @transform_15(%arg0: i32) -> (i32, i32) {
    %c0_i32 = arith.constant 0 : i32
    %c0_i32_0 = arith.constant 0 : i32
    return %arg0, %c0_i32 : i32, i32
  }
}

module attributes {stable_mosaic.version = 14 : i64} {
  func.func @_node1_body(%arg0: i32, %arg1: memref<2000x48xf32, #tpu.memory_space<vmem>>, %arg2: memref<2000x16xf32, #tpu.memory_space<vmem>>, %arg3: memref<2000x2xf32, #tpu.memory_space<vmem>>) attributes {dimension_semantics = [#tpu.dimension_semantics<arbitrary>], iteration_bounds = array<i64: 50>, scalar_prefetch = 0 : i64, scratch_operands = 0 : i64, tpu.core_type = #tpu.core_type<tc>, window_params = [{transform_indices = @transform_0, window_bounds = array<i64: 2000, 48>}, {transform_indices = @transform_1, window_bounds = array<i64: 2000, 16>}, {transform_indices = @transform_2, window_bounds = array<i64: 2000, 2>}]} {
    %get3A = arith.constant 0 : index
    %get3A_0 = arith.constant 0 : index
    %get3A_1 = vector.load %arg2[%get3A, %get3A_0] : memref<2000x16xf32, #tpu.memory_space<vmem>>, vector<2000x16xf32>
    %slice3A = vector.extract_strided_slice %get3A_1 {offsets = [0, 0], sizes = [2000, 2], strides = [1, 1]} : vector<2000x16xf32> to vector<2000x2xf32>
    %slice3A_2 = vector.extract_strided_slice %get3A_1 {offsets = [0, 2], sizes = [2000, 1], strides = [1, 1]} : vector<2000x16xf32> to vector<2000x1xf32>
    %get3A_3 = arith.constant 0 : index
    %get3A_4 = arith.constant 32 : index
    %get3A_5 = vector.load %arg1[%get3A_3, %get3A_4] : memref<2000x48xf32, #tpu.memory_space<vmem>>, vector<2000x2xf32>
    %max3A = arith.constant 1.000000e+00 : f32
    %max3A_6 = vector.broadcast %max3A : f32 to vector<2000x1xf32>
    %max3A_7 = arith.maximumf %slice3A_2, %max3A_6 : vector<2000x1xf32>
    %div3A = vector.broadcast %max3A_7 : vector<2000x1xf32> to vector<2000x2xf32>
    %div3A_8 = arith.divf %slice3A, %div3A : vector<2000x2xf32>
    %add3A = arith.addf %get3A_5, %div3A_8 : vector<2000x2xf32>
    %swap3A = arith.constant 0 : index
    %swap3A_9 = arith.constant 0 : index
    %swap3A_10 = vector.load %arg3[%swap3A, %swap3A_9] : memref<2000x2xf32, #tpu.memory_space<vmem>>, vector<2000x2xf32>
    tpu.vector_store %arg3[%swap3A, %swap3A_9], %add3A {strides = array<i32>} : memref<2000x2xf32, #tpu.memory_space<vmem>>, vector<2000x2xf32>,
    return
  }
  func.func @transform_0(%arg0: i32) -> (i32, i32) {
    %c0_i32 = arith.constant 0 : i32
    %c0_i32_0 = arith.constant 0 : i32
    return %arg0, %c0_i32 : i32, i32
  }
  func.func @transform_1(%arg0: i32) -> (i32, i32) {
    %c0_i32 = arith.constant 0 : i32
    %c0_i32_0 = arith.constant 0 : i32
    return %arg0, %c0_i32 : i32, i32
  }
  func.func @transform_2(%arg0: i32) -> (i32, i32) {
    %c0_i32 = arith.constant 0 : i32
    %c0_i32_0 = arith.constant 0 : i32
    return %arg0, %c0_i32 : i32, i32
  }
}

</mosaic_0001>

<sc_bundles>
// kernel: kernel.12.cloned.1.call-start
scs
__scs_entry_jumppad:
0x0: {  	(pc) =	sbr.rel $0x88, $3  }
0x1: {  	(tag) =	ssettag $0x0;
	lr =	simm.s32 $0x1  }
0x2: {  	[smem:$0x3F89] =	sst lr;
	_ =	strace $0xD0000000  }
0x3: {  	_ = 	snop  }
0x4: {  	_ = 	snop  }
0x5: {  	_ = 	snop  }
0x6: {  	_ = 	snop  }
0x7: {  	_ = 	snop  }
__scs_overlays_trampoline_lowered:
0x8: {  	[smem:$0x3F98] =	sst s0  }
0x9: {  	[smem:$0x3F99] =	sst s1  }
0xa: {  	[smem:$0x3F9A] =	sst s2  }
0xb: {  	[smem:$0x3F9B] =	sst s3  }
0xc: {  	[smem:$0x3F9C] =	sst s4  }
0xd: {  	[smem:$0x3F9D] =	sst s5  }
0xe: {  	[smem:$0x3F9E] =	sst s6  }
0xf: {  	[smem:$0x3F9F] =	sst s7  }
0x10: {  	[smem:$0x3FA0] =	sst s8  }
0x11: {  	[smem:$0x3FA1] =	sst s9;
	s0 =	simm.s32 @!p0 $0x0  }
0x12: {  	s1 =	sld [smem:$0x3F87];
	s0 =	simm.s32 @p0 $0x1  }
0x13: {  	[smem:$0x3FA2] =	sst s0;
	s0 =	simm.s32 @!p1 $0x0  }
0x14: {  	s2 =	sld [smem:$0x3F86];
	s0 =	simm.s32 @p1 $0x1  }
0x15: {  	[smem:$0x3FA3] =	sst s0;
	s0 =	simm.s32 @!p2 $0x0  }
0x16: {  	s3 =	sld [smem:$0x3FDB];
	s0 =	simm.s32 @p2 $0x1  }
0x17: {  	s4 =	simm.s32 $0x1BF5;
	[smem:$0x3FA5] =	sst s0  }
0x18: {  	s0 =	sld [smem:$0x3F88];
	_ =	swait.ge [sflag:s4], $0x0  }
0x19: {  	s7 =	sld [smem:$0x3F89]  }
0x1a: {  	s8 =	sadd.s32 $0xFFFFE003, lr  }
0x1b: {  	s9 =	sadd.s32 $0xFFFFFEF7, lr;
	s5 =	simm.s32 $0xFFFFFFFF;
	p2 =	slt.u32 s8, $0xFFFFF086  }
0x1c: {  	p1 =	slt.u32 s9, $0xF7A;
	s5 =	simm.s32 @!p2 $0x0  }
0x1d: {  	s5 =	simm.s32 @p1 $0x1;
	p0 =	seq.s32 s7, s2  }
0x1e: {  	s7 =	smul.u32 @!p0 $0xF7A, s2;
	p2 =	seq.s32 @!p0 s5, $0x0  }
0x1f: {  	s9 =	smul.u32 $0xF7A, s1;
	s8 =	simm.s32 @!p0 $0x1BF5;
	p2 =	por !p2, p0  }
0x20: {  	[sflag:s8] =	ssyncset.s32 @!p0 $0xFFFFF086;
	s6 =	sadd.s32 @!p0 s3, s7;
	s7 =	simm.s32 @!p0 $0x108  }
0x21: {  	s3 =	sadd.s32 s3, s9;
	s6 =	sadd.s32 @!p0 $0x88, s6;
	s7 =	simm.s32 @p2 $0x1082  }
0x22: {  	[simem:s7], [sflag:s8] =	dma.local @!p0 [hbm:s6], $0xF7A  }
0x23: {  	s9 =	sor.u32 $0xD0000000, s2;
	s6 =	simm.s32 $0x108;
	_ =	swait.ge @!p0 [sflag:s8], $0x0  }
0x24: {  	s3 =	sadd.s32 $0x88, s3;
	s6 =	simm.s32 @!p1 $0x1082;
	[sflag:s4] =	ssyncset.s32 $0xFFFFF086  }
0x25: {  	[simem:s6], [sflag:s4] =	dma.local [hbm:s3], $0xF7A  }
0x26: {  	[smem:$0x3F89] =	sst s1;
	(tag) =	ssettag s2;
	_ =	strace s9  }
0x27: {  	s1 =	sld [smem:$0x3F99]  }
0x28: {  	s2 =	sld [smem:$0x3F9A]  }
0x29: {  	s4 =	sld [smem:$0x3F9C]  }
0x2a: {  	p0 =	seq.s32 s5, $0x0;
	s5 =	sld [smem:$0x3F9D]  }
0x2b: {  	s6 =	sld [smem:$0x3F9E]  }
0x2c: {  	s7 =	sld [smem:$0x3F9F]  }
0x2d: {  	s3 =	simm.s32 $0x108;
	s8 =	sld [smem:$0x3FA0]  }
0x2e: {  	s3 =	simm.s32 @!p0 $0x1082;
	s9 =	sld [smem:$0x3FA1]  }
0x2f: {  	lr =	sadd.s32 s0, s3;
	s0 =	sld [smem:$0x3F98]  }
0x30: {  	s3 =	sld [smem:$0x3F9B]  }
0x31: {  	[smem:$0x3FA4] =	sst s10  }
0x32: {  	s10 =	sld [smem:$0x3FA2];
	_ =	sdelay $0x3  }
0x33: {  	p0 =	seq.s32 s10, $0x1;
	s10 =	sld [smem:$0x3FA4];
	_ =	sdelay $0x3  }
0x34: {  	[smem:$0x3FA4] =	sst s10  }
0x35: {  	s10 =	sld [smem:$0x3FA3];
	_ =	sdelay $0x3  }
0x36: {  	p1 =	seq.s32 s10, $0x1;
	s10 =	sld [smem:$0x3FA4];
	_ =	sdelay $0x3  }
0x37: {  	[smem:$0x3FA4] =	sst s10  }
0x38: {  	s10 =	sld [smem:$0x3FA5]  }
0x39: {  	_ = 	snop;
	(pc) =	sbr.ind lr, $3  }
0x3a: {  	_ = 	snop  }
0x3b: {  	_ = 	snop  }
0x3c: {  	p2 =	seq.s32 s10, $0x1;
	s10 =	sld [smem:$0x3FA4]  }
0x3d: {  	_ =	shalt  }
0x3e: {  	_ =	shalt  }
0x3f: {  	_ =	shalt  }
0x40: {  	_ =	shalt  }
0x41: {  	_ =	shalt  }
0x42: {  	_ =	shalt  }
0x43: {  	_ =	shalt  }
0x44: {  	_ =	shalt  }
0x45: {  	_ =	shalt  }
0x46: {  	_ =	shalt  }
0x47: {  	_ =	shalt  }
0x48: {  	_ =	shalt  }
0x49: {  	_ =	shalt  }
0x4a: {  	_ =	shalt  }
0x4b: {  	_ =	shalt  }
0x4c: {  	_ =	shalt  }
0x4d: {  	_ =	shalt  }
0x4e: {  	_ =	shalt  }
0x4f: {  	_ =	shalt  }
0x50: {  	_ =	shalt  }
0x51: {  	_ =	shalt  }
0x52: {  	_ =	shalt  }
0x53: {  	_ =	shalt  }
0x54: {  	_ =	shalt  }
0x55: {  	_ =	shalt  }
0x56: {  	_ =	shalt  }
0x57: {  	_ =	shalt  }
0x58: {  	_ =	shalt  }
0x59: {  	_ =	shalt  }
0x5a: {  	_ =	shalt  }
0x5b: {  	_ =	shalt  }
0x5c: {  	_ =	shalt  }
0x5d: {  	_ =	shalt  }
0x5e: {  	_ =	shalt  }
0x5f: {  	_ =	shalt  }
0x60: {  	_ =	shalt  }
0x61: {  	_ =	shalt  }
0x62: {  	_ =	shalt  }
0x63: {  	_ =	shalt  }
0x64: {  	_ =	shalt  }
0x65: {  	_ =	shalt  }
0x66: {  	_ =	shalt  }
0x67: {  	_ =	shalt  }
0x68: {  	_ =	shalt  }
0x69: {  	_ =	shalt  }
0x6a: {  	_ =	shalt  }
0x6b: {  	_ =	shalt  }
0x6c: {  	_ =	shalt  }
0x6d: {  	_ =	shalt  }
0x6e: {  	_ =	shalt  }
0x6f: {  	_ =	shalt  }
0x70: {  	_ =	shalt  }
0x71: {  	_ =	shalt  }
0x72: {  	_ =	shalt  }
0x73: {  	_ =	shalt  }
0x74: {  	_ =	shalt  }
0x75: {  	_ =	shalt  }
0x76: {  	_ =	shalt  }
0x77: {  	_ =	shalt  }
0x78: {  	_ =	shalt  }
0x79: {  	_ =	shalt  }
0x7a: {  	_ =	shalt  }
0x7b: {  	_ =	shalt  }
0x7c: {  	_ =	shalt  }
0x7d: {  	_ =	shalt  }
0x7e: {  	_ =	shalt  }
0x7f: {  	_ =	shalt  }
0x80: {  	_ =	shalt  }
0x81: {  	_ =	shalt  }
0x82: {  	_ =	shalt  }
0x83: {  	_ =	shalt  }
0x84: {  	_ =	shalt  }
0x85: {  	_ =	shalt  }
0x86: {  	_ =	shalt  }
0x87: {  	_ =	shalt  }
.Lfunc_end0:
.L_simem_size_0:
called_computation_lowered:
.L_overlay_start_0:
0x88: {  	s2 =	sld [smem:$0x3FD9]  }
0x89: {  	s3 =	sld [smem:$0x3FFE];
	_ =	sdelay $0x1  }
0x8a: {  	s1 =	srdreg.scid  }
0x8b: {  	s0 =	sand.u32 $0x1, s1  }
0x8c: {  	s16 =	sshll.u32 s0, $0xA;
	s2 =	sadd.s32 s3, s2  }
0x8d: {  	s2 =	sadd.s32 s2, s16  }
0x8e: {  	[smem:$0x3FB0] =	sst s2  }
0x8f: {  	_ = 	snop  }
0x90: {  	(tm) =	ssettm $0x1  }
0x91: {  	s17 =	sld [smem:$0x3FFB];
	_ =	sdelay $0x3  }
0x92: {  	_ =	strace s17  }
0x93: {  	s2 =	sld [smem:$0x3FFC];
	_ =	sdelay $0x3  }
0x94: {  	_ =	strace s2  }
0x95: {  	s2 =	sld [smem:$0x3FFD];
	_ =	sdelay $0x3  }
0x96: {  	_ =	strace s2  }
0x97: {  	_ =	strace $0x8FFFFFFF  }
0x98: {  	s18 =	sld [smem:$0x3FDB];
	_ =	sdelay $0x1  }
0x99: {  	s19 =	simm.s32 $_scs_section_size  }
0x9a: {  	s4 =	simm.s32 $_size__tile_overlayer_lowered;
	s5 =	simm.s32 $_tile_overlayer_lowered  }
0x9b: {  	s22 =	simm.s32 $0x1BFF;
	s21 =	sshll.u32 s5, $0x1;
	s2 =	sadd.s32 s19, s18  }
0x9c: {  	s6 =	simm.s32 $0x0;
	s20 =	sshll.u32 s4, $0x1;
	s4 =	sadd.s32 s21, s2  }
0x9d: {  	[timem:s6], [sflag:s22] =	dma.local [hbm:s4], s20  }
0x9e: {  	_ =	swait.ge [sflag:s22], s20  }
0x9f: {  	s3 =	ssub.s32 $0x0, s20;
	[sflag:s22] =	ssyncset.done $0x0  }
0xa0: {  	[sflag:s22] =	ssyncadd.s32 s3;
	_ =	sdelay $0x1  }
0xa1: {  	s23 =	simm.s32 $0x1B8B  }
0xa2: {  	_ =	swait.ge [sflag:s23], $0x1  }
0xa3: {  	[sflag:s23] =	ssyncset.done $0x0  }
0xa4: {  	s25 =	simm.s32 $0x1B8E;
	s24 =	sld [smem:$0x3FFE];
	[sflag:s23] =	ssyncadd.s32 $0xFFFFFFFF  }
0xa5: {  	s26 =	simm.s32 $execute0_lowered;
	[smem:$0x3FD2] =	sst s25  }
0xa6: {  	s4 =	sshll.u32 s26, $0x1;
	_ =	strace $0x80000046;
	[dreg:$0x1] =	wrdreg $0xFFFFFFFF  }
0xa7: {  	s28 =	simm.s32 $_size_execute0_lowered;
	s2 =	sadd.s32 s2, s4;
	[dreg:$0x0] =	wrdreg $0x0  }
0xa8: {  	s4 =	sshll.u32 s28, $0x1;
	[dreg:$0x2] =	wrdreg s2  }
0xa9: {  	[dreg:$0x3] =	wrdreg s4  }
0xaa: {  	[dreg:$0x4] =	wrdreg $0xC0  }
0xab: {  	_ =	task [dreg:s6], $0x5FFFF  }
0xac: {  	[dreg:$0x1] =	wrdreg $0xFFFFFFFF  }
0xad: {  	[dreg:$0x0] =	wrdreg $0x60  }
0xae: {  	[dreg:$0x2] =	wrdreg s24  }
0xaf: {  	[dreg:$0x3] =	wrdreg $0x9  }
0xb0: {  	_ =	task.clear_ibuf [dreg:s6], $0x4FFFF;
	_ =	strace $0x90000046  }
0xb1: {  	s29 =	simm.s32 $0x9;
	_ =	strace $0x80000048  }
0xb2: {  	_ =	swait.ge [sflag:s29], $0x1  }
0xb3: {  	[sflag:s29] =	ssyncadd.s32 $0xFFFFFFFF  }
0xb4: {  	_ =	strace $0x90000048  }
0xb5: {  	_ =	sfence  }
0xb6: {  	s30 =	sld [smem:$0x0];
	_ =	sdelay $0x2  }
0xb7: {  	s31 =	sshll.u32 s1, $0xD;
	s1 =	sshrl.u32 s1, $0x2  }
0xb8: {  	s3 =	sand.u32 $0x4000, s31;
	s1 =	sadd.s32 s1, s30  }
0xb9: {  	s0 =	sor.u32 s3, s0;
	s1 =	sshll.u32 s1, $0x11  }
0xba: {  	s0 =	sor.u32 s1, s0  }
0xbb: {  	s0 =	sadd.s32 $0x8F2B, s0  }
0xbc: {  	[sflag:s0] =	ssyncadd.remote.s32 $0x1  }
0xbd: {  	_ =	sfence.sel $0xFFFF  }
0xbe: {  	[dreg:$0x0] =	wrdreg $0xFFFFFFFF;
	(pc) =	sbr.abs _section_cstart, $3  }
0xbf: {  	[dreg:$0x1] =	wrdreg $0xFFFFFFFF  }
0xc0: {  	_ =	task.clear_ibuf [dreg:s6], $0x2FFFF;
	_ =	strace $0x9FFFFFFF  }
0xc1: {  	(tm) =	ssettm $0x7FFFFFFF  }
tec
execute0_lowered:
.L_overlay_start_1:
0x0: {  	(tag) =	ssettag $0x1  }
0x1: {  	s7 =	rddreg [dreg:$0x0]  }
0x2: {  	s0 =	rddreg [dreg:$0x1];
	s1 =	simm.s32 $0x0  }
0x3: {  	s2 =	srdreg.scid;
	s12 =	simm.s32 $0x640;
	s13 =	simm.s32 $0x9C40  }
0x4: {  	s14 =	simm.s32 $0x1;
	s15 =	simm.s32 $0x2;
	[smem:$0x7FF] =	sst s1  }
0x5: {  	s16 =	simm.s32 $0x0;
	s3 =	sadd.s32 $0x6E7C00, s7;
	s4 =	sadd.s32 $0x3DA800, s7  }
0x6: {  	s8 =	sand.u32 $0x1, s2;
	s5 =	sadd.s32 $0x6B800, s7;
	s2 =	stileid.u32  }
0x7: {  	s6 =	sadd.s32 $0x9C00, s7;
	s7 =	sadd.s32 $0x77A400, s7;
	s9 =	ssub.s32 $0x2, s8  }
0x8: {  	_ =	strace $0x80000047;
	s11 =	sshll.u32 s2, $0x1;
	s10 =	sshrl.u32 s9, $0x1  }
0x9: {  	s8 =	sor.u32 s8, s11;
	s11 =	simm.s32 $0x320;
	s9 =	ssub.s32 s9, s10  }
0xa: {  	s8 =	smul.u32 $0x186A0, s8;
	s10 =	simm.s32 $0x3;
	s9 =	smax.u32 s9, $0x1  }
.LBB2_1:
0xb: {  	s17 =	simm.s32 $0x0  }
.LBB2_2:
0xc: {  	s18 =	smul.u32 $0x320, s17;
	_ =	sdelay $0x1  }
0xd: {  	s18 =	sadd.s32 s8, s18  }
0xe: {  	s19 =	sshrl.u32 s18, $0x3  }
0xf: {  	s21 =	simm.s32 $0x0;
	s20 =	sadd.s32 s5, s19  }
0x10: {  	[tilespmem:s21], [sflag:$0x3] =	stream.linear.gather [hbm4b:s20+s21], $0x320, $0x38;
	[tilespmem:$0x13240] =	vst v63  }
0x11: {  	_ =	swait.ge [sflag:s10], $0x320  }
0x12: {  	[sflag:s10] =	ssyncset.done $0x0  }
0x13: {  	s19 =	sadd.s32 s6, s19;
	[sflag:s10] =	ssyncadd.s32 $0xFFFFFCE0  }
0x14: {  	[tilespmem:s11], [sflag:$0x3] =	stream.linear.gather [hbm4b:s19+s21], $0x320, $0x38;
	[tilespmem:$0x13240] =	vst v63  }
0x15: {  	_ =	swait.ge [sflag:s10], $0x320  }
0x16: {  	[sflag:s10] =	ssyncset.done $0x0  }
0x17: {  	[sflag:s10] =	ssyncadd.s32 $0xFFFFFCE0  }
0x18: {  	[tilespmem:s12], [sflag:$0x1] =	stream.indirect.gather [hbm4b:s3+s11], $0x30, s21, s11, $0xb8;
	[tilespmem:$0x13240] =	vst v63  }
0x19: {  	_ = 	snop  }
0x1a: {  	[tilespmem:s13], [sflag:$0x2] =	stream.indirect.gather [hbm4b:s4+s11], $0x30, s11, s11, $0xb8;
	[tilespmem:$0x13240] =	vst v63  }
0x1b: {  	_ =	swait.ge [sflag:s14], $0x9600  }
0x1c: {  	[sflag:s14] =	ssyncset.done $0x0  }
0x1d: {  	[sflag:s14] =	ssyncadd.s32 $0xFFFF6A00  }
0x1e: {  	_ =	swait.ge [sflag:s15], $0x9600  }
0x1f: {  	[sflag:s15] =	ssyncset.done $0x0  }
0x20: {  	s19 =	simm.s32 $0x0;
	[sflag:s15] =	ssyncadd.s32 $0xFFFF6A00  }
0x21: {  	v1 =	vld [tilespmem:s19+$0x9C40]  }
0x22: {  	v2 =	vld [tilespmem:s19+$0x9C50]  }
0x23: {  	v0 =	vld [tilespmem:s19+$0x9C60]  }
0x24: {  	v3 =	vld [tilespmem:s19+$0x640]  }
0x25: {  	s20 =	simm.s32 $0xC0;
	v4 =	vld [tilespmem:s19+$0x650]  }
.LBB2_3:
0x26: {  	p0 =	sne.s32 s20, $0x25740;
	v5 =	vld [tilespmem:s19+$0x660];
	_ =	sdelay $0x1  }
0x27: {  	s21 =	sshra.s32 s20, $0x2  }
.Ltmp0:
0x28: {  	v3 =	vadd.f32 v1, v3;
	v1 =	vld [tilespmem:s21+$0x9C40];
	(pc) =	sbr.rel @p0 .LBB2_3-.Ltmp0, $4  }
0x29: {  	v4 =	vadd.f32 v2, v4;
	v2 =	vld [tilespmem:s21+$0x9C50]  }
0x2a: {  	[tilespmem:s19+$0x640] =	vst v3;
	v5 =	vadd.f32 v0, v5;
	v0 =	vld [tilespmem:s21+$0x9C60]  }
0x2b: {  	v3 =	vld [tilespmem:s21+$0x640];
	[tilespmem:s19+$0x650] =	vst v4  }
0x2c: {  	s20 =	sadd.s32 $0xC0, s20;
	v4 =	vld [tilespmem:s21+$0x650];
	[tilespmem:s19+$0x660] =	vst v5;
	s19 =	smov.u32 s21  }
0x2d: {  	v5 =	vld [tilespmem:s19+$0x660];
	_ =	sdelay $0x2  }
0x2e: {  	v1 =	vadd.f32 v1, v3  }
0x2f: {  	v2 =	vadd.f32 v2, v4  }
0x30: {  	s18 =	smul.u32 $0x6, s18;
	s17 =	sadd.s32 $0x1, s17;
	[tilespmem:s19+$0x640] =	vst v1;
	v0 =	vadd.f32 v0, v5  }
0x31: {  	p0 =	sne.s32 s17, $0x7D;
	[tilespmem:s19+$0x650] =	vst v2  }
.Ltmp1:
0x32: {  	s18 =	sadd.s32 s7, s18;
	[tilespmem:s19+$0x660] =	vst v0;
	(pc) =	sbr.rel @p0 .LBB2_2-.Ltmp1, $4  }
0x33: {  	[hbm4b:s18+s1] =	stream.linear.scatter [tilespmem:s12], [sflag:$0x3], $0x9600, $0x38;
	[tilespmem:$0x13240] =	vst v63  }
0x34: {  	_ =	swait.ge [sflag:s10], $0x9600  }
0x35: {  	[sflag:s10] =	ssyncset.done $0x0  }
0x36: {  	[sflag:s10] =	ssyncadd.s32 $0xFFFF6A00  }
0x37: {  	s16 =	sadd.s32 $0x1, s16  }
0x38: {  	p0 =	sne.s32 s16, s9  }
.Ltmp2:
0x39: {  	_ = 	snop;
	(pc) =	sbr.rel @p0 .LBB2_1-.Ltmp2, $1  }
0x3a: {  	_ =	sdelay $0x3  }
0x3b: {  	_ =	sfence.sel $0x180000  }
0x3c: {  	[bflag:$0x0] =	sbarrier.arrive $0xFFFF  }
0x3d: {  	p0 =	sne.s32 s2, $0x0;
	_ =	strace $0x90000047  }
0x3e: {  	s0 =	sadd.s32 @!p0 $0x100000, s0;
	[bflag:$0x2] =	sbarrier.arrive $0xFFFF  }
0x3f: {  	[sflag:s0] =	ssyncadd.tile.s32 @!p0 $0x1;
	_ =	shalt  }
.Lfunc_end2:
_tile_overlayer_lowered:
.L_overlay_start_2:
0x40: {  	(tag) =	ssettag $0x2  }
0x41: {  	s0 =	rddreg [dreg:$0x0];
	s2 =	stileid.u32  }
0x42: {  	s1 =	rddreg [dreg:$0x1];
	p0 =	sne.s32 s2, $0x0  }
0x43: {  	s3 =	rddreg [dreg:$0x2];
	[bflag:$0x3] =	sbarrier.arrive $0xFFFF;
	s2 =	simm.s32 @!p0 $0x1C03  }
0x44: {  	[timem:s3], [sflag:s2] =	dma.local @!p0 [hbm:s0], s1  }
0x45: {  	s0 =	simm.s32 @!p0 $0x3  }
0x46: {  	_ =	swait.ge @!p0 [sflag:s0], s1  }
0x47: {  	s1 =	ssub.s32 @!p0 $0x0, s1;
	[sflag:s0] =	ssyncset.done @!p0 $0x0  }
0x48: {  	[sflag:s0] =	ssyncadd.s32 @!p0 s1  }
0x49: {  	[bflag:$0x3] =	sbarrier.arrive $0xFFFF  }
0x4a: {  	_ =	shalt  }

// kernel: kernel.15.cloned.1.call-start
scs
__scs_entry_jumppad:
0x0: {  	(pc) =	sbr.rel $0x88, $3  }
0x1: {  	(tag) =	ssettag $0x0;
	lr =	simm.s32 $0x1  }
0x2: {  	[smem:$0x3F89] =	sst lr;
	_ =	strace $0xD0000000  }
0x3: {  	_ = 	snop  }
0x4: {  	_ = 	snop  }
0x5: {  	_ = 	snop  }
0x6: {  	_ = 	snop  }
0x7: {  	_ = 	snop  }
__scs_overlays_trampoline_lowered:
0x8: {  	[smem:$0x3F98] =	sst s0  }
0x9: {  	[smem:$0x3F99] =	sst s1  }
0xa: {  	[smem:$0x3F9A] =	sst s2  }
0xb: {  	[smem:$0x3F9B] =	sst s3  }
0xc: {  	[smem:$0x3F9C] =	sst s4  }
0xd: {  	[smem:$0x3F9D] =	sst s5  }
0xe: {  	[smem:$0x3F9E] =	sst s6  }
0xf: {  	[smem:$0x3F9F] =	sst s7  }
0x10: {  	[smem:$0x3FA0] =	sst s8  }
0x11: {  	[smem:$0x3FA1] =	sst s9;
	s0 =	simm.s32 @!p0 $0x0  }
0x12: {  	s1 =	sld [smem:$0x3F87];
	s0 =	simm.s32 @p0 $0x1  }
0x13: {  	[smem:$0x3FA2] =	sst s0;
	s0 =	simm.s32 @!p1 $0x0  }
0x14: {  	s2 =	sld [smem:$0x3F86];
	s0 =	simm.s32 @p1 $0x1  }
0x15: {  	[smem:$0x3FA3] =	sst s0;
	s0 =	simm.s32 @!p2 $0x0  }
0x16: {  	s3 =	sld [smem:$0x3FDB];
	s0 =	simm.s32 @p2 $0x1  }
0x17: {  	s4 =	simm.s32 $0x1BF5;
	[smem:$0x3FA5] =	sst s0  }
0x18: {  	s0 =	sld [smem:$0x3F88];
	_ =	swait.ge [sflag:s4], $0x0  }
0x19: {  	s7 =	sld [smem:$0x3F89]  }
0x1a: {  	s8 =	sadd.s32 $0xFFFFE003, lr  }
0x1b: {  	s9 =	sadd.s32 $0xFFFFFEF7, lr;
	s5 =	simm.s32 $0xFFFFFFFF;
	p2 =	slt.u32 s8, $0xFFFFF086  }
0x1c: {  	p1 =	slt.u32 s9, $0xF7A;
	s5 =	simm.s32 @!p2 $0x0  }
0x1d: {  	s5 =	simm.s32 @p1 $0x1;
	p0 =	seq.s32 s7, s2  }
0x1e: {  	s7 =	smul.u32 @!p0 $0xF7A, s2;
	p2 =	seq.s32 @!p0 s5, $0x0  }
0x1f: {  	s9 =	smul.u32 $0xF7A, s1;
	s8 =	simm.s32 @!p0 $0x1BF5;
	p2 =	por !p2, p0  }
0x20: {  	[sflag:s8] =	ssyncset.s32 @!p0 $0xFFFFF086;
	s6 =	sadd.s32 @!p0 s3, s7;
	s7 =	simm.s32 @!p0 $0x108  }
0x21: {  	s3 =	sadd.s32 s3, s9;
	s6 =	sadd.s32 @!p0 $0x88, s6;
	s7 =	simm.s32 @p2 $0x1082  }
0x22: {  	[simem:s7], [sflag:s8] =	dma.local @!p0 [hbm:s6], $0xF7A  }
0x23: {  	s9 =	sor.u32 $0xD0000000, s2;
	s6 =	simm.s32 $0x108;
	_ =	swait.ge @!p0 [sflag:s8], $0x0  }
0x24: {  	s3 =	sadd.s32 $0x88, s3;
	s6 =	simm.s32 @!p1 $0x1082;
	[sflag:s4] =	ssyncset.s32 $0xFFFFF086  }
0x25: {  	[simem:s6], [sflag:s4] =	dma.local [hbm:s3], $0xF7A  }
0x26: {  	[smem:$0x3F89] =	sst s1;
	(tag) =	ssettag s2;
	_ =	strace s9  }
0x27: {  	s1 =	sld [smem:$0x3F99]  }
0x28: {  	s2 =	sld [smem:$0x3F9A]  }
0x29: {  	s4 =	sld [smem:$0x3F9C]  }
0x2a: {  	p0 =	seq.s32 s5, $0x0;
	s5 =	sld [smem:$0x3F9D]  }
0x2b: {  	s6 =	sld [smem:$0x3F9E]  }
0x2c: {  	s7 =	sld [smem:$0x3F9F]  }
0x2d: {  	s3 =	simm.s32 $0x108;
	s8 =	sld [smem:$0x3FA0]  }
0x2e: {  	s3 =	simm.s32 @!p0 $0x1082;
	s9 =	sld [smem:$0x3FA1]  }
0x2f: {  	lr =	sadd.s32 s0, s3;
	s0 =	sld [smem:$0x3F98]  }
0x30: {  	s3 =	sld [smem:$0x3F9B]  }
0x31: {  	[smem:$0x3FA4] =	sst s10  }
0x32: {  	s10 =	sld [smem:$0x3FA2];
	_ =	sdelay $0x3  }
0x33: {  	p0 =	seq.s32 s10, $0x1;
	s10 =	sld [smem:$0x3FA4];
	_ =	sdelay $0x3  }
0x34: {  	[smem:$0x3FA4] =	sst s10  }
0x35: {  	s10 =	sld [smem:$0x3FA3];
	_ =	sdelay $0x3  }
0x36: {  	p1 =	seq.s32 s10, $0x1;
	s10 =	sld [smem:$0x3FA4];
	_ =	sdelay $0x3  }
0x37: {  	[smem:$0x3FA4] =	sst s10  }
0x38: {  	s10 =	sld [smem:$0x3FA5]  }
0x39: {  	_ = 	snop;
	(pc) =	sbr.ind lr, $3  }
0x3a: {  	_ = 	snop  }
0x3b: {  	_ = 	snop  }
0x3c: {  	p2 =	seq.s32 s10, $0x1;
	s10 =	sld [smem:$0x3FA4]  }
0x3d: {  	_ =	shalt  }
0x3e: {  	_ =	shalt  }
0x3f: {  	_ =	shalt  }
0x40: {  	_ =	shalt  }
0x41: {  	_ =	shalt  }
0x42: {  	_ =	shalt  }
0x43: {  	_ =	shalt  }
0x44: {  	_ =	shalt  }
0x45: {  	_ =	shalt  }
0x46: {  	_ =	shalt  }
0x47: {  	_ =	shalt  }
0x48: {  	_ =	shalt  }
0x49: {  	_ =	shalt  }
0x4a: {  	_ =	shalt  }
0x4b: {  	_ =	shalt  }
0x4c: {  	_ =	shalt  }
0x4d: {  	_ =	shalt  }
0x4e: {  	_ =	shalt  }
0x4f: {  	_ =	shalt  }
0x50: {  	_ =	shalt  }
0x51: {  	_ =	shalt  }
0x52: {  	_ =	shalt  }
0x53: {  	_ =	shalt  }
0x54: {  	_ =	shalt  }
0x55: {  	_ =	shalt  }
0x56: {  	_ =	shalt  }
0x57: {  	_ =	shalt  }
0x58: {  	_ =	shalt  }
0x59: {  	_ =	shalt  }
0x5a: {  	_ =	shalt  }
0x5b: {  	_ =	shalt  }
0x5c: {  	_ =	shalt  }
0x5d: {  	_ =	shalt  }
0x5e: {  	_ =	shalt  }
0x5f: {  	_ =	shalt  }
0x60: {  	_ =	shalt  }
0x61: {  	_ =	shalt  }
0x62: {  	_ =	shalt  }
0x63: {  	_ =	shalt  }
0x64: {  	_ =	shalt  }
0x65: {  	_ =	shalt  }
0x66: {  	_ =	shalt  }
0x67: {  	_ =	shalt  }
0x68: {  	_ =	shalt  }
0x69: {  	_ =	shalt  }
0x6a: {  	_ =	shalt  }
0x6b: {  	_ =	shalt  }
0x6c: {  	_ =	shalt  }
0x6d: {  	_ =	shalt  }
0x6e: {  	_ =	shalt  }
0x6f: {  	_ =	shalt  }
0x70: {  	_ =	shalt  }
0x71: {  	_ =	shalt  }
0x72: {  	_ =	shalt  }
0x73: {  	_ =	shalt  }
0x74: {  	_ =	shalt  }
0x75: {  	_ =	shalt  }
0x76: {  	_ =	shalt  }
0x77: {  	_ =	shalt  }
0x78: {  	_ =	shalt  }
0x79: {  	_ =	shalt  }
0x7a: {  	_ =	shalt  }
0x7b: {  	_ =	shalt  }
0x7c: {  	_ =	shalt  }
0x7d: {  	_ =	shalt  }
0x7e: {  	_ =	shalt  }
0x7f: {  	_ =	shalt  }
0x80: {  	_ =	shalt  }
0x81: {  	_ =	shalt  }
0x82: {  	_ =	shalt  }
0x83: {  	_ =	shalt  }
0x84: {  	_ =	shalt  }
0x85: {  	_ =	shalt  }
0x86: {  	_ =	shalt  }
0x87: {  	_ =	shalt  }
.Lfunc_end0:
.L_simem_size_0:
called_computation.1_lowered:
.L_overlay_start_0:
0x88: {  	s2 =	sld [smem:$0x3FD9]  }
0x89: {  	s3 =	sld [smem:$0x3FFE];
	_ =	sdelay $0x1  }
0x8a: {  	s1 =	srdreg.scid  }
0x8b: {  	s0 =	sand.u32 $0x1, s1  }
0x8c: {  	s17 =	sshll.u32 s0, $0xA;
	s2 =	sadd.s32 s3, s2  }
0x8d: {  	s2 =	sadd.s32 s2, s17  }
0x8e: {  	[smem:$0x3FB0] =	sst s2  }
0x8f: {  	_ = 	snop  }
0x90: {  	(tm) =	ssettm $0x1  }
0x91: {  	s18 =	sld [smem:$0x3FFB];
	_ =	sdelay $0x3  }
0x92: {  	_ =	strace s18  }
0x93: {  	s2 =	sld [smem:$0x3FFC];
	_ =	sdelay $0x3  }
0x94: {  	_ =	strace s2  }
0x95: {  	s2 =	sld [smem:$0x3FFD];
	_ =	sdelay $0x3  }
0x96: {  	_ =	strace s2  }
0x97: {  	_ =	strace $0x8FFFFFFF  }
0x98: {  	s19 =	sld [smem:$0x3FDB];
	_ =	sdelay $0x1  }
0x99: {  	s20 =	simm.s32 $_scs_section_size  }
0x9a: {  	s4 =	simm.s32 $_size__tile_overlayer_lowered;
	s5 =	simm.s32 $_tile_overlayer_lowered  }
0x9b: {  	s6 =	simm.s32 $0x1BFF;
	s21 =	sshll.u32 s5, $0x1;
	s3 =	sadd.s32 s20, s19  }
0x9c: {  	s22 =	simm.s32 $0x0;
	s4 =	sshll.u32 s4, $0x1;
	s5 =	sadd.s32 s21, s3  }
0x9d: {  	[timem:s22], [sflag:s6] =	dma.local [hbm:s5], s4  }
0x9e: {  	_ =	swait.ge [sflag:s6], s4  }
0x9f: {  	s4 =	ssub.s32 $0x0, s4;
	[sflag:s6] =	ssyncset.done $0x0  }
0xa0: {  	[sflag:s6] =	ssyncadd.s32 s4;
	_ =	sdelay $0x1  }
0xa1: {  	s23 =	simm.s32 $0x1B8B  }
0xa2: {  	_ =	swait.ge [sflag:s23], $0x1  }
0xa3: {  	[sflag:s23] =	ssyncset.done $0x0  }
0xa4: {  	[sflag:s23] =	ssyncadd.s32 $0xFFFFFFFF  }
0xa5: {  	s4 =	sld [smem:$0x0]  }
0xa6: {  	s5 =	sand.u32 $0xFFFFFFFE, s1  }
0xa7: {  	p0 =	sne.s32 s1, s5  }
0xa8: {  	s5 =	sshll.u32 @p0 s5, $0xE  }
0xa9: {  	s5 =	sadd.s32 @p0 $0x11B8D, s5;
	s6 =	sshll.u32 @p0 s4, $0x11  }
0xaa: {  	s5 =	sor.u32 @p0 s6, s5  }
0xab: {  	[sflag:s5] =	ssyncadd.remote.s32 @p0 $0x1;
	_ =	sdelay $0x1  }
0xac: {  	s5 =	simm.s32 @p0 $0x1B8D  }
0xad: {  	_ =	swait.eq @p0 [sflag:s5], $0x1  }
0xae: {  	[sflag:s5] =	ssyncadd.s32 @p0 $0xFFFFFFFF  }
0xaf: {  	s6 =	sshll.u32 @!p0 s1, $0xE  }
0xb0: {  	s6 =	sor.u32 @!p0 $0x4000, s6;
	s5 =	simm.s32 @!p0 $0x1B8D  }
0xb1: {  	s4 =	sshll.u32 @!p0 s4, $0x11;
	s6 =	sadd.s32 @!p0 $0x11B8D, s6;
	_ =	swait.eq @!p0 [sflag:s5], $0x1  }
0xb2: {  	s4 =	sor.u32 @!p0 s4, s6;
	[sflag:s5] =	ssyncadd.s32 @!p0 $0xFFFFFFFF  }
0xb3: {  	s25 =	simm.s32 $0x1B8E;
	s24 =	sld [smem:$0x3FFE];
	[sflag:s4] =	ssyncadd.remote.s32 @!p0 $0x1  }
0xb4: {  	s26 =	simm.s32 $execute0_lowered;
	[smem:$0x3FD2] =	sst s25  }
0xb5: {  	s5 =	sshll.u32 s26, $0x1;
	_ =	strace $0x8000004C;
	[dreg:$0x1] =	wrdreg $0xFFFFFFFF  }
0xb6: {  	s28 =	simm.s32 $_size_execute0_lowered;
	s3 =	sadd.s32 s3, s5;
	[dreg:$0x0] =	wrdreg $0x0  }
0xb7: {  	s5 =	sshll.u32 s28, $0x1;
	[dreg:$0x2] =	wrdreg s3  }
0xb8: {  	[dreg:$0x3] =	wrdreg s5  }
0xb9: {  	[dreg:$0x4] =	wrdreg $0xC0  }
0xba: {  	_ =	task [dreg:s22], $0x5FFFF  }
0xbb: {  	[dreg:$0x1] =	wrdreg $0xFFFFFFFF  }
0xbc: {  	[dreg:$0x0] =	wrdreg $0x60  }
0xbd: {  	[dreg:$0x2] =	wrdreg s24  }
0xbe: {  	[dreg:$0x3] =	wrdreg $0x5C300  }
0xbf: {  	[dreg:$0x4] =	wrdreg $0x9  }
0xc0: {  	_ =	task.clear_ibuf [dreg:s22], $0x5FFFF;
	_ =	strace $0x9000004C  }
0xc1: {  	s29 =	simm.s32 $0x9;
	_ =	strace $0x8000004E  }
0xc2: {  	_ =	swait.ge [sflag:s29], $0x1  }
0xc3: {  	[sflag:s29] =	ssyncadd.s32 $0xFFFFFFFF  }
0xc4: {  	_ =	strace $0x9000004E  }
0xc5: {  	_ =	sfence  }
0xc6: {  	s30 =	sld [smem:$0x0];
	_ =	sdelay $0x2  }
0xc7: {  	s31 =	sshll.u32 s1, $0xD;
	s1 =	sshrl.u32 s1, $0x2  }
0xc8: {  	s4 =	sand.u32 $0x4000, s31;
	s1 =	sadd.s32 s1, s30  }
0xc9: {  	s0 =	sor.u32 s4, s0;
	s1 =	sshll.u32 s1, $0x11  }
0xca: {  	s0 =	sor.u32 s1, s0  }
0xcb: {  	s0 =	sadd.s32 $0x8F2B, s0  }
0xcc: {  	[sflag:s0] =	ssyncadd.remote.s32 $0x1  }
0xcd: {  	_ =	sfence.sel $0xFFFF  }
0xce: {  	[dreg:$0x0] =	wrdreg $0xFFFFFFFF;
	(pc) =	sbr.abs _section_cstart, $3  }
0xcf: {  	[dreg:$0x1] =	wrdreg $0xFFFFFFFF  }
0xd0: {  	_ =	task.clear_ibuf [dreg:s22], $0x2FFFF;
	_ =	strace $0x9FFFFFFF  }
0xd1: {  	(tm) =	ssettm $0x7FFFFFFF  }
tec
execute0_lowered:
.L_overlay_start_1:
0x0: {  	(tag) =	ssettag $0x1  }
0x1: {  	s0 =	rddreg [dreg:$0x0]  }
0x2: {  	s2 =	rddreg [dreg:$0x1];
	s1 =	stileid.u32  }
0x3: {  	s3 =	simm.s32 $0x0;
	s4 =	srdreg.scid;
	s5 =	smul.u32 $0x61A8, s1  }
0x4: {  	[smem:$0x7FF] =	sst s3;
	s11 =	smul.u32 $0x61A80, s1  }
0x5: {  	s4 =	sand.u32 $0x1, s4;
	s6 =	sadd.s32 $0x16C6800, s0;
	s14 =	smul.u32 $0x186A, s1  }
0x6: {  	_ =	strace $0x8000004D;
	s7 =	ssub.s32 $0x2, s4;
	p0 =	seq.s32 s4, $0x1  }
0x7: {  	s8 =	sadd.s32 s5, s0;
	s9 =	sshrl.u32 s7, $0x1;
	s5 =	sadd.s32 $0x43C400, s0  }
0x8: {  	s19 =	sshrl.u32 s11, $0x2;
	s20 =	sadd.s32 $0x271, s14;
	s21 =	sadd.s32 $0x4E2, s14  }
0x9: {  	s13 =	sadd.s32 $0x753, s14;
	s23 =	sadd.s32 $0x9C4, s14;
	s15 =	sadd.s32 $0xC35, s14  }
0xa: {  	s17 =	sadd.s32 $0xEA6, s14;
	s28 =	sadd.s32 $0x1388, s14;
	s29 =	sadd.s32 $0x15F9, s14  }
0xb: {  	s7 =	ssub.s32 s7, s9;
	s9 =	simm.s32 $0xA91800;
	s10 =	sshll.u32 s20, $0x1  }
0xc: {  	s12 =	sshll.u32 s21, $0x4;
	s22 =	sshll.u32 s13, $0x4;
	s13 =	sshll.u32 s13, $0x1  }
0xd: {  	s16 =	sshll.u32 s15, $0x4;
	s15 =	sshll.u32 s15, $0x1;
	s24 =	sshll.u32 s17, $0x4  }
0xe: {  	s30 =	sshll.u32 s29, $0x1;
	s31 =	sshll.u32 s29, $0x4;
	s7 =	smax.u32 s7, $0x1  }
0xf: {  	s9 =	simm.s32 @!p0 $0x477000;
	[dreg:$0x4] =	wrdreg s10;
	s10 =	sadd.s32 s12, s2  }
0x10: {  	[dreg:$0x5] =	wrdreg s13;
	s12 =	sshll.u32 s23, $0x1;
	s13 =	sshll.u32 s23, $0x4  }
0x11: {  	[dreg:$0x6] =	wrdreg s15;
	s23 =	sadd.s32 s16, s2;
	s15 =	sshll.u32 s17, $0x1  }
0x12: {  	s16 =	sadd.s32 s24, s2;
	p0 =	sne.s32 s4, $0x0;
	[dreg:$0x8] =	wrdreg s30  }
0x13: {  	s4 =	sshll.u32 s28, $0x4;
	[dreg:$0x3] =	wrdreg s7;
	s7 =	sadd.s32 s19, s2  }
0x14: {  	s0 =	sadd.s32 s9, s0;
	s9 =	sshll.u32 s20, $0x4;
	s19 =	sadd.s32 $0x1117, s14  }
0x15: {  	s20 =	sadd.s32 s4, s2;
	s4 =	sadd.s32 s31, s2;
	s25 =	sshll.u32 s19, $0x1  }
0x16: {  	s26 =	sshll.u32 s19, $0x4;
	s24 =	sadd.s32 $0x4E20, s7;
	[dreg:$0x7] =	wrdreg s25  }
0x17: {  	s19 =	sshll.u32 s28, $0x1;
	s28 =	sadd.s32 $0xC350, s7;
	[dreg:$0xf] =	wrdreg s24  }
0x18: {  	s18 =	sadd.s32 s9, s2;
	s29 =	sadd.s32 $0xEA60, s7;
	[dreg:$0x12] =	wrdreg s28  }
0x19: {  	s9 =	sshll.u32 s21, $0x1;
	s30 =	sadd.s32 $0x11170, s7;
	[dreg:$0x13] =	wrdreg s29  }
0x1a: {  	s21 =	sadd.s32 s22, s2;
	s31 =	sadd.s32 $0x13880, s7;
	[dreg:$0x14] =	wrdreg s30  }
0x1b: {  	s17 =	sadd.s32 s11, s0;
	s11 =	sshrl.u32 s18, $0x3;
	[dreg:$0x15] =	wrdreg s31  }
0x1c: {  	s14 =	sshrl.u32 s21, $0x3;
	[dreg:$0x9] =	wrdreg s11  }
0x1d: {  	s18 =	sshrl.u32 s23, $0x3;
	[dreg:$0xa] =	wrdreg s14  }
0x1e: {  	s21 =	sshrl.u32 s4, $0x3;
	[dreg:$0xb] =	wrdreg s18  }
0x1f: {  	s13 =	sadd.s32 s13, s2;
	s23 =	sadd.s32 $0x2710, s7;
	[dreg:$0xd] =	wrdreg s21  }
0x20: {  	s22 =	sadd.s32 $0x6B800, s8;
	s25 =	sadd.s32 $0x7530, s7;
	[dreg:$0xe] =	wrdreg s23  }
0x21: {  	s0 =	sadd.s32 s26, s2;
	s26 =	sadd.s32 $0x9C40, s7;
	[dreg:$0x10] =	wrdreg s25  }
0x22: {  	s24 =	simm.s32 $0x1;
	s0 =	sshrl.u32 s0, $0x3;
	[dreg:$0x11] =	wrdreg s26  }
0x23: {  	s18 =	sadd.s32 $0x15F90, s7;
	s21 =	smul.u32 $0x30D4, s1;
	s23 =	simm.s32 $0x3520  }
0x24: {  	v0 =	vimm.f32 $0.0e+00;
	s25 =	simm.s32 $0x320;
	s26 =	simm.s32 $0x0;
	[dreg:$0xc] =	wrdreg s0  }
.LBB2_1:
0x25: {  	s0 =	simm.s32 $0x40;
	s4 =	simm.s32 $0x0  }
.LBB2_2:
0x26: {  	p1 =	sne.s32 s0, $0x9C00;
	[tilespmem:s4+$0x3520] =	vst v0;
	s4 =	smov.u32 s0;
	s0 =	sadd.s32 $0x40, s0  }
.Ltmp0:
0x27: {  	(pc) =	sbr.rel @p1 .LBB2_2-.Ltmp0, $2  }
0x28: {  	_ =	sdelay $0x2  }
0x29: {  	s4 =	sshra.s32 s4, $0x2  }
0x2a: {  	[tilespmem:s4+$0x3520] =	vst v0  }
0x2b: {  	[spmem:s7] =	stream.linear.scatter [tilespmem:s23], [sflag:$0x1], $0x2710, $0x38;
	[tilespmem:$0x1E2D0] =	vst v63  }
0x2c: {  	_ =	swait.ge [sflag:s24], $0x2710  }
0x2d: {  	[sflag:s24] =	ssyncset.done $0x0  }
0x2e: {  	s0 =	rddreg [dreg:$0xe];
	[sflag:s24] =	ssyncadd.s32 $0xFFFFD8F0  }
0x2f: {  	[spmem:s0] =	stream.linear.scatter [tilespmem:s23], [sflag:$0x1], $0x2710, $0x38;
	[tilespmem:$0x1E2D0] =	vst v63  }
0x30: {  	_ =	swait.ge [sflag:s24], $0x2710  }
0x31: {  	[sflag:s24] =	ssyncset.done $0x0  }
0x32: {  	s4 =	rddreg [dreg:$0xf];
	[sflag:s24] =	ssyncadd.s32 $0xFFFFD8F0  }
0x33: {  	[spmem:s4] =	stream.linear.scatter [tilespmem:s23], [sflag:$0x1], $0x2710, $0x38;
	[tilespmem:$0x1E2D0] =	vst v63  }
0x34: {  	_ =	swait.ge [sflag:s24], $0x2710  }
0x35: {  	[sflag:s24] =	ssyncset.done $0x0  }
0x36: {  	s8 =	rddreg [dreg:$0x10];
	[sflag:s24] =	ssyncadd.s32 $0xFFFFD8F0  }
0x37: {  	[spmem:s8] =	stream.linear.scatter [tilespmem:s23], [sflag:$0x1], $0x2710, $0x38;
	[tilespmem:$0x1E2D0] =	vst v63  }
0x38: {  	_ =	swait.ge [sflag:s24], $0x2710  }
0x39: {  	[sflag:s24] =	ssyncset.done $0x0  }
0x3a: {  	s11 =	rddreg [dreg:$0x11];
	[sflag:s24] =	ssyncadd.s32 $0xFFFFD8F0  }
0x3b: {  	[spmem:s11] =	stream.linear.scatter [tilespmem:s23], [sflag:$0x1], $0x2710, $0x38;
	[tilespmem:$0x1E2D0] =	vst v63  }
0x3c: {  	_ =	swait.ge [sflag:s24], $0x2710  }
0x3d: {  	[sflag:s24] =	ssyncset.done $0x0  }
0x3e: {  	s14 =	rddreg [dreg:$0x12];
	[sflag:s24] =	ssyncadd.s32 $0xFFFFD8F0  }
0x3f: {  	[spmem:s14] =	stream.linear.scatter [tilespmem:s23], [sflag:$0x1], $0x2710, $0x38;
	[tilespmem:$0x1E2D0] =	vst v63  }
0x40: {  	_ =	swait.ge [sflag:s24], $0x2710  }
0x41: {  	[sflag:s24] =	ssyncset.done $0x0  }
0x42: {  	s28 =	rddreg [dreg:$0x13];
	[sflag:s24] =	ssyncadd.s32 $0xFFFFD8F0  }
0x43: {  	[spmem:s28] =	stream.linear.scatter [tilespmem:s23], [sflag:$0x1], $0x2710, $0x38;
	[tilespmem:$0x1E2D0] =	vst v63  }
0x44: {  	_ =	swait.ge [sflag:s24], $0x2710  }
0x45: {  	[sflag:s24] =	ssyncset.done $0x0  }
0x46: {  	s29 =	rddreg [dreg:$0x14];
	[sflag:s24] =	ssyncadd.s32 $0xFFFFD8F0  }
0x47: {  	[spmem:s29] =	stream.linear.scatter [tilespmem:s23], [sflag:$0x1], $0x2710, $0x38;
	[tilespmem:$0x1E2D0] =	vst v63  }
0x48: {  	_ =	swait.ge [sflag:s24], $0x2710  }
0x49: {  	[sflag:s24] =	ssyncset.done $0x0  }
0x4a: {  	s30 =	rddreg [dreg:$0x15];
	[sflag:s24] =	ssyncadd.s32 $0xFFFFD8F0  }
0x4b: {  	[spmem:s30] =	stream.linear.scatter [tilespmem:s23], [sflag:$0x1], $0x2710, $0x38;
	[tilespmem:$0x1E2D0] =	vst v63  }
0x4c: {  	_ =	swait.ge [sflag:s24], $0x2710  }
0x4d: {  	[sflag:s24] =	ssyncset.done $0x0  }
0x4e: {  	[sflag:s24] =	ssyncadd.s32 $0xFFFFD8F0  }
0x4f: {  	[spmem:s18] =	stream.linear.scatter [tilespmem:s23], [sflag:$0x1], $0x2710, $0x38;
	[tilespmem:$0x1E2D0] =	vst v63  }
0x50: {  	_ =	swait.ge [sflag:s24], $0x2710  }
0x51: {  	[sflag:s24] =	ssyncset.done $0x0  }
0x52: {  	[sflag:s24] =	ssyncadd.s32 $0xFFFFD8F0  }
0x53: {  	s31 =	sadd.s32 $0x0, s22;
	[bflag:$0x0] =	sbarrier.arrive $0xFFFF  }
0x54: {  	[tilespmem:s3], [sflag:$0x1] =	stream.linear.gather [hbm4b:s31+s3], $0x320, $0x38;
	[tilespmem:$0x1E2D0] =	vst v63  }
0x55: {  	_ =	swait.ge [sflag:s24], $0x320  }
0x56: {  	[sflag:s24] =	ssyncset.done $0x0  }
0x57: {  	[sflag:s24] =	ssyncadd.s32 $0xFFFFFCE0  }
0x58: {  	[tilespmem:s25], [sflag:$0x1] =	stream.linear.gather [hbm4b:s17+s3], $0x3200, $0x38;
	[tilespmem:$0x1E2D0] =	vst v63  }
0x59: {  	_ =	swait.ge [sflag:s24], $0x3200  }
0x5a: {  	[sflag:s24] =	ssyncset.done $0x0  }
0x5b: {  	[sflag:s24] =	ssyncadd.s32 $0xFFFFCE00  }
0x5c: {  	[spmem:s2] =	stream.indirect.scatter.add.f32 [tilespmem:s25], [sflag:$0x1], $0x10, s3, s25, $0xb8;
	[tilespmem:$0x1E2D0] =	vst v63  }
0x5d: {  	s0 =	sadd.s32 $0x640, s17;
	_ =	swait.ge [sflag:s24], $0x3200  }
0x5e: {  	s4 =	simm.s32 $0x64;
	s8 =	simm.s32 $0xC8;
	[sflag:s24] =	ssyncset.done $0x0  }
.LBB2_4:
0x5f: {  	s28 =	sadd.s32 s4, s22  }
0x60: {  	[sflag:s24] =	ssyncadd.s32 $0xFFFFCE00;
	s4 =	smov.u32 s8;
	s29 =	sadd.s32 $0x64, s8  }
0x61: {  	[tilespmem:s3], [sflag:$0x1] =	stream.linear.gather [hbm4b:s28+s3], $0x320, $0x38;
	[tilespmem:$0x1E2D0] =	vst v63  }
0x62: {  	p1 =	sne.s32 s8, $0x6144;
	_ =	swait.ge [sflag:s24], $0x320  }
0x63: {  	[sflag:s24] =	ssyncset.done $0x0  }
0x64: {  	[sflag:s24] =	ssyncadd.s32 $0xFFFFFCE0  }
0x65: {  	[tilespmem:s25], [sflag:$0x1] =	stream.linear.gather [hbm4b:s0+s3], $0x3200, $0x38;
	[tilespmem:$0x1E2D0] =	vst v63  }
0x66: {  	_ =	swait.ge [sflag:s24], $0x3200  }
.Ltmp1:
0x67: {  	[sflag:s24] =	ssyncset.done $0x0;
	(pc) =	sbr.rel @p1 .LBB2_4-.Ltmp1, $4  }
0x68: {  	[sflag:s24] =	ssyncadd.s32 $0xFFFFCE00  }
0x69: {  	[spmem:s2] =	stream.indirect.scatter.add.f32 [tilespmem:s25], [sflag:$0x1], $0x10, s3, s25, $0xb8;
	[tilespmem:$0x1E2D0] =	vst v63  }
0x6a: {  	_ =	swait.ge [sflag:s24], $0x3200  }
0x6b: {  	s8 =	smov.u32 s29;
	s0 =	sadd.s32 $0x640, s0;
	[sflag:s24] =	ssyncset.done $0x0  }
0x6c: {  	s4 =	sadd.s32 s4, s22;
	[sflag:s24] =	ssyncadd.s32 $0xFFFFCE00  }
0x6d: {  	[tilespmem:s3], [sflag:$0x1] =	stream.linear.gather [hbm4b:s4+s3], $0x320, $0x38;
	[tilespmem:$0x1E2D0] =	vst v63  }
0x6e: {  	_ =	swait.ge [sflag:s24], $0x320  }
0x6f: {  	[sflag:s24] =	ssyncset.done $0x0  }
0x70: {  	[sflag:s24] =	ssyncadd.s32 $0xFFFFFCE0  }
0x71: {  	[tilespmem:s25], [sflag:$0x1] =	stream.linear.gather [hbm4b:s0+s3], $0x3200, $0x38;
	[tilespmem:$0x1E2D0] =	vst v63  }
0x72: {  	_ =	swait.ge [sflag:s24], $0x3200  }
0x73: {  	[sflag:s24] =	ssyncset.done $0x0  }
0x74: {  	[sflag:s24] =	ssyncadd.s32 $0xFFFFCE00  }
0x75: {  	[spmem:s2] =	stream.indirect.scatter.add.f32 [tilespmem:s25], [sflag:$0x1], $0x10, s3, s25, $0xb8;
	[tilespmem:$0x1E2D0] =	vst v63  }
0x76: {  	_ =	swait.ge [sflag:s24], $0x3200  }
0x77: {  	s29 =	simm.s32 @p0 $0x1;
	[sflag:s24] =	ssyncset.done $0x0  }
0x78: {  	s4 =	sadd.s32 @p0 s5, s21;
	s0 =	sshll.u32 @p0 s1, $0x6;
	[sflag:s24] =	ssyncadd.s32 $0xFFFFCE00  }
0x79: {  	s30 =	sor.u32 @p0 $0x1C01, s0;
	s0 =	sshrl.u32 @p0 s7, $0x3;
	[bflag:$0x0] =	sbarrier.arrive $0xFFFF  }
0x7a: {  	[hbm:s4], [sflag:s30] =	dma.local @p0 [spmem:s0], $0x4E2  }
0x7b: {  	s8 =	sshrl.u32 @!p0 s7, $0x3;
	s31 =	simm.s32 @!p0 $0x2;
	_ =	swait.ge @p0 [sflag:s29], $0x4E2  }
0x7c: {  	s28 =	simm.s32 @!p0 $0x2;
	s0 =	sshll.u32 @!p0 s1, $0x6;
	[sflag:s29] =	ssyncset.done @p0 $0x0  }
0x7d: {  	s4 =	sadd.s32 @!p0 s6, s21;
	s0 =	sor.u32 @!p0 $0x1C02, s0;
	[sflag:s29] =	ssyncadd.s32 @p0 $0xFFFFFB1E  }
0x7e: {  	[hbm:s4], [sflag:s0] =	dma.local @!p0 [spmem:s8], $0x4E2  }
0x7f: {  	s11 =	sshll.u32 s1, $0x6;
	s28 =	simm.s32 @p0 $0x1;
	s4 =	smov.u32 s6  }
0x80: {  	s8 =	sadd.s32 s28, s11;
	_ =	swait.ge @!p0 [sflag:s31], $0x4E2;
	s4 =	smov.u32 @p0 s5  }
0x81: {  	s8 =	sadd.s32 $0x1C00, s8;
	[sflag:s31] =	ssyncset.done @!p0 $0x0;
	s11 =	rddreg [dreg:$0x4]  }
0x82: {  	s14 =	rddreg [dreg:$0x9];
	[sflag:s31] =	ssyncadd.s32 @!p0 $0xFFFFFB1E;
	s11 =	sadd.s32 s4, s11  }
0x83: {  	[hbm:s11], [sflag:s8] =	dma.local [spmem:s14], $0x4E2  }
0x84: {  	_ =	swait.ge [sflag:s28], $0x4E2  }
0x85: {  	[sflag:s28] =	ssyncset.done $0x0  }
0x86: {  	s11 =	sadd.s32 @p0 s5, s9;
	s14 =	sshrl.u32 @p0 s10, $0x3;
	[sflag:s28] =	ssyncadd.s32 $0xFFFFFB1E  }
0x87: {  	[hbm:s11], [sflag:s30] =	dma.local @p0 [spmem:s14], $0x4E2  }
0x88: {  	_ =	swait.ge @p0 [sflag:s29], $0x4E2  }
0x89: {  	[sflag:s29] =	ssyncset.done @p0 $0x0  }
0x8a: {  	s11 =	sadd.s32 @!p0 s6, s9;
	s14 =	sshrl.u32 @!p0 s10, $0x3;
	[sflag:s29] =	ssyncadd.s32 @p0 $0xFFFFFB1E  }
0x8b: {  	[hbm:s11], [sflag:s0] =	dma.local @!p0 [spmem:s14], $0x4E2  }
0x8c: {  	_ =	swait.ge @!p0 [sflag:s31], $0x4E2  }
0x8d: {  	[sflag:s31] =	ssyncset.done @!p0 $0x0;
	s14 =	rddreg [dreg:$0x5]  }
0x8e: {  	[sflag:s31] =	ssyncadd.s32 @!p0 $0xFFFFFB1E;
	s11 =	sadd.s32 s4, s14;
	s14 =	rddreg [dreg:$0xa]  }
0x8f: {  	[hbm:s11], [sflag:s8] =	dma.local [spmem:s14], $0x4E2  }
0x90: {  	_ =	swait.ge [sflag:s28], $0x4E2  }
0x91: {  	[sflag:s28] =	ssyncset.done $0x0  }
0x92: {  	s11 =	sadd.s32 @p0 s5, s12;
	s14 =	sshrl.u32 @p0 s13, $0x3;
	[sflag:s28] =	ssyncadd.s32 $0xFFFFFB1E  }
0x93: {  	[hbm:s11], [sflag:s30] =	dma.local @p0 [spmem:s14], $0x4E2  }
0x94: {  	_ =	swait.ge @p0 [sflag:s29], $0x4E2  }
0x95: {  	[sflag:s29] =	ssyncset.done @p0 $0x0  }
0x96: {  	s11 =	sadd.s32 @!p0 s6, s12;
	s14 =	sshrl.u32 @!p0 s13, $0x3;
	[sflag:s29] =	ssyncadd.s32 @p0 $0xFFFFFB1E  }
0x97: {  	[hbm:s11], [sflag:s0] =	dma.local @!p0 [spmem:s14], $0x4E2  }
0x98: {  	_ =	swait.ge @!p0 [sflag:s31], $0x4E2  }
0x99: {  	[sflag:s31] =	ssyncset.done @!p0 $0x0;
	s14 =	rddreg [dreg:$0x6]  }
0x9a: {  	[sflag:s31] =	ssyncadd.s32 @!p0 $0xFFFFFB1E;
	s11 =	sadd.s32 s4, s14;
	s14 =	rddreg [dreg:$0xb]  }
0x9b: {  	[hbm:s11], [sflag:s8] =	dma.local [spmem:s14], $0x4E2  }
0x9c: {  	_ =	swait.ge [sflag:s28], $0x4E2  }
0x9d: {  	[sflag:s28] =	ssyncset.done $0x0  }
0x9e: {  	s11 =	sadd.s32 @p0 s5, s15;
	s14 =	sshrl.u32 @p0 s16, $0x3;
	[sflag:s28] =	ssyncadd.s32 $0xFFFFFB1E  }
0x9f: {  	[hbm:s11], [sflag:s30] =	dma.local @p0 [spmem:s14], $0x4E2  }
0xa0: {  	_ =	swait.ge @p0 [sflag:s29], $0x4E2  }
0xa1: {  	[sflag:s29] =	ssyncset.done @p0 $0x0  }
0xa2: {  	s11 =	sadd.s32 @!p0 s6, s15;
	s14 =	sshrl.u32 @!p0 s16, $0x3;
	[sflag:s29] =	ssyncadd.s32 @p0 $0xFFFFFB1E  }
0xa3: {  	[hbm:s11], [sflag:s0] =	dma.local @!p0 [spmem:s14], $0x4E2  }
0xa4: {  	_ =	swait.ge @!p0 [sflag:s31], $0x4E2  }
0xa5: {  	[sflag:s31] =	ssyncset.done @!p0 $0x0;
	s14 =	rddreg [dreg:$0x7]  }
0xa6: {  	[sflag:s31] =	ssyncadd.s32 @!p0 $0xFFFFFB1E;
	s11 =	sadd.s32 s4, s14;
	s14 =	rddreg [dreg:$0xc]  }
0xa7: {  	[hbm:s11], [sflag:s8] =	dma.local [spmem:s14], $0x4E2  }
0xa8: {  	_ =	swait.ge [sflag:s28], $0x4E2  }
0xa9: {  	[sflag:s28] =	ssyncset.done $0x0  }
0xaa: {  	s11 =	sadd.s32 @p0 s5, s19;
	s14 =	sshrl.u32 @p0 s20, $0x3;
	[sflag:s28] =	ssyncadd.s32 $0xFFFFFB1E  }
0xab: {  	[hbm:s11], [sflag:s30] =	dma.local @p0 [spmem:s14], $0x4E2  }
0xac: {  	_ =	swait.ge @p0 [sflag:s29], $0x4E2  }
0xad: {  	[sflag:s29] =	ssyncset.done @p0 $0x0  }
0xae: {  	s11 =	sadd.s32 @!p0 s6, s19;
	s14 =	sshrl.u32 @!p0 s20, $0x3;
	[sflag:s29] =	ssyncadd.s32 @p0 $0xFFFFFB1E  }
0xaf: {  	[hbm:s11], [sflag:s0] =	dma.local @!p0 [spmem:s14], $0x4E2  }
0xb0: {  	_ =	swait.ge @!p0 [sflag:s31], $0x4E2  }
0xb1: {  	[sflag:s31] =	ssyncset.done @!p0 $0x0;
	s29 =	rddreg [dreg:$0x8]  }
0xb2: {  	s30 =	rddreg [dreg:$0xd];
	[sflag:s31] =	ssyncadd.s32 @!p0 $0xFFFFFB1E;
	s0 =	sadd.s32 s4, s29  }
0xb3: {  	[hbm:s0], [sflag:s8] =	dma.local [spmem:s30], $0x4E2  }
0xb4: {  	_ =	swait.ge [sflag:s28], $0x4E2  }
0xb5: {  	s26 =	sadd.s32 $0x1, s26;
	s31 =	rddreg [dreg:$0x3]  }
0xb6: {  	p1 =	sne.s32 s26, s31  }
.Ltmp2:
0xb7: {  	_ = 	snop;
	(pc) =	sbr.rel @p1 .LBB2_1-.Ltmp2, $3  }
0xb8: {  	_ =	sdelay $0x1  }
0xb9: {  	[sflag:s28] =	ssyncset.done $0x0  }
0xba: {  	[sflag:s28] =	ssyncadd.s32 $0xFFFFFB1E  }
0xbb: {  	_ =	sfence.sel $0x180000  }
0xbc: {  	[bflag:$0x0] =	sbarrier.arrive $0xFFFF  }
0xbd: {  	_ =	strace $0x9000004D  }
0xbe: {  	[bflag:$0x2] =	sbarrier.arrive $0xFFFF  }
0xbf: {  	p0 =	sne.s32 s1, $0x0;
	s0 =	rddreg [dreg:$0x2]  }
0xc0: {  	s0 =	sadd.s32 @!p0 $0x100000, s0  }
0xc1: {  	[sflag:s0] =	ssyncadd.tile.s32 @!p0 $0x1;
	_ =	shalt  }
.Lfunc_end2:
_tile_overlayer_lowered:
.L_overlay_start_2:
0xc2: {  	(tag) =	ssettag $0x2  }
0xc3: {  	s0 =	rddreg [dreg:$0x0];
	s2 =	stileid.u32  }
0xc4: {  	s1 =	rddreg [dreg:$0x1];
	p0 =	sne.s32 s2, $0x0  }
0xc5: {  	s3 =	rddreg [dreg:$0x2];
	[bflag:$0x3] =	sbarrier.arrive $0xFFFF;
	s2 =	simm.s32 @!p0 $0x1C01  }
0xc6: {  	[timem:s3], [sflag:s2] =	dma.local @!p0 [hbm:s0], s1  }
0xc7: {  	s0 =	simm.s32 @!p0 $0x1  }
0xc8: {  	_ =	swait.ge @!p0 [sflag:s0], s1  }
0xc9: {  	s1 =	ssub.s32 @!p0 $0x0, s1;
	[sflag:s0] =	ssyncset.done @!p0 $0x0  }
0xca: {  	[sflag:s0] =	ssyncadd.s32 @!p0 s1  }
0xcb: {  	[bflag:$0x3] =	sbarrier.arrive $0xFFFF  }
0xcc: {  	_ =	shalt  }

// kernel: kernel.18.cloned.1.call-start
scs
__scs_entry_jumppad:
0x0: {  	(pc) =	sbr.rel $0x88, $3  }
0x1: {  	(tag) =	ssettag $0x0;
	lr =	simm.s32 $0x1  }
0x2: {  	[smem:$0x3F89] =	sst lr;
	_ =	strace $0xD0000000  }
0x3: {  	_ = 	snop  }
0x4: {  	_ = 	snop  }
0x5: {  	_ = 	snop  }
0x6: {  	_ = 	snop  }
0x7: {  	_ = 	snop  }
__scs_overlays_trampoline_lowered:
0x8: {  	[smem:$0x3F98] =	sst s0  }
0x9: {  	[smem:$0x3F99] =	sst s1  }
0xa: {  	[smem:$0x3F9A] =	sst s2  }
0xb: {  	[smem:$0x3F9B] =	sst s3  }
0xc: {  	[smem:$0x3F9C] =	sst s4  }
0xd: {  	[smem:$0x3F9D] =	sst s5  }
0xe: {  	[smem:$0x3F9E] =	sst s6  }
0xf: {  	[smem:$0x3F9F] =	sst s7  }
0x10: {  	[smem:$0x3FA0] =	sst s8  }
0x11: {  	[smem:$0x3FA1] =	sst s9;
	s0 =	simm.s32 @!p0 $0x0  }
0x12: {  	s1 =	sld [smem:$0x3F87];
	s0 =	simm.s32 @p0 $0x1  }
0x13: {  	[smem:$0x3FA2] =	sst s0;
	s0 =	simm.s32 @!p1 $0x0  }
0x14: {  	s2 =	sld [smem:$0x3F86];
	s0 =	simm.s32 @p1 $0x1  }
0x15: {  	[smem:$0x3FA3] =	sst s0;
	s0 =	simm.s32 @!p2 $0x0  }
0x16: {  	s3 =	sld [smem:$0x3FDB];
	s0 =	simm.s32 @p2 $0x1  }
0x17: {  	s4 =	simm.s32 $0x1BF5;
	[smem:$0x3FA5] =	sst s0  }
0x18: {  	s0 =	sld [smem:$0x3F88];
	_ =	swait.ge [sflag:s4], $0x0  }
0x19: {  	s7 =	sld [smem:$0x3F89]  }
0x1a: {  	s8 =	sadd.s32 $0xFFFFE003, lr  }
0x1b: {  	s9 =	sadd.s32 $0xFFFFFEF7, lr;
	s5 =	simm.s32 $0xFFFFFFFF;
	p2 =	slt.u32 s8, $0xFFFFF086  }
0x1c: {  	p1 =	slt.u32 s9, $0xF7A;
	s5 =	simm.s32 @!p2 $0x0  }
0x1d: {  	s5 =	simm.s32 @p1 $0x1;
	p0 =	seq.s32 s7, s2  }
0x1e: {  	s7 =	smul.u32 @!p0 $0xF7A, s2;
	p2 =	seq.s32 @!p0 s5, $0x0  }
0x1f: {  	s9 =	smul.u32 $0xF7A, s1;
	s8 =	simm.s32 @!p0 $0x1BF5;
	p2 =	por !p2, p0  }
0x20: {  	[sflag:s8] =	ssyncset.s32 @!p0 $0xFFFFF086;
	s6 =	sadd.s32 @!p0 s3, s7;
	s7 =	simm.s32 @!p0 $0x108  }
0x21: {  	s3 =	sadd.s32 s3, s9;
	s6 =	sadd.s32 @!p0 $0x88, s6;
	s7 =	simm.s32 @p2 $0x1082  }
0x22: {  	[simem:s7], [sflag:s8] =	dma.local @!p0 [hbm:s6], $0xF7A  }
0x23: {  	s9 =	sor.u32 $0xD0000000, s2;
	s6 =	simm.s32 $0x108;
	_ =	swait.ge @!p0 [sflag:s8], $0x0  }
0x24: {  	s3 =	sadd.s32 $0x88, s3;
	s6 =	simm.s32 @!p1 $0x1082;
	[sflag:s4] =	ssyncset.s32 $0xFFFFF086  }
0x25: {  	[simem:s6], [sflag:s4] =	dma.local [hbm:s3], $0xF7A  }
0x26: {  	[smem:$0x3F89] =	sst s1;
	(tag) =	ssettag s2;
	_ =	strace s9  }
0x27: {  	s1 =	sld [smem:$0x3F99]  }
0x28: {  	s2 =	sld [smem:$0x3F9A]  }
0x29: {  	s4 =	sld [smem:$0x3F9C]  }
0x2a: {  	p0 =	seq.s32 s5, $0x0;
	s5 =	sld [smem:$0x3F9D]  }
0x2b: {  	s6 =	sld [smem:$0x3F9E]  }
0x2c: {  	s7 =	sld [smem:$0x3F9F]  }
0x2d: {  	s3 =	simm.s32 $0x108;
	s8 =	sld [smem:$0x3FA0]  }
0x2e: {  	s3 =	simm.s32 @!p0 $0x1082;
	s9 =	sld [smem:$0x3FA1]  }
0x2f: {  	lr =	sadd.s32 s0, s3;
	s0 =	sld [smem:$0x3F98]  }
0x30: {  	s3 =	sld [smem:$0x3F9B]  }
0x31: {  	[smem:$0x3FA4] =	sst s10  }
0x32: {  	s10 =	sld [smem:$0x3FA2];
	_ =	sdelay $0x3  }
0x33: {  	p0 =	seq.s32 s10, $0x1;
	s10 =	sld [smem:$0x3FA4];
	_ =	sdelay $0x3  }
0x34: {  	[smem:$0x3FA4] =	sst s10  }
0x35: {  	s10 =	sld [smem:$0x3FA3];
	_ =	sdelay $0x3  }
0x36: {  	p1 =	seq.s32 s10, $0x1;
	s10 =	sld [smem:$0x3FA4];
	_ =	sdelay $0x3  }
0x37: {  	[smem:$0x3FA4] =	sst s10  }
0x38: {  	s10 =	sld [smem:$0x3FA5]  }
0x39: {  	_ = 	snop;
	(pc) =	sbr.ind lr, $3  }
0x3a: {  	_ = 	snop  }
0x3b: {  	_ = 	snop  }
0x3c: {  	p2 =	seq.s32 s10, $0x1;
	s10 =	sld [smem:$0x3FA4]  }
0x3d: {  	_ =	shalt  }
0x3e: {  	_ =	shalt  }
0x3f: {  	_ =	shalt  }
0x40: {  	_ =	shalt  }
0x41: {  	_ =	shalt  }
0x42: {  	_ =	shalt  }
0x43: {  	_ =	shalt  }
0x44: {  	_ =	shalt  }
0x45: {  	_ =	shalt  }
0x46: {  	_ =	shalt  }
0x47: {  	_ =	shalt  }
0x48: {  	_ =	shalt  }
0x49: {  	_ =	shalt  }
0x4a: {  	_ =	shalt  }
0x4b: {  	_ =	shalt  }
0x4c: {  	_ =	shalt  }
0x4d: {  	_ =	shalt  }
0x4e: {  	_ =	shalt  }
0x4f: {  	_ =	shalt  }
0x50: {  	_ =	shalt  }
0x51: {  	_ =	shalt  }
0x52: {  	_ =	shalt  }
0x53: {  	_ =	shalt  }
0x54: {  	_ =	shalt  }
0x55: {  	_ =	shalt  }
0x56: {  	_ =	shalt  }
0x57: {  	_ =	shalt  }
0x58: {  	_ =	shalt  }
0x59: {  	_ =	shalt  }
0x5a: {  	_ =	shalt  }
0x5b: {  	_ =	shalt  }
0x5c: {  	_ =	shalt  }
0x5d: {  	_ =	shalt  }
0x5e: {  	_ =	shalt  }
0x5f: {  	_ =	shalt  }
0x60: {  	_ =	shalt  }
0x61: {  	_ =	shalt  }
0x62: {  	_ =	shalt  }
0x63: {  	_ =	shalt  }
0x64: {  	_ =	shalt  }
0x65: {  	_ =	shalt  }
0x66: {  	_ =	shalt  }
0x67: {  	_ =	shalt  }
0x68: {  	_ =	shalt  }
0x69: {  	_ =	shalt  }
0x6a: {  	_ =	shalt  }
0x6b: {  	_ =	shalt  }
0x6c: {  	_ =	shalt  }
0x6d: {  	_ =	shalt  }
0x6e: {  	_ =	shalt  }
0x6f: {  	_ =	shalt  }
0x70: {  	_ =	shalt  }
0x71: {  	_ =	shalt  }
0x72: {  	_ =	shalt  }
0x73: {  	_ =	shalt  }
0x74: {  	_ =	shalt  }
0x75: {  	_ =	shalt  }
0x76: {  	_ =	shalt  }
0x77: {  	_ =	shalt  }
0x78: {  	_ =	shalt  }
0x79: {  	_ =	shalt  }
0x7a: {  	_ =	shalt  }
0x7b: {  	_ =	shalt  }
0x7c: {  	_ =	shalt  }
0x7d: {  	_ =	shalt  }
0x7e: {  	_ =	shalt  }
0x7f: {  	_ =	shalt  }
0x80: {  	_ =	shalt  }
0x81: {  	_ =	shalt  }
0x82: {  	_ =	shalt  }
0x83: {  	_ =	shalt  }
0x84: {  	_ =	shalt  }
0x85: {  	_ =	shalt  }
0x86: {  	_ =	shalt  }
0x87: {  	_ =	shalt  }
.Lfunc_end0:
.L_simem_size_0:
called_computation.2_lowered:
.L_overlay_start_0:
0x88: {  	s2 =	sld [smem:$0x3FD9]  }
0x89: {  	s3 =	sld [smem:$0x3FFE];
	_ =	sdelay $0x1  }
0x8a: {  	s1 =	srdreg.scid  }
0x8b: {  	s0 =	sand.u32 $0x1, s1  }
0x8c: {  	s16 =	sshll.u32 s0, $0xA;
	s2 =	sadd.s32 s3, s2  }
0x8d: {  	s2 =	sadd.s32 s2, s16  }
0x8e: {  	[smem:$0x3FB0] =	sst s2  }
0x8f: {  	_ = 	snop  }
0x90: {  	(tm) =	ssettm $0x1  }
0x91: {  	s17 =	sld [smem:$0x3FFB];
	_ =	sdelay $0x3  }
0x92: {  	_ =	strace s17  }
0x93: {  	s2 =	sld [smem:$0x3FFC];
	_ =	sdelay $0x3  }
0x94: {  	_ =	strace s2  }
0x95: {  	s2 =	sld [smem:$0x3FFD];
	_ =	sdelay $0x3  }
0x96: {  	_ =	strace s2  }
0x97: {  	_ =	strace $0x8FFFFFFF  }
0x98: {  	s18 =	sld [smem:$0x3FDB];
	_ =	sdelay $0x1  }
0x99: {  	s19 =	simm.s32 $_scs_section_size  }
0x9a: {  	s4 =	simm.s32 $_size__tile_overlayer_lowered;
	s5 =	simm.s32 $_tile_overlayer_lowered  }
0x9b: {  	s22 =	simm.s32 $0x1BFF;
	s21 =	sshll.u32 s5, $0x1;
	s2 =	sadd.s32 s19, s18  }
0x9c: {  	s6 =	simm.s32 $0x0;
	s20 =	sshll.u32 s4, $0x1;
	s4 =	sadd.s32 s21, s2  }
0x9d: {  	[timem:s6], [sflag:s22] =	dma.local [hbm:s4], s20  }
0x9e: {  	_ =	swait.ge [sflag:s22], s20  }
0x9f: {  	s3 =	ssub.s32 $0x0, s20;
	[sflag:s22] =	ssyncset.done $0x0  }
0xa0: {  	[sflag:s22] =	ssyncadd.s32 s3;
	_ =	sdelay $0x1  }
0xa1: {  	s23 =	simm.s32 $0x1B8B  }
0xa2: {  	_ =	swait.ge [sflag:s23], $0x1  }
0xa3: {  	[sflag:s23] =	ssyncset.done $0x0  }
0xa4: {  	s25 =	simm.s32 $0x1B8E;
	s24 =	sld [smem:$0x3FFE];
	[sflag:s23] =	ssyncadd.s32 $0xFFFFFFFF  }
0xa5: {  	s26 =	simm.s32 $execute0_lowered;
	[smem:$0x3FD2] =	sst s25  }
0xa6: {  	s4 =	sshll.u32 s26, $0x1;
	_ =	strace $0x80000049;
	[dreg:$0x1] =	wrdreg $0xFFFFFFFF  }
0xa7: {  	s28 =	simm.s32 $_size_execute0_lowered;
	s2 =	sadd.s32 s2, s4;
	[dreg:$0x0] =	wrdreg $0x0  }
0xa8: {  	s4 =	sshll.u32 s28, $0x1;
	[dreg:$0x2] =	wrdreg s2  }
0xa9: {  	[dreg:$0x3] =	wrdreg s4  }
0xaa: {  	[dreg:$0x4] =	wrdreg $0xC0  }
0xab: {  	_ =	task [dreg:s6], $0x5FFFF  }
0xac: {  	[dreg:$0x1] =	wrdreg $0xFFFFFFFF  }
0xad: {  	[dreg:$0x0] =	wrdreg $0x60  }
0xae: {  	[dreg:$0x2] =	wrdreg s24  }
0xaf: {  	[dreg:$0x3] =	wrdreg $0x5C300  }
0xb0: {  	[dreg:$0x4] =	wrdreg $0xA  }
0xb1: {  	_ =	task.clear_ibuf [dreg:s6], $0x5FFFF;
	_ =	strace $0x90000049  }
0xb2: {  	s29 =	simm.s32 $0xA;
	_ =	strace $0x8000004B  }
0xb3: {  	_ =	swait.ge [sflag:s29], $0x1  }
0xb4: {  	[sflag:s29] =	ssyncadd.s32 $0xFFFFFFFF  }
0xb5: {  	_ =	strace $0x9000004B  }
0xb6: {  	_ =	sfence  }
0xb7: {  	s30 =	sld [smem:$0x0];
	_ =	sdelay $0x2  }
0xb8: {  	s31 =	sshll.u32 s1, $0xD;
	s1 =	sshrl.u32 s1, $0x2  }
0xb9: {  	s3 =	sand.u32 $0x4000, s31;
	s1 =	sadd.s32 s1, s30  }
0xba: {  	s0 =	sor.u32 s3, s0;
	s1 =	sshll.u32 s1, $0x11  }
0xbb: {  	s0 =	sor.u32 s1, s0  }
0xbc: {  	s0 =	sadd.s32 $0x8F2B, s0  }
0xbd: {  	[sflag:s0] =	ssyncadd.remote.s32 $0x1  }
0xbe: {  	_ =	sfence.sel $0xFFFF  }
0xbf: {  	[dreg:$0x0] =	wrdreg $0xFFFFFFFF;
	(pc) =	sbr.abs _section_cstart, $3  }
0xc0: {  	[dreg:$0x1] =	wrdreg $0xFFFFFFFF  }
0xc1: {  	_ =	task.clear_ibuf [dreg:s6], $0x2FFFF;
	_ =	strace $0x9FFFFFFF  }
0xc2: {  	(tm) =	ssettm $0x7FFFFFFF  }
0xc3: {  	_ =	shalt  }
tec
execute0_lowered:
.L_overlay_start_1:
0x0: {  	(tag) =	ssettag $0x1  }
0x1: {  	s0 =	rddreg [dreg:$0x0]  }
0x2: {  	s2 =	rddreg [dreg:$0x1];
	s1 =	stileid.u32  }
0x3: {  	s3 =	simm.s32 $0x0;
	s6 =	srdreg.scid;
	s4 =	smul.u32 $0x61A80, s1  }
0x4: {  	[smem:$0x7FF] =	sst s3;
	s5 =	smul.u32 $0x61A8, s1  }
0x5: {  	s8 =	sand.u32 $0x1, s6;
	s6 =	sadd.s32 $0x40B600, s0;
	s17 =	smul.u32 $0x186A, s1  }
0x6: {  	_ =	strace $0x8000004A;
	s7 =	ssub.s32 $0x2, s8;
	p0 =	sne.s32 s8, $0x0  }
0x7: {  	s11 =	sadd.s32 s4, s0;
	s14 =	sadd.s32 s5, s0;
	s9 =	sshrl.u32 s7, $0x1  }
0x8: {  	s5 =	sadd.s32 $0x3DA800, s0;
	s4 =	sshrl.u32 s4, $0x2;
	s23 =	sadd.s32 $0x271, s17  }
0x9: {  	s25 =	sadd.s32 $0x4E2, s17;
	s12 =	sadd.s32 $0x753, s17;
	s13 =	sadd.s32 $0x9C4, s17  }
0xa: {  	s15 =	sadd.s32 $0xC35, s17;
	s28 =	sadd.s32 $0xEA6, s17;
	s18 =	sadd.s32 $0x1117, s17  }
0xb: {  	s29 =	sadd.s32 $0x1388, s17;
	s17 =	sadd.s32 $0x15F9, s17;
	s22 =	ssub.s32 s7, s9  }
0xc: {  	s7 =	sadd.s32 s4, s2;
	s24 =	sshll.u32 s23, $0x1;
	s10 =	sshll.u32 s25, $0x4  }
0xd: {  	s9 =	sshll.u32 s25, $0x1;
	s26 =	sshll.u32 s12, $0x4;
	s12 =	sshll.u32 s12, $0x1  }
0xe: {  	s16 =	sshll.u32 s15, $0x1;
	s15 =	sshll.u32 s15, $0x4;
	s19 =	sshll.u32 s18, $0x4  }
0xf: {  	s18 =	sshll.u32 s18, $0x1;
	s8 =	sshll.u32 s29, $0x4;
	s21 =	sshll.u32 s17, $0x4  }
0x10: {  	s30 =	sshll.u32 s17, $0x1;
	s0 =	smax.u32 s22, $0x1;
	[dreg:$0x4] =	wrdreg s24  }
0x11: {  	s10 =	sadd.s32 s10, s2;
	[dreg:$0x5] =	wrdreg s12;
	s4 =	sadd.s32 s26, s2  }
0x12: {  	s12 =	sshll.u32 s13, $0x1;
	s13 =	sshll.u32 s13, $0x4;
	[dreg:$0x6] =	wrdreg s16  }
0x13: {  	s20 =	sadd.s32 s15, s2;
	s15 =	sshll.u32 s28, $0x1;
	[dreg:$0x7] =	wrdreg s18  }
0x14: {  	s16 =	sshll.u32 s28, $0x4;
	s18 =	sshll.u32 s29, $0x1;
	[dreg:$0x8] =	wrdreg s30  }
0x15: {  	s31 =	sadd.s32 s21, s2;
	s24 =	sadd.s32 $0x4E20, s7;
	[dreg:$0x3] =	wrdreg s0  }
0x16: {  	s21 =	sadd.s32 $0x10AC000, s11;
	s25 =	sadd.s32 $0x7530, s7;
	[dreg:$0xf] =	wrdreg s24  }
0x17: {  	s22 =	sadd.s32 $0x6B800, s14;
	s26 =	sadd.s32 $0x9C40, s7;
	[dreg:$0x10] =	wrdreg s25  }
0x18: {  	s28 =	sadd.s32 $0xC350, s7;
	s29 =	sadd.s32 $0xEA60, s7;
	[dreg:$0x11] =	wrdreg s26  }
0x19: {  	s30 =	sadd.s32 $0x11170, s7;
	s0 =	sshll.u32 s23, $0x4;
	[dreg:$0x12] =	wrdreg s28  }
0x1a: {  	s13 =	sadd.s32 s13, s2;
	s16 =	sadd.s32 s16, s2;
	[dreg:$0x13] =	wrdreg s29  }
0x1b: {  	s23 =	sadd.s32 s19, s2;
	s11 =	sshrl.u32 s4, $0x3;
	[dreg:$0x14] =	wrdreg s30  }
0x1c: {  	s19 =	sadd.s32 s8, s2;
	s14 =	sshrl.u32 s20, $0x3;
	[dreg:$0xa] =	wrdreg s11  }
0x1d: {  	s20 =	sshrl.u32 s31, $0x3;
	s31 =	sadd.s32 $0x13880, s7;
	[dreg:$0xb] =	wrdreg s14  }
0x1e: {  	s24 =	simm.s32 $0x1;
	s25 =	simm.s32 $0x320;
	[dreg:$0xd] =	wrdreg s20  }
0x1f: {  	s26 =	simm.s32 $0x0;
	s17 =	sshrl.u32 s23, $0x3;
	[dreg:$0x15] =	wrdreg s31  }
0x20: {  	s0 =	sadd.s32 s0, s2;
	s23 =	sadd.s32 $0x2710, s7;
	[dreg:$0xc] =	wrdreg s17  }
0x21: {  	s20 =	smul.u32 $0x30D4, s1;
	s0 =	sshrl.u32 s0, $0x3;
	[dreg:$0xe] =	wrdreg s23  }
0x22: {  	v0 =	vimm.f32 $0.0e+00;
	s17 =	sadd.s32 $0x15F90, s7;
	s23 =	simm.s32 $0x3520;
	[dreg:$0x9] =	wrdreg s0  }
.LBB2_1:
0x23: {  	s0 =	simm.s32 $0x40;
	s4 =	simm.s32 $0x0  }
.LBB2_2:
0x24: {  	p1 =	sne.s32 s0, $0x9C00;
	[tilespmem:s4+$0x3520] =	vst v0;
	s4 =	smov.u32 s0;
	s0 =	sadd.s32 $0x40, s0  }
.Ltmp0:
0x25: {  	(pc) =	sbr.rel @p1 .LBB2_2-.Ltmp0, $2  }
0x26: {  	_ =	sdelay $0x2  }
0x27: {  	s4 =	sshra.s32 s4, $0x2  }
0x28: {  	[tilespmem:s4+$0x3520] =	vst v0  }
0x29: {  	[spmem:s7] =	stream.linear.scatter [tilespmem:s23], [sflag:$0x1], $0x2710, $0x38;
	[tilespmem:$0x1E2D0] =	vst v63  }
0x2a: {  	_ =	swait.ge [sflag:s24], $0x2710  }
0x2b: {  	[sflag:s24] =	ssyncset.done $0x0  }
0x2c: {  	s0 =	rddreg [dreg:$0xe];
	[sflag:s24] =	ssyncadd.s32 $0xFFFFD8F0  }
0x2d: {  	[spmem:s0] =	stream.linear.scatter [tilespmem:s23], [sflag:$0x1], $0x2710, $0x38;
	[tilespmem:$0x1E2D0] =	vst v63  }
0x2e: {  	_ =	swait.ge [sflag:s24], $0x2710  }
0x2f: {  	[sflag:s24] =	ssyncset.done $0x0  }
0x30: {  	s4 =	rddreg [dreg:$0xf];
	[sflag:s24] =	ssyncadd.s32 $0xFFFFD8F0  }
0x31: {  	[spmem:s4] =	stream.linear.scatter [tilespmem:s23], [sflag:$0x1], $0x2710, $0x38;
	[tilespmem:$0x1E2D0] =	vst v63  }
0x32: {  	_ =	swait.ge [sflag:s24], $0x2710  }
0x33: {  	[sflag:s24] =	ssyncset.done $0x0  }
0x34: {  	s8 =	rddreg [dreg:$0x10];
	[sflag:s24] =	ssyncadd.s32 $0xFFFFD8F0  }
0x35: {  	[spmem:s8] =	stream.linear.scatter [tilespmem:s23], [sflag:$0x1], $0x2710, $0x38;
	[tilespmem:$0x1E2D0] =	vst v63  }
0x36: {  	_ =	swait.ge [sflag:s24], $0x2710  }
0x37: {  	[sflag:s24] =	ssyncset.done $0x0  }
0x38: {  	s11 =	rddreg [dreg:$0x11];
	[sflag:s24] =	ssyncadd.s32 $0xFFFFD8F0  }
0x39: {  	[spmem:s11] =	stream.linear.scatter [tilespmem:s23], [sflag:$0x1], $0x2710, $0x38;
	[tilespmem:$0x1E2D0] =	vst v63  }
0x3a: {  	_ =	swait.ge [sflag:s24], $0x2710  }
0x3b: {  	[sflag:s24] =	ssyncset.done $0x0  }
0x3c: {  	s14 =	rddreg [dreg:$0x12];
	[sflag:s24] =	ssyncadd.s32 $0xFFFFD8F0  }
0x3d: {  	[spmem:s14] =	stream.linear.scatter [tilespmem:s23], [sflag:$0x1], $0x2710, $0x38;
	[tilespmem:$0x1E2D0] =	vst v63  }
0x3e: {  	_ =	swait.ge [sflag:s24], $0x2710  }
0x3f: {  	[sflag:s24] =	ssyncset.done $0x0  }
0x40: {  	s28 =	rddreg [dreg:$0x13];
	[sflag:s24] =	ssyncadd.s32 $0xFFFFD8F0  }
0x41: {  	[spmem:s28] =	stream.linear.scatter [tilespmem:s23], [sflag:$0x1], $0x2710, $0x38;
	[tilespmem:$0x1E2D0] =	vst v63  }
0x42: {  	_ =	swait.ge [sflag:s24], $0x2710  }
0x43: {  	[sflag:s24] =	ssyncset.done $0x0  }
0x44: {  	s29 =	rddreg [dreg:$0x14];
	[sflag:s24] =	ssyncadd.s32 $0xFFFFD8F0  }
0x45: {  	[spmem:s29] =	stream.linear.scatter [tilespmem:s23], [sflag:$0x1], $0x2710, $0x38;
	[tilespmem:$0x1E2D0] =	vst v63  }
0x46: {  	_ =	swait.ge [sflag:s24], $0x2710  }
0x47: {  	[sflag:s24] =	ssyncset.done $0x0  }
0x48: {  	s30 =	rddreg [dreg:$0x15];
	[sflag:s24] =	ssyncadd.s32 $0xFFFFD8F0  }
0x49: {  	[spmem:s30] =	stream.linear.scatter [tilespmem:s23], [sflag:$0x1], $0x2710, $0x38;
	[tilespmem:$0x1E2D0] =	vst v63  }
0x4a: {  	_ =	swait.ge [sflag:s24], $0x2710  }
0x4b: {  	[sflag:s24] =	ssyncset.done $0x0  }
0x4c: {  	[sflag:s24] =	ssyncadd.s32 $0xFFFFD8F0  }
0x4d: {  	[spmem:s17] =	stream.linear.scatter [tilespmem:s23], [sflag:$0x1], $0x2710, $0x38;
	[tilespmem:$0x1E2D0] =	vst v63  }
0x4e: {  	_ =	swait.ge [sflag:s24], $0x2710  }
0x4f: {  	[sflag:s24] =	ssyncset.done $0x0  }
0x50: {  	[sflag:s24] =	ssyncadd.s32 $0xFFFFD8F0  }
0x51: {  	s31 =	sadd.s32 $0x0, s22;
	[bflag:$0x0] =	sbarrier.arrive $0xFFFF  }
0x52: {  	[tilespmem:s3], [sflag:$0x1] =	stream.linear.gather [hbm4b:s31+s3], $0x320, $0x38;
	[tilespmem:$0x1E2D0] =	vst v63  }
0x53: {  	_ =	swait.ge [sflag:s24], $0x320  }
0x54: {  	[sflag:s24] =	ssyncset.done $0x0  }
0x55: {  	[sflag:s24] =	ssyncadd.s32 $0xFFFFFCE0  }
0x56: {  	[tilespmem:s25], [sflag:$0x1] =	stream.linear.gather [hbm4b:s21+s3], $0x3200, $0x38;
	[tilespmem:$0x1E2D0] =	vst v63  }
0x57: {  	_ =	swait.ge [sflag:s24], $0x3200  }
0x58: {  	[sflag:s24] =	ssyncset.done $0x0  }
0x59: {  	[sflag:s24] =	ssyncadd.s32 $0xFFFFCE00  }
0x5a: {  	[spmem:s2] =	stream.indirect.scatter.add.f32 [tilespmem:s25], [sflag:$0x1], $0x10, s3, s25, $0xb8;
	[tilespmem:$0x1E2D0] =	vst v63  }
0x5b: {  	s0 =	sadd.s32 $0x640, s21;
	_ =	swait.ge [sflag:s24], $0x3200  }
0x5c: {  	s4 =	simm.s32 $0x64;
	s8 =	simm.s32 $0xC8;
	[sflag:s24] =	ssyncset.done $0x0  }
.LBB2_4:
0x5d: {  	s28 =	sadd.s32 s4, s22  }
0x5e: {  	[sflag:s24] =	ssyncadd.s32 $0xFFFFCE00;
	s4 =	smov.u32 s8;
	s29 =	sadd.s32 $0x64, s8  }
0x5f: {  	[tilespmem:s3], [sflag:$0x1] =	stream.linear.gather [hbm4b:s28+s3], $0x320, $0x38;
	[tilespmem:$0x1E2D0] =	vst v63  }
0x60: {  	p1 =	sne.s32 s8, $0x6144;
	_ =	swait.ge [sflag:s24], $0x320  }
0x61: {  	[sflag:s24] =	ssyncset.done $0x0  }
0x62: {  	[sflag:s24] =	ssyncadd.s32 $0xFFFFFCE0  }
0x63: {  	[tilespmem:s25], [sflag:$0x1] =	stream.linear.gather [hbm4b:s0+s3], $0x3200, $0x38;
	[tilespmem:$0x1E2D0] =	vst v63  }
0x64: {  	_ =	swait.ge [sflag:s24], $0x3200  }
.Ltmp1:
0x65: {  	[sflag:s24] =	ssyncset.done $0x0;
	(pc) =	sbr.rel @p1 .LBB2_4-.Ltmp1, $4  }
0x66: {  	[sflag:s24] =	ssyncadd.s32 $0xFFFFCE00  }
0x67: {  	[spmem:s2] =	stream.indirect.scatter.add.f32 [tilespmem:s25], [sflag:$0x1], $0x10, s3, s25, $0xb8;
	[tilespmem:$0x1E2D0] =	vst v63  }
0x68: {  	_ =	swait.ge [sflag:s24], $0x3200  }
0x69: {  	s8 =	smov.u32 s29;
	s0 =	sadd.s32 $0x640, s0;
	[sflag:s24] =	ssyncset.done $0x0  }
0x6a: {  	s4 =	sadd.s32 s4, s22;
	[sflag:s24] =	ssyncadd.s32 $0xFFFFCE00  }
0x6b: {  	[tilespmem:s3], [sflag:$0x1] =	stream.linear.gather [hbm4b:s4+s3], $0x320, $0x38;
	[tilespmem:$0x1E2D0] =	vst v63  }
0x6c: {  	_ =	swait.ge [sflag:s24], $0x320  }
0x6d: {  	[sflag:s24] =	ssyncset.done $0x0  }
0x6e: {  	[sflag:s24] =	ssyncadd.s32 $0xFFFFFCE0  }
0x6f: {  	[tilespmem:s25], [sflag:$0x1] =	stream.linear.gather [hbm4b:s0+s3], $0x3200, $0x38;
	[tilespmem:$0x1E2D0] =	vst v63  }
0x70: {  	_ =	swait.ge [sflag:s24], $0x3200  }
0x71: {  	[sflag:s24] =	ssyncset.done $0x0  }
0x72: {  	[sflag:s24] =	ssyncadd.s32 $0xFFFFCE00  }
0x73: {  	[spmem:s2] =	stream.indirect.scatter.add.f32 [tilespmem:s25], [sflag:$0x1], $0x10, s3, s25, $0xb8;
	[tilespmem:$0x1E2D0] =	vst v63  }
0x74: {  	_ =	swait.ge [sflag:s24], $0x3200  }
0x75: {  	s29 =	simm.s32 @p0 $0x1;
	[sflag:s24] =	ssyncset.done $0x0  }
0x76: {  	s4 =	sadd.s32 @p0 s5, s20;
	s0 =	sshll.u32 @p0 s1, $0x6;
	[sflag:s24] =	ssyncadd.s32 $0xFFFFCE00  }
0x77: {  	s30 =	sor.u32 @p0 $0x1C01, s0;
	s0 =	sshrl.u32 @p0 s7, $0x3;
	[bflag:$0x0] =	sbarrier.arrive $0xFFFF  }
0x78: {  	[hbm:s4], [sflag:s30] =	dma.local @p0 [spmem:s0], $0x4E2  }
0x79: {  	s8 =	sshrl.u32 @!p0 s7, $0x3;
	s31 =	simm.s32 @!p0 $0x2;
	_ =	swait.ge @p0 [sflag:s29], $0x4E2  }
0x7a: {  	s28 =	simm.s32 @!p0 $0x2;
	s0 =	sshll.u32 @!p0 s1, $0x6;
	[sflag:s29] =	ssyncset.done @p0 $0x0  }
0x7b: {  	s4 =	sadd.s32 @!p0 s6, s20;
	s0 =	sor.u32 @!p0 $0x1C02, s0;
	[sflag:s29] =	ssyncadd.s32 @p0 $0xFFFFFB1E  }
0x7c: {  	[hbm:s4], [sflag:s0] =	dma.local @!p0 [spmem:s8], $0x4E2  }
0x7d: {  	s11 =	sshll.u32 s1, $0x6;
	s28 =	simm.s32 @p0 $0x1;
	s4 =	smov.u32 s6  }
0x7e: {  	s8 =	sadd.s32 s28, s11;
	_ =	swait.ge @!p0 [sflag:s31], $0x4E2;
	s4 =	smov.u32 @p0 s5  }
0x7f: {  	s8 =	sadd.s32 $0x1C00, s8;
	[sflag:s31] =	ssyncset.done @!p0 $0x0;
	s11 =	rddreg [dreg:$0x4]  }
0x80: {  	s14 =	rddreg [dreg:$0x9];
	[sflag:s31] =	ssyncadd.s32 @!p0 $0xFFFFFB1E;
	s11 =	sadd.s32 s4, s11  }
0x81: {  	[hbm:s11], [sflag:s8] =	dma.local [spmem:s14], $0x4E2  }
0x82: {  	_ =	swait.ge [sflag:s28], $0x4E2  }
0x83: {  	[sflag:s28] =	ssyncset.done $0x0  }
0x84: {  	s11 =	sadd.s32 @p0 s5, s9;
	s14 =	sshrl.u32 @p0 s10, $0x3;
	[sflag:s28] =	ssyncadd.s32 $0xFFFFFB1E  }
0x85: {  	[hbm:s11], [sflag:s30] =	dma.local @p0 [spmem:s14], $0x4E2  }
0x86: {  	_ =	swait.ge @p0 [sflag:s29], $0x4E2  }
0x87: {  	[sflag:s29] =	ssyncset.done @p0 $0x0  }
0x88: {  	s11 =	sadd.s32 @!p0 s6, s9;
	s14 =	sshrl.u32 @!p0 s10, $0x3;
	[sflag:s29] =	ssyncadd.s32 @p0 $0xFFFFFB1E  }
0x89: {  	[hbm:s11], [sflag:s0] =	dma.local @!p0 [spmem:s14], $0x4E2  }
0x8a: {  	_ =	swait.ge @!p0 [sflag:s31], $0x4E2  }
0x8b: {  	[sflag:s31] =	ssyncset.done @!p0 $0x0;
	s14 =	rddreg [dreg:$0x5]  }
0x8c: {  	[sflag:s31] =	ssyncadd.s32 @!p0 $0xFFFFFB1E;
	s11 =	sadd.s32 s4, s14;
	s14 =	rddreg [dreg:$0xa]  }
0x8d: {  	[hbm:s11], [sflag:s8] =	dma.local [spmem:s14], $0x4E2  }
0x8e: {  	_ =	swait.ge [sflag:s28], $0x4E2  }
0x8f: {  	[sflag:s28] =	ssyncset.done $0x0  }
0x90: {  	s11 =	sadd.s32 @p0 s5, s12;
	s14 =	sshrl.u32 @p0 s13, $0x3;
	[sflag:s28] =	ssyncadd.s32 $0xFFFFFB1E  }
0x91: {  	[hbm:s11], [sflag:s30] =	dma.local @p0 [spmem:s14], $0x4E2  }
0x92: {  	_ =	swait.ge @p0 [sflag:s29], $0x4E2  }
0x93: {  	[sflag:s29] =	ssyncset.done @p0 $0x0  }
0x94: {  	s11 =	sadd.s32 @!p0 s6, s12;
	s14 =	sshrl.u32 @!p0 s13, $0x3;
	[sflag:s29] =	ssyncadd.s32 @p0 $0xFFFFFB1E  }
0x95: {  	[hbm:s11], [sflag:s0] =	dma.local @!p0 [spmem:s14], $0x4E2  }
0x96: {  	_ =	swait.ge @!p0 [sflag:s31], $0x4E2  }
0x97: {  	[sflag:s31] =	ssyncset.done @!p0 $0x0;
	s14 =	rddreg [dreg:$0x6]  }
0x98: {  	[sflag:s31] =	ssyncadd.s32 @!p0 $0xFFFFFB1E;
	s11 =	sadd.s32 s4, s14;
	s14 =	rddreg [dreg:$0xb]  }
0x99: {  	[hbm:s11], [sflag:s8] =	dma.local [spmem:s14], $0x4E2  }
0x9a: {  	_ =	swait.ge [sflag:s28], $0x4E2  }
0x9b: {  	[sflag:s28] =	ssyncset.done $0x0  }
0x9c: {  	s11 =	sadd.s32 @p0 s5, s15;
	s14 =	sshrl.u32 @p0 s16, $0x3;
	[sflag:s28] =	ssyncadd.s32 $0xFFFFFB1E  }
0x9d: {  	[hbm:s11], [sflag:s30] =	dma.local @p0 [spmem:s14], $0x4E2  }
0x9e: {  	_ =	swait.ge @p0 [sflag:s29], $0x4E2  }
0x9f: {  	[sflag:s29] =	ssyncset.done @p0 $0x0  }
0xa0: {  	s11 =	sadd.s32 @!p0 s6, s15;
	s14 =	sshrl.u32 @!p0 s16, $0x3;
	[sflag:s29] =	ssyncadd.s32 @p0 $0xFFFFFB1E  }
0xa1: {  	[hbm:s11], [sflag:s0] =	dma.local @!p0 [spmem:s14], $0x4E2  }
0xa2: {  	_ =	swait.ge @!p0 [sflag:s31], $0x4E2  }
0xa3: {  	[sflag:s31] =	ssyncset.done @!p0 $0x0;
	s14 =	rddreg [dreg:$0x7]  }
0xa4: {  	[sflag:s31] =	ssyncadd.s32 @!p0 $0xFFFFFB1E;
	s11 =	sadd.s32 s4, s14;
	s14 =	rddreg [dreg:$0xc]  }
0xa5: {  	[hbm:s11], [sflag:s8] =	dma.local [spmem:s14], $0x4E2  }
0xa6: {  	_ =	swait.ge [sflag:s28], $0x4E2  }
0xa7: {  	[sflag:s28] =	ssyncset.done $0x0  }
0xa8: {  	s11 =	sadd.s32 @p0 s5, s18;
	s14 =	sshrl.u32 @p0 s19, $0x3;
	[sflag:s28] =	ssyncadd.s32 $0xFFFFFB1E  }
0xa9: {  	[hbm:s11], [sflag:s30] =	dma.local @p0 [spmem:s14], $0x4E2  }
0xaa: {  	_ =	swait.ge @p0 [sflag:s29], $0x4E2  }
0xab: {  	[sflag:s29] =	ssyncset.done @p0 $0x0  }
0xac: {  	s11 =	sadd.s32 @!p0 s6, s18;
	s14 =	sshrl.u32 @!p0 s19, $0x3;
	[sflag:s29] =	ssyncadd.s32 @p0 $0xFFFFFB1E  }
0xad: {  	[hbm:s11], [sflag:s0] =	dma.local @!p0 [spmem:s14], $0x4E2  }
0xae: {  	_ =	swait.ge @!p0 [sflag:s31], $0x4E2  }
0xaf: {  	[sflag:s31] =	ssyncset.done @!p0 $0x0;
	s29 =	rddreg [dreg:$0x8]  }
0xb0: {  	s30 =	rddreg [dreg:$0xd];
	[sflag:s31] =	ssyncadd.s32 @!p0 $0xFFFFFB1E;
	s0 =	sadd.s32 s4, s29  }
0xb1: {  	[hbm:s0], [sflag:s8] =	dma.local [spmem:s30], $0x4E2  }
0xb2: {  	_ =	swait.ge [sflag:s28], $0x4E2  }
0xb3: {  	s26 =	sadd.s32 $0x1, s26;
	s31 =	rddreg [dreg:$0x3]  }
0xb4: {  	p1 =	sne.s32 s26, s31  }
.Ltmp2:
0xb5: {  	_ = 	snop;
	(pc) =	sbr.rel @p1 .LBB2_1-.Ltmp2, $3  }
0xb6: {  	_ =	sdelay $0x1  }
0xb7: {  	[sflag:s28] =	ssyncset.done $0x0  }
0xb8: {  	[sflag:s28] =	ssyncadd.s32 $0xFFFFFB1E  }
0xb9: {  	_ =	sfence.sel $0x180000  }
0xba: {  	[bflag:$0x0] =	sbarrier.arrive $0xFFFF  }
0xbb: {  	_ =	strace $0x9000004A  }
0xbc: {  	[bflag:$0x2] =	sbarrier.arrive $0xFFFF  }
0xbd: {  	p0 =	sne.s32 s1, $0x0;
	s0 =	rddreg [dreg:$0x2]  }
0xbe: {  	s0 =	sadd.s32 @!p0 $0x100000, s0  }
0xbf: {  	[sflag:s0] =	ssyncadd.tile.s32 @!p0 $0x1;
	_ =	shalt  }
.Lfunc_end2:
_tile_overlayer_lowered:
.L_overlay_start_2:
0xc0: {  	(tag) =	ssettag $0x2  }
0xc1: {  	s0 =	rddreg [dreg:$0x0];
	s2 =	stileid.u32  }
0xc2: {  	s1 =	rddreg [dreg:$0x1];
	p0 =	sne.s32 s2, $0x0  }
0xc3: {  	s3 =	rddreg [dreg:$0x2];
	[bflag:$0x3] =	sbarrier.arrive $0xFFFF;
	s2 =	simm.s32 @!p0 $0x1C01  }
0xc4: {  	[timem:s3], [sflag:s2] =	dma.local @!p0 [hbm:s0], s1  }
0xc5: {  	s0 =	simm.s32 @!p0 $0x1  }
0xc6: {  	_ =	swait.ge @!p0 [sflag:s0], s1  }
0xc7: {  	s1 =	ssub.s32 @!p0 $0x0, s1;
	[sflag:s0] =	ssyncset.done @!p0 $0x0  }
0xc8: {  	[sflag:s0] =	ssyncadd.s32 @!p0 s1  }
0xc9: {  	[bflag:$0x3] =	sbarrier.arrive $0xFFFF  }
0xca: {  	_ =	shalt  }

// kernel: kernel.21.cloned.1.call-start
scs
__scs_entry_jumppad:
0x0: {  	(pc) =	sbr.rel $0x88, $3  }
0x1: {  	(tag) =	ssettag $0x0;
	lr =	simm.s32 $0x1  }
0x2: {  	[smem:$0x3F89] =	sst lr;
	_ =	strace $0xD0000000  }
0x3: {  	_ = 	snop  }
0x4: {  	_ = 	snop  }
0x5: {  	_ = 	snop  }
0x6: {  	_ = 	snop  }
0x7: {  	_ = 	snop  }
__scs_overlays_trampoline_lowered:
0x8: {  	[smem:$0x3F98] =	sst s0  }
0x9: {  	[smem:$0x3F99] =	sst s1  }
0xa: {  	[smem:$0x3F9A] =	sst s2  }
0xb: {  	[smem:$0x3F9B] =	sst s3  }
0xc: {  	[smem:$0x3F9C] =	sst s4  }
0xd: {  	[smem:$0x3F9D] =	sst s5  }
0xe: {  	[smem:$0x3F9E] =	sst s6  }
0xf: {  	[smem:$0x3F9F] =	sst s7  }
0x10: {  	[smem:$0x3FA0] =	sst s8  }
0x11: {  	[smem:$0x3FA1] =	sst s9;
	s0 =	simm.s32 @!p0 $0x0  }
0x12: {  	s1 =	sld [smem:$0x3F87];
	s0 =	simm.s32 @p0 $0x1  }
0x13: {  	[smem:$0x3FA2] =	sst s0;
	s0 =	simm.s32 @!p1 $0x0  }
0x14: {  	s2 =	sld [smem:$0x3F86];
	s0 =	simm.s32 @p1 $0x1  }
0x15: {  	[smem:$0x3FA3] =	sst s0;
	s0 =	simm.s32 @!p2 $0x0  }
0x16: {  	s3 =	sld [smem:$0x3FDB];
	s0 =	simm.s32 @p2 $0x1  }
0x17: {  	s4 =	simm.s32 $0x1BF5;
	[smem:$0x3FA5] =	sst s0  }
0x18: {  	s0 =	sld [smem:$0x3F88];
	_ =	swait.ge [sflag:s4], $0x0  }
0x19: {  	s7 =	sld [smem:$0x3F89]  }
0x1a: {  	s8 =	sadd.s32 $0xFFFFE003, lr  }
0x1b: {  	s9 =	sadd.s32 $0xFFFFFEF7, lr;
	s5 =	simm.s32 $0xFFFFFFFF;
	p2 =	slt.u32 s8, $0xFFFFF086  }
0x1c: {  	p1 =	slt.u32 s9, $0xF7A;
	s5 =	simm.s32 @!p2 $0x0  }
0x1d: {  	s5 =	simm.s32 @p1 $0x1;
	p0 =	seq.s32 s7, s2  }
0x1e: {  	s7 =	smul.u32 @!p0 $0xF7A, s2;
	p2 =	seq.s32 @!p0 s5, $0x0  }
0x1f: {  	s9 =	smul.u32 $0xF7A, s1;
	s8 =	simm.s32 @!p0 $0x1BF5;
	p2 =	por !p2, p0  }
0x20: {  	[sflag:s8] =	ssyncset.s32 @!p0 $0xFFFFF086;
	s6 =	sadd.s32 @!p0 s3, s7;
	s7 =	simm.s32 @!p0 $0x108  }
0x21: {  	s3 =	sadd.s32 s3, s9;
	s6 =	sadd.s32 @!p0 $0x88, s6;
	s7 =	simm.s32 @p2 $0x1082  }
0x22: {  	[simem:s7], [sflag:s8] =	dma.local @!p0 [hbm:s6], $0xF7A  }
0x23: {  	s9 =	sor.u32 $0xD0000000, s2;
	s6 =	simm.s32 $0x108;
	_ =	swait.ge @!p0 [sflag:s8], $0x0  }
0x24: {  	s3 =	sadd.s32 $0x88, s3;
	s6 =	simm.s32 @!p1 $0x1082;
	[sflag:s4] =	ssyncset.s32 $0xFFFFF086  }
0x25: {  	[simem:s6], [sflag:s4] =	dma.local [hbm:s3], $0xF7A  }
0x26: {  	[smem:$0x3F89] =	sst s1;
	(tag) =	ssettag s2;
	_ =	strace s9  }
0x27: {  	s1 =	sld [smem:$0x3F99]  }
0x28: {  	s2 =	sld [smem:$0x3F9A]  }
0x29: {  	s4 =	sld [smem:$0x3F9C]  }
0x2a: {  	p0 =	seq.s32 s5, $0x0;
	s5 =	sld [smem:$0x3F9D]  }
0x2b: {  	s6 =	sld [smem:$0x3F9E]  }
0x2c: {  	s7 =	sld [smem:$0x3F9F]  }
0x2d: {  	s3 =	simm.s32 $0x108;
	s8 =	sld [smem:$0x3FA0]  }
0x2e: {  	s3 =	simm.s32 @!p0 $0x1082;
	s9 =	sld [smem:$0x3FA1]  }
0x2f: {  	lr =	sadd.s32 s0, s3;
	s0 =	sld [smem:$0x3F98]  }
0x30: {  	s3 =	sld [smem:$0x3F9B]  }
0x31: {  	[smem:$0x3FA4] =	sst s10  }
0x32: {  	s10 =	sld [smem:$0x3FA2];
	_ =	sdelay $0x3  }
0x33: {  	p0 =	seq.s32 s10, $0x1;
	s10 =	sld [smem:$0x3FA4];
	_ =	sdelay $0x3  }
0x34: {  	[smem:$0x3FA4] =	sst s10  }
0x35: {  	s10 =	sld [smem:$0x3FA3];
	_ =	sdelay $0x3  }
0x36: {  	p1 =	seq.s32 s10, $0x1;
	s10 =	sld [smem:$0x3FA4];
	_ =	sdelay $0x3  }
0x37: {  	[smem:$0x3FA4] =	sst s10  }
0x38: {  	s10 =	sld [smem:$0x3FA5]  }
0x39: {  	_ = 	snop;
	(pc) =	sbr.ind lr, $3  }
0x3a: {  	_ = 	snop  }
0x3b: {  	_ = 	snop  }
0x3c: {  	p2 =	seq.s32 s10, $0x1;
	s10 =	sld [smem:$0x3FA4]  }
0x3d: {  	_ =	shalt  }
0x3e: {  	_ =	shalt  }
0x3f: {  	_ =	shalt  }
0x40: {  	_ =	shalt  }
0x41: {  	_ =	shalt  }
0x42: {  	_ =	shalt  }
0x43: {  	_ =	shalt  }
0x44: {  	_ =	shalt  }
0x45: {  	_ =	shalt  }
0x46: {  	_ =	shalt  }
0x47: {  	_ =	shalt  }
0x48: {  	_ =	shalt  }
0x49: {  	_ =	shalt  }
0x4a: {  	_ =	shalt  }
0x4b: {  	_ =	shalt  }
0x4c: {  	_ =	shalt  }
0x4d: {  	_ =	shalt  }
0x4e: {  	_ =	shalt  }
0x4f: {  	_ =	shalt  }
0x50: {  	_ =	shalt  }
0x51: {  	_ =	shalt  }
0x52: {  	_ =	shalt  }
0x53: {  	_ =	shalt  }
0x54: {  	_ =	shalt  }
0x55: {  	_ =	shalt  }
0x56: {  	_ =	shalt  }
0x57: {  	_ =	shalt  }
0x58: {  	_ =	shalt  }
0x59: {  	_ =	shalt  }
0x5a: {  	_ =	shalt  }
0x5b: {  	_ =	shalt  }
0x5c: {  	_ =	shalt  }
0x5d: {  	_ =	shalt  }
0x5e: {  	_ =	shalt  }
0x5f: {  	_ =	shalt  }
0x60: {  	_ =	shalt  }
0x61: {  	_ =	shalt  }
0x62: {  	_ =	shalt  }
0x63: {  	_ =	shalt  }
0x64: {  	_ =	shalt  }
0x65: {  	_ =	shalt  }
0x66: {  	_ =	shalt  }
0x67: {  	_ =	shalt  }
0x68: {  	_ =	shalt  }
0x69: {  	_ =	shalt  }
0x6a: {  	_ =	shalt  }
0x6b: {  	_ =	shalt  }
0x6c: {  	_ =	shalt  }
0x6d: {  	_ =	shalt  }
0x6e: {  	_ =	shalt  }
0x6f: {  	_ =	shalt  }
0x70: {  	_ =	shalt  }
0x71: {  	_ =	shalt  }
0x72: {  	_ =	shalt  }
0x73: {  	_ =	shalt  }
0x74: {  	_ =	shalt  }
0x75: {  	_ =	shalt  }
0x76: {  	_ =	shalt  }
0x77: {  	_ =	shalt  }
0x78: {  	_ =	shalt  }
0x79: {  	_ =	shalt  }
0x7a: {  	_ =	shalt  }
0x7b: {  	_ =	shalt  }
0x7c: {  	_ =	shalt  }
0x7d: {  	_ =	shalt  }
0x7e: {  	_ =	shalt  }
0x7f: {  	_ =	shalt  }
0x80: {  	_ =	shalt  }
0x81: {  	_ =	shalt  }
0x82: {  	_ =	shalt  }
0x83: {  	_ =	shalt  }
0x84: {  	_ =	shalt  }
0x85: {  	_ =	shalt  }
0x86: {  	_ =	shalt  }
0x87: {  	_ =	shalt  }
.Lfunc_end0:
.L_simem_size_0:
called_computation.3_lowered:
.L_overlay_start_0:
0x88: {  	s2 =	sld [smem:$0x3FD9]  }
0x89: {  	s3 =	sld [smem:$0x3FFE];
	_ =	sdelay $0x1  }
0x8a: {  	s1 =	srdreg.scid  }
0x8b: {  	s0 =	sand.u32 $0x1, s1  }
0x8c: {  	s16 =	sshll.u32 s0, $0xA;
	s2 =	sadd.s32 s3, s2  }
0x8d: {  	s2 =	sadd.s32 s2, s16  }
0x8e: {  	[smem:$0x3FB0] =	sst s2  }
0x8f: {  	_ = 	snop  }
0x90: {  	(tm) =	ssettm $0x1  }
0x91: {  	s17 =	sld [smem:$0x3FFB];
	_ =	sdelay $0x3  }
0x92: {  	_ =	strace s17  }
0x93: {  	s2 =	sld [smem:$0x3FFC];
	_ =	sdelay $0x3  }
0x94: {  	_ =	strace s2  }
0x95: {  	s2 =	sld [smem:$0x3FFD];
	_ =	sdelay $0x3  }
0x96: {  	_ =	strace s2  }
0x97: {  	_ =	strace $0x8FFFFFFF  }
0x98: {  	s18 =	sld [smem:$0x3FDB];
	_ =	sdelay $0x1  }
0x99: {  	s19 =	simm.s32 $_scs_section_size  }
0x9a: {  	s4 =	simm.s32 $_size__tile_overlayer_lowered;
	s5 =	simm.s32 $_tile_overlayer_lowered  }
0x9b: {  	s22 =	simm.s32 $0x1BFF;
	s21 =	sshll.u32 s5, $0x1;
	s2 =	sadd.s32 s19, s18  }
0x9c: {  	s6 =	simm.s32 $0x0;
	s20 =	sshll.u32 s4, $0x1;
	s4 =	sadd.s32 s21, s2  }
0x9d: {  	[timem:s6], [sflag:s22] =	dma.local [hbm:s4], s20  }
0x9e: {  	_ =	swait.ge [sflag:s22], s20  }
0x9f: {  	s3 =	ssub.s32 $0x0, s20;
	[sflag:s22] =	ssyncset.done $0x0  }
0xa0: {  	[sflag:s22] =	ssyncadd.s32 s3;
	_ =	sdelay $0x1  }
0xa1: {  	s23 =	simm.s32 $0x1B8B  }
0xa2: {  	_ =	swait.ge [sflag:s23], $0x1  }
0xa3: {  	[sflag:s23] =	ssyncset.done $0x0  }
0xa4: {  	s25 =	simm.s32 $0x1B8E;
	s24 =	sld [smem:$0x3FFE];
	[sflag:s23] =	ssyncadd.s32 $0xFFFFFFFF  }
0xa5: {  	s26 =	simm.s32 $execute0_lowered;
	[smem:$0x3FD2] =	sst s25  }
0xa6: {  	s4 =	sshll.u32 s26, $0x1;
	_ =	strace $0x8000004F;
	[dreg:$0x1] =	wrdreg $0xFFFFFFFF  }
0xa7: {  	s28 =	simm.s32 $_size_execute0_lowered;
	s2 =	sadd.s32 s2, s4;
	[dreg:$0x0] =	wrdreg $0x0  }
0xa8: {  	s4 =	sshll.u32 s28, $0x1;
	[dreg:$0x2] =	wrdreg s2  }
0xa9: {  	[dreg:$0x3] =	wrdreg s4  }
0xaa: {  	[dreg:$0x4] =	wrdreg $0xC0  }
0xab: {  	_ =	task [dreg:s6], $0x5FFFF  }
0xac: {  	[dreg:$0x1] =	wrdreg $0xFFFFFFFF  }
0xad: {  	[dreg:$0x0] =	wrdreg $0x60  }
0xae: {  	[dreg:$0x2] =	wrdreg s24  }
0xaf: {  	[dreg:$0x3] =	wrdreg $0x9  }
0xb0: {  	_ =	task.clear_ibuf [dreg:s6], $0x4FFFF;
	_ =	strace $0x9000004F  }
0xb1: {  	s29 =	simm.s32 $0x9;
	_ =	strace $0x80000051  }
0xb2: {  	_ =	swait.ge [sflag:s29], $0x1  }
0xb3: {  	[sflag:s29] =	ssyncadd.s32 $0xFFFFFFFF  }
0xb4: {  	_ =	strace $0x90000051  }
0xb5: {  	_ =	sfence  }
0xb6: {  	s30 =	sld [smem:$0x0];
	_ =	sdelay $0x2  }
0xb7: {  	s31 =	sshll.u32 s1, $0xD;
	s1 =	sshrl.u32 s1, $0x2  }
0xb8: {  	s3 =	sand.u32 $0x4000, s31;
	s1 =	sadd.s32 s1, s30  }
0xb9: {  	s0 =	sor.u32 s3, s0;
	s1 =	sshll.u32 s1, $0x11  }
0xba: {  	s0 =	sor.u32 s1, s0  }
0xbb: {  	s0 =	sadd.s32 $0x8F2B, s0  }
0xbc: {  	[sflag:s0] =	ssyncadd.remote.s32 $0x1  }
0xbd: {  	_ =	sfence.sel $0xFFFF  }
0xbe: {  	[dreg:$0x0] =	wrdreg $0xFFFFFFFF;
	(pc) =	sbr.abs _section_cstart, $3  }
0xbf: {  	[dreg:$0x1] =	wrdreg $0xFFFFFFFF  }
0xc0: {  	_ =	task.clear_ibuf [dreg:s6], $0x2FFFF;
	_ =	strace $0x9FFFFFFF  }
0xc1: {  	(tm) =	ssettm $0x7FFFFFFF  }
tec
execute0_lowered:
.L_overlay_start_1:
0x0: {  	(tag) =	ssettag $0x1  }
0x1: {  	s7 =	rddreg [dreg:$0x0]  }
0x2: {  	s0 =	rddreg [dreg:$0x1];
	s1 =	simm.s32 $0x0  }
0x3: {  	s2 =	srdreg.scid;
	s12 =	simm.s32 $0x640;
	s13 =	simm.s32 $0x9C40  }
0x4: {  	s14 =	simm.s32 $0x1;
	s15 =	simm.s32 $0x2;
	s16 =	simm.s32 $0x0  }
0x5: {  	[smem:$0x7FF] =	sst s1;
	s3 =	sadd.s32 $0xCD400, s7;
	s4 =	sadd.s32 $0x477000, s7  }
0x6: {  	s8 =	sand.u32 $0x1, s2;
	s5 =	sadd.s32 $0x6B800, s7;
	s2 =	stileid.u32  }
0x7: {  	s6 =	sadd.s32 $0x9C00, s7;
	s7 =	sadd.s32 $0x25FEC00, s7;
	s9 =	ssub.s32 $0x2, s8  }
0x8: {  	_ =	strace $0x80000050;
	s11 =	sshll.u32 s2, $0x1;
	s10 =	sshrl.u32 s9, $0x1  }
0x9: {  	s8 =	sor.u32 s8, s11;
	s11 =	simm.s32 $0x320;
	s9 =	ssub.s32 s9, s10  }
0xa: {  	s8 =	smul.u32 $0x186A0, s8;
	s10 =	simm.s32 $0x3;
	s9 =	smax.u32 s9, $0x1  }
.LBB2_1:
0xb: {  	s17 =	simm.s32 $0x0  }
.LBB2_2:
0xc: {  	s18 =	smul.u32 $0x320, s17;
	_ =	sdelay $0x1  }
0xd: {  	s18 =	sadd.s32 s8, s18  }
0xe: {  	s19 =	sshrl.u32 s18, $0x3  }
0xf: {  	s21 =	simm.s32 $0x0;
	s20 =	sadd.s32 s5, s19  }
0x10: {  	[tilespmem:s21], [sflag:$0x3] =	stream.linear.gather [hbm4b:s20+s21], $0x320, $0x38;
	[tilespmem:$0x13240] =	vst v63  }
0x11: {  	_ =	swait.ge [sflag:s10], $0x320  }
0x12: {  	[sflag:s10] =	ssyncset.done $0x0  }
0x13: {  	s19 =	sadd.s32 s6, s19;
	[sflag:s10] =	ssyncadd.s32 $0xFFFFFCE0  }
0x14: {  	[tilespmem:s11], [sflag:$0x3] =	stream.linear.gather [hbm4b:s19+s21], $0x320, $0x38;
	[tilespmem:$0x13240] =	vst v63  }
0x15: {  	_ =	swait.ge [sflag:s10], $0x320  }
0x16: {  	[sflag:s10] =	ssyncset.done $0x0  }
0x17: {  	[sflag:s10] =	ssyncadd.s32 $0xFFFFFCE0  }
0x18: {  	[tilespmem:s12], [sflag:$0x1] =	stream.indirect.gather [hbm4b:s3+s11], $0x30, s21, s11, $0xb8;
	[tilespmem:$0x13240] =	vst v63  }
0x19: {  	_ = 	snop  }
0x1a: {  	[tilespmem:s13], [sflag:$0x2] =	stream.indirect.gather [hbm4b:s4+s11], $0x30, s11, s11, $0xb8;
	[tilespmem:$0x13240] =	vst v63  }
0x1b: {  	_ =	swait.ge [sflag:s14], $0x9600  }
0x1c: {  	[sflag:s14] =	ssyncset.done $0x0  }
0x1d: {  	[sflag:s14] =	ssyncadd.s32 $0xFFFF6A00  }
0x1e: {  	_ =	swait.ge [sflag:s15], $0x9600  }
0x1f: {  	[sflag:s15] =	ssyncset.done $0x0  }
0x20: {  	s19 =	simm.s32 $0x0;
	[sflag:s15] =	ssyncadd.s32 $0xFFFF6A00  }
0x21: {  	v1 =	vld [tilespmem:s19+$0x9C40]  }
0x22: {  	v2 =	vld [tilespmem:s19+$0x9C50]  }
0x23: {  	v0 =	vld [tilespmem:s19+$0x9C60]  }
0x24: {  	v3 =	vld [tilespmem:s19+$0x640]  }
0x25: {  	s20 =	simm.s32 $0xC0;
	v4 =	vld [tilespmem:s19+$0x650]  }
.LBB2_3:
0x26: {  	p0 =	sne.s32 s20, $0x25740;
	v5 =	vld [tilespmem:s19+$0x660];
	_ =	sdelay $0x1  }
0x27: {  	s21 =	sshra.s32 s20, $0x2  }
.Ltmp0:
0x28: {  	v3 =	vadd.f32 v1, v3;
	v1 =	vld [tilespmem:s21+$0x9C40];
	(pc) =	sbr.rel @p0 .LBB2_3-.Ltmp0, $4  }
0x29: {  	v4 =	vadd.f32 v2, v4;
	v2 =	vld [tilespmem:s21+$0x9C50]  }
0x2a: {  	[tilespmem:s19+$0x640] =	vst v3;
	v5 =	vadd.f32 v0, v5;
	v0 =	vld [tilespmem:s21+$0x9C60]  }
0x2b: {  	v3 =	vld [tilespmem:s21+$0x640];
	[tilespmem:s19+$0x650] =	vst v4  }
0x2c: {  	s20 =	sadd.s32 $0xC0, s20;
	v4 =	vld [tilespmem:s21+$0x650];
	[tilespmem:s19+$0x660] =	vst v5;
	s19 =	smov.u32 s21  }
0x2d: {  	v5 =	vld [tilespmem:s19+$0x660];
	_ =	sdelay $0x2  }
0x2e: {  	v1 =	vadd.f32 v1, v3  }
0x2f: {  	v2 =	vadd.f32 v2, v4  }
0x30: {  	s18 =	smul.u32 $0x6, s18;
	s17 =	sadd.s32 $0x1, s17;
	[tilespmem:s19+$0x640] =	vst v1;
	v0 =	vadd.f32 v0, v5  }
0x31: {  	p0 =	sne.s32 s17, $0x7D;
	[tilespmem:s19+$0x650] =	vst v2  }
.Ltmp1:
0x32: {  	s18 =	sadd.s32 s7, s18;
	[tilespmem:s19+$0x660] =	vst v0;
	(pc) =	sbr.rel @p0 .LBB2_2-.Ltmp1, $4  }
0x33: {  	[hbm4b:s18+s1] =	stream.linear.scatter [tilespmem:s12], [sflag:$0x3], $0x9600, $0x38;
	[tilespmem:$0x13240] =	vst v63  }
0x34: {  	_ =	swait.ge [sflag:s10], $0x9600  }
0x35: {  	[sflag:s10] =	ssyncset.done $0x0  }
0x36: {  	[sflag:s10] =	ssyncadd.s32 $0xFFFF6A00  }
0x37: {  	s16 =	sadd.s32 $0x1, s16  }
0x38: {  	p0 =	sne.s32 s16, s9  }
.Ltmp2:
0x39: {  	_ = 	snop;
	(pc) =	sbr.rel @p0 .LBB2_1-.Ltmp2, $1  }
0x3a: {  	_ =	sdelay $0x3  }
0x3b: {  	_ =	sfence.sel $0x180000  }
0x3c: {  	[bflag:$0x0] =	sbarrier.arrive $0xFFFF  }
0x3d: {  	p0 =	sne.s32 s2, $0x0;
	_ =	strace $0x90000050  }
0x3e: {  	s0 =	sadd.s32 @!p0 $0x100000, s0;
	[bflag:$0x2] =	sbarrier.arrive $0xFFFF  }
0x3f: {  	[sflag:s0] =	ssyncadd.tile.s32 @!p0 $0x1;
	_ =	shalt  }
.Lfunc_end2:
_tile_overlayer_lowered:
.L_overlay_start_2:
0x40: {  	(tag) =	ssettag $0x2  }
0x41: {  	s0 =	rddreg [dreg:$0x0];
	s2 =	stileid.u32  }
0x42: {  	s1 =	rddreg [dreg:$0x1];
	p0 =	sne.s32 s2, $0x0  }
0x43: {  	s3 =	rddreg [dreg:$0x2];
	[bflag:$0x3] =	sbarrier.arrive $0xFFFF;
	s2 =	simm.s32 @!p0 $0x1C03  }
0x44: {  	[timem:s3], [sflag:s2] =	dma.local @!p0 [hbm:s0], s1  }
0x45: {  	s0 =	simm.s32 @!p0 $0x3  }
0x46: {  	_ =	swait.ge @!p0 [sflag:s0], s1  }
0x47: {  	s1 =	ssub.s32 @!p0 $0x0, s1;
	[sflag:s0] =	ssyncset.done @!p0 $0x0  }
0x48: {  	[sflag:s0] =	ssyncadd.s32 @!p0 s1  }
0x49: {  	[bflag:$0x3] =	sbarrier.arrive $0xFFFF  }
0x4a: {  	_ =	shalt  }

// kernel: kernel.24.cloned.1.call-start
scs
__scs_entry_jumppad:
0x0: {  	(pc) =	sbr.rel $0x88, $3  }
0x1: {  	(tag) =	ssettag $0x0;
	lr =	simm.s32 $0x1  }
0x2: {  	[smem:$0x3F89] =	sst lr;
	_ =	strace $0xD0000000  }
0x3: {  	_ = 	snop  }
0x4: {  	_ = 	snop  }
0x5: {  	_ = 	snop  }
0x6: {  	_ = 	snop  }
0x7: {  	_ = 	snop  }
__scs_overlays_trampoline_lowered:
0x8: {  	[smem:$0x3F98] =	sst s0  }
0x9: {  	[smem:$0x3F99] =	sst s1  }
0xa: {  	[smem:$0x3F9A] =	sst s2  }
0xb: {  	[smem:$0x3F9B] =	sst s3  }
0xc: {  	[smem:$0x3F9C] =	sst s4  }
0xd: {  	[smem:$0x3F9D] =	sst s5  }
0xe: {  	[smem:$0x3F9E] =	sst s6  }
0xf: {  	[smem:$0x3F9F] =	sst s7  }
0x10: {  	[smem:$0x3FA0] =	sst s8  }
0x11: {  	[smem:$0x3FA1] =	sst s9;
	s0 =	simm.s32 @!p0 $0x0  }
0x12: {  	s1 =	sld [smem:$0x3F87];
	s0 =	simm.s32 @p0 $0x1  }
0x13: {  	[smem:$0x3FA2] =	sst s0;
	s0 =	simm.s32 @!p1 $0x0  }
0x14: {  	s2 =	sld [smem:$0x3F86];
	s0 =	simm.s32 @p1 $0x1  }
0x15: {  	[smem:$0x3FA3] =	sst s0;
	s0 =	simm.s32 @!p2 $0x0  }
0x16: {  	s3 =	sld [smem:$0x3FDB];
	s0 =	simm.s32 @p2 $0x1  }
0x17: {  	s4 =	simm.s32 $0x1BF5;
	[smem:$0x3FA5] =	sst s0  }
0x18: {  	s0 =	sld [smem:$0x3F88];
	_ =	swait.ge [sflag:s4], $0x0  }
0x19: {  	s7 =	sld [smem:$0x3F89]  }
0x1a: {  	s8 =	sadd.s32 $0xFFFFE003, lr  }
0x1b: {  	s9 =	sadd.s32 $0xFFFFFEF7, lr;
	s5 =	simm.s32 $0xFFFFFFFF;
	p2 =	slt.u32 s8, $0xFFFFF086  }
0x1c: {  	p1 =	slt.u32 s9, $0xF7A;
	s5 =	simm.s32 @!p2 $0x0  }
0x1d: {  	s5 =	simm.s32 @p1 $0x1;
	p0 =	seq.s32 s7, s2  }
0x1e: {  	s7 =	smul.u32 @!p0 $0xF7A, s2;
	p2 =	seq.s32 @!p0 s5, $0x0  }
0x1f: {  	s9 =	smul.u32 $0xF7A, s1;
	s8 =	simm.s32 @!p0 $0x1BF5;
	p2 =	por !p2, p0  }
0x20: {  	[sflag:s8] =	ssyncset.s32 @!p0 $0xFFFFF086;
	s6 =	sadd.s32 @!p0 s3, s7;
	s7 =	simm.s32 @!p0 $0x108  }
0x21: {  	s3 =	sadd.s32 s3, s9;
	s6 =	sadd.s32 @!p0 $0x88, s6;
	s7 =	simm.s32 @p2 $0x1082  }
0x22: {  	[simem:s7], [sflag:s8] =	dma.local @!p0 [hbm:s6], $0xF7A  }
0x23: {  	s9 =	sor.u32 $0xD0000000, s2;
	s6 =	simm.s32 $0x108;
	_ =	swait.ge @!p0 [sflag:s8], $0x0  }
0x24: {  	s3 =	sadd.s32 $0x88, s3;
	s6 =	simm.s32 @!p1 $0x1082;
	[sflag:s4] =	ssyncset.s32 $0xFFFFF086  }
0x25: {  	[simem:s6], [sflag:s4] =	dma.local [hbm:s3], $0xF7A  }
0x26: {  	[smem:$0x3F89] =	sst s1;
	(tag) =	ssettag s2;
	_ =	strace s9  }
0x27: {  	s1 =	sld [smem:$0x3F99]  }
0x28: {  	s2 =	sld [smem:$0x3F9A]  }
0x29: {  	s4 =	sld [smem:$0x3F9C]  }
0x2a: {  	p0 =	seq.s32 s5, $0x0;
	s5 =	sld [smem:$0x3F9D]  }
0x2b: {  	s6 =	sld [smem:$0x3F9E]  }
0x2c: {  	s7 =	sld [smem:$0x3F9F]  }
0x2d: {  	s3 =	simm.s32 $0x108;
	s8 =	sld [smem:$0x3FA0]  }
0x2e: {  	s3 =	simm.s32 @!p0 $0x1082;
	s9 =	sld [smem:$0x3FA1]  }
0x2f: {  	lr =	sadd.s32 s0, s3;
	s0 =	sld [smem:$0x3F98]  }
0x30: {  	s3 =	sld [smem:$0x3F9B]  }
0x31: {  	[smem:$0x3FA4] =	sst s10  }
0x32: {  	s10 =	sld [smem:$0x3FA2];
	_ =	sdelay $0x3  }
0x33: {  	p0 =	seq.s32 s10, $0x1;
	s10 =	sld [smem:$0x3FA4];
	_ =	sdelay $0x3  }
0x34: {  	[smem:$0x3FA4] =	sst s10  }
0x35: {  	s10 =	sld [smem:$0x3FA3];
	_ =	sdelay $0x3  }
0x36: {  	p1 =	seq.s32 s10, $0x1;
	s10 =	sld [smem:$0x3FA4];
	_ =	sdelay $0x3  }
0x37: {  	[smem:$0x3FA4] =	sst s10  }
0x38: {  	s10 =	sld [smem:$0x3FA5]  }
0x39: {  	_ = 	snop;
	(pc) =	sbr.ind lr, $3  }
0x3a: {  	_ = 	snop  }
0x3b: {  	_ = 	snop  }
0x3c: {  	p2 =	seq.s32 s10, $0x1;
	s10 =	sld [smem:$0x3FA4]  }
0x3d: {  	_ =	shalt  }
0x3e: {  	_ =	shalt  }
0x3f: {  	_ =	shalt  }
0x40: {  	_ =	shalt  }
0x41: {  	_ =	shalt  }
0x42: {  	_ =	shalt  }
0x43: {  	_ =	shalt  }
0x44: {  	_ =	shalt  }
0x45: {  	_ =	shalt  }
0x46: {  	_ =	shalt  }
0x47: {  	_ =	shalt  }
0x48: {  	_ =	shalt  }
0x49: {  	_ =	shalt  }
0x4a: {  	_ =	shalt  }
0x4b: {  	_ =	shalt  }
0x4c: {  	_ =	shalt  }
0x4d: {  	_ =	shalt  }
0x4e: {  	_ =	shalt  }
0x4f: {  	_ =	shalt  }
0x50: {  	_ =	shalt  }
0x51: {  	_ =	shalt  }
0x52: {  	_ =	shalt  }
0x53: {  	_ =	shalt  }
0x54: {  	_ =	shalt  }
0x55: {  	_ =	shalt  }
0x56: {  	_ =	shalt  }
0x57: {  	_ =	shalt  }
0x58: {  	_ =	shalt  }
0x59: {  	_ =	shalt  }
0x5a: {  	_ =	shalt  }
0x5b: {  	_ =	shalt  }
0x5c: {  	_ =	shalt  }
0x5d: {  	_ =	shalt  }
0x5e: {  	_ =	shalt  }
0x5f: {  	_ =	shalt  }
0x60: {  	_ =	shalt  }
0x61: {  	_ =	shalt  }
0x62: {  	_ =	shalt  }
0x63: {  	_ =	shalt  }
0x64: {  	_ =	shalt  }
0x65: {  	_ =	shalt  }
0x66: {  	_ =	shalt  }
0x67: {  	_ =	shalt  }
0x68: {  	_ =	shalt  }
0x69: {  	_ =	shalt  }
0x6a: {  	_ =	shalt  }
0x6b: {  	_ =	shalt  }
0x6c: {  	_ =	shalt  }
0x6d: {  	_ =	shalt  }
0x6e: {  	_ =	shalt  }
0x6f: {  	_ =	shalt  }
0x70: {  	_ =	shalt  }
0x71: {  	_ =	shalt  }
0x72: {  	_ =	shalt  }
0x73: {  	_ =	shalt  }
0x74: {  	_ =	shalt  }
0x75: {  	_ =	shalt  }
0x76: {  	_ =	shalt  }
0x77: {  	_ =	shalt  }
0x78: {  	_ =	shalt  }
0x79: {  	_ =	shalt  }
0x7a: {  	_ =	shalt  }
0x7b: {  	_ =	shalt  }
0x7c: {  	_ =	shalt  }
0x7d: {  	_ =	shalt  }
0x7e: {  	_ =	shalt  }
0x7f: {  	_ =	shalt  }
0x80: {  	_ =	shalt  }
0x81: {  	_ =	shalt  }
0x82: {  	_ =	shalt  }
0x83: {  	_ =	shalt  }
0x84: {  	_ =	shalt  }
0x85: {  	_ =	shalt  }
0x86: {  	_ =	shalt  }
0x87: {  	_ =	shalt  }
.Lfunc_end0:
.L_simem_size_0:
called_computation.4_lowered:
.L_overlay_start_0:
0x88: {  	s2 =	sld [smem:$0x3FD9]  }
0x89: {  	s3 =	sld [smem:$0x3FFE];
	_ =	sdelay $0x1  }
0x8a: {  	s1 =	srdreg.scid  }
0x8b: {  	s0 =	sand.u32 $0x1, s1  }
0x8c: {  	s16 =	sshll.u32 s0, $0xA;
	s2 =	sadd.s32 s3, s2  }
0x8d: {  	s2 =	sadd.s32 s2, s16  }
0x8e: {  	[smem:$0x3FB0] =	sst s2  }
0x8f: {  	_ = 	snop  }
0x90: {  	(tm) =	ssettm $0x1  }
0x91: {  	s17 =	sld [smem:$0x3FFB];
	_ =	sdelay $0x3  }
0x92: {  	_ =	strace s17  }
0x93: {  	s2 =	sld [smem:$0x3FFC];
	_ =	sdelay $0x3  }
0x94: {  	_ =	strace s2  }
0x95: {  	s2 =	sld [smem:$0x3FFD];
	_ =	sdelay $0x3  }
0x96: {  	_ =	strace s2  }
0x97: {  	_ =	strace $0x8FFFFFFF  }
0x98: {  	s18 =	sld [smem:$0x3FDB];
	_ =	sdelay $0x1  }
0x99: {  	s19 =	simm.s32 $_scs_section_size  }
0x9a: {  	s4 =	simm.s32 $_size__tile_overlayer_lowered;
	s5 =	simm.s32 $_tile_overlayer_lowered  }
0x9b: {  	s22 =	simm.s32 $0x1BFF;
	s21 =	sshll.u32 s5, $0x1;
	s2 =	sadd.s32 s19, s18  }
0x9c: {  	s6 =	simm.s32 $0x0;
	s20 =	sshll.u32 s4, $0x1;
	s4 =	sadd.s32 s21, s2  }
0x9d: {  	[timem:s6], [sflag:s22] =	dma.local [hbm:s4], s20  }
0x9e: {  	_ =	swait.ge [sflag:s22], s20  }
0x9f: {  	s3 =	ssub.s32 $0x0, s20;
	[sflag:s22] =	ssyncset.done $0x0  }
0xa0: {  	[sflag:s22] =	ssyncadd.s32 s3;
	_ =	sdelay $0x1  }
0xa1: {  	s23 =	simm.s32 $0x1B8B  }
0xa2: {  	_ =	swait.ge [sflag:s23], $0x1  }
0xa3: {  	[sflag:s23] =	ssyncset.done $0x0  }
0xa4: {  	s25 =	simm.s32 $0x1B8E;
	s24 =	sld [smem:$0x3FFE];
	[sflag:s23] =	ssyncadd.s32 $0xFFFFFFFF  }
0xa5: {  	s26 =	simm.s32 $execute0_lowered;
	[smem:$0x3FD2] =	sst s25  }
0xa6: {  	s4 =	sshll.u32 s26, $0x1;
	_ =	strace $0x80000052;
	[dreg:$0x1] =	wrdreg $0xFFFFFFFF  }
0xa7: {  	s28 =	simm.s32 $_size_execute0_lowered;
	s2 =	sadd.s32 s2, s4;
	[dreg:$0x0] =	wrdreg $0x0  }
0xa8: {  	s4 =	sshll.u32 s28, $0x1;
	[dreg:$0x2] =	wrdreg s2  }
0xa9: {  	[dreg:$0x3] =	wrdreg s4  }
0xaa: {  	[dreg:$0x4] =	wrdreg $0xC0  }
0xab: {  	_ =	task [dreg:s6], $0x5FFFF  }
0xac: {  	[dreg:$0x1] =	wrdreg $0xFFFFFFFF  }
0xad: {  	[dreg:$0x0] =	wrdreg $0x60  }
0xae: {  	[dreg:$0x2] =	wrdreg s24  }
0xaf: {  	[dreg:$0x3] =	wrdreg $0x5C300  }
0xb0: {  	[dreg:$0x4] =	wrdreg $0x9  }
0xb1: {  	_ =	task.clear_ibuf [dreg:s6], $0x5FFFF;
	_ =	strace $0x90000052  }
0xb2: {  	s29 =	simm.s32 $0x9;
	_ =	strace $0x80000054  }
0xb3: {  	_ =	swait.ge [sflag:s29], $0x1  }
0xb4: {  	[sflag:s29] =	ssyncadd.s32 $0xFFFFFFFF  }
0xb5: {  	_ =	strace $0x90000054  }
0xb6: {  	_ =	sfence  }
0xb7: {  	s30 =	sld [smem:$0x0];
	_ =	sdelay $0x2  }
0xb8: {  	s31 =	sshll.u32 s1, $0xD;
	s1 =	sshrl.u32 s1, $0x2  }
0xb9: {  	s3 =	sand.u32 $0x4000, s31;
	s1 =	sadd.s32 s1, s30  }
0xba: {  	s0 =	sor.u32 s3, s0;
	s1 =	sshll.u32 s1, $0x11  }
0xbb: {  	s0 =	sor.u32 s1, s0  }
0xbc: {  	s0 =	sadd.s32 $0x8F2B, s0  }
0xbd: {  	[sflag:s0] =	ssyncadd.remote.s32 $0x1  }
0xbe: {  	_ =	sfence.sel $0xFFFF  }
0xbf: {  	[dreg:$0x0] =	wrdreg $0xFFFFFFFF;
	(pc) =	sbr.abs _section_cstart, $3  }
0xc0: {  	[dreg:$0x1] =	wrdreg $0xFFFFFFFF  }
0xc1: {  	_ =	task.clear_ibuf [dreg:s6], $0x2FFFF;
	_ =	strace $0x9FFFFFFF  }
0xc2: {  	(tm) =	ssettm $0x7FFFFFFF  }
0xc3: {  	_ =	shalt  }
tec
execute0_lowered:
.L_overlay_start_1:
0x0: {  	(tag) =	ssettag $0x1  }
0x1: {  	s0 =	rddreg [dreg:$0x0]  }
0x2: {  	s2 =	rddreg [dreg:$0x1];
	s1 =	stileid.u32  }
0x3: {  	s3 =	simm.s32 $0x0;
	s6 =	srdreg.scid;
	s4 =	smul.u32 $0x61A80, s1  }
0x4: {  	[smem:$0x7FF] =	sst s3;
	s5 =	smul.u32 $0x61A8, s1  }
0x5: {  	s8 =	sand.u32 $0x1, s6;
	s6 =	sadd.s32 $0x6E7C00, s0;
	s17 =	smul.u32 $0x186A, s1  }
0x6: {  	_ =	strace $0x80000053;
	s7 =	ssub.s32 $0x2, s8;
	p0 =	sne.s32 s8, $0x0  }
0x7: {  	s11 =	sadd.s32 s4, s0;
	s14 =	sadd.s32 s5, s0;
	s9 =	sshrl.u32 s7, $0x1  }
0x8: {  	s5 =	sadd.s32 $0x9C00, s0;
	s4 =	sshrl.u32 s4, $0x2;
	s23 =	sadd.s32 $0x271, s17  }
0x9: {  	s25 =	sadd.s32 $0x4E2, s17;
	s12 =	sadd.s32 $0x753, s17;
	s13 =	sadd.s32 $0x9C4, s17  }
0xa: {  	s15 =	sadd.s32 $0xC35, s17;
	s28 =	sadd.s32 $0xEA6, s17;
	s18 =	sadd.s32 $0x1117, s17  }
0xb: {  	s29 =	sadd.s32 $0x1388, s17;
	s17 =	sadd.s32 $0x15F9, s17;
	s22 =	ssub.s32 s7, s9  }
0xc: {  	s7 =	sadd.s32 s4, s2;
	s24 =	sshll.u32 s23, $0x1;
	s10 =	sshll.u32 s25, $0x4  }
0xd: {  	s9 =	sshll.u32 s25, $0x1;
	s26 =	sshll.u32 s12, $0x4;
	s12 =	sshll.u32 s12, $0x1  }
0xe: {  	s16 =	sshll.u32 s15, $0x1;
	s15 =	sshll.u32 s15, $0x4;
	s19 =	sshll.u32 s18, $0x4  }
0xf: {  	s18 =	sshll.u32 s18, $0x1;
	s8 =	sshll.u32 s29, $0x4;
	s21 =	sshll.u32 s17, $0x4  }
0x10: {  	s30 =	sshll.u32 s17, $0x1;
	s0 =	smax.u32 s22, $0x1;
	[dreg:$0x4] =	wrdreg s24  }
0x11: {  	s10 =	sadd.s32 s10, s2;
	[dreg:$0x5] =	wrdreg s12;
	s4 =	sadd.s32 s26, s2  }
0x12: {  	s12 =	sshll.u32 s13, $0x1;
	s13 =	sshll.u32 s13, $0x4;
	[dreg:$0x6] =	wrdreg s16  }
0x13: {  	s20 =	sadd.s32 s15, s2;
	s15 =	sshll.u32 s28, $0x1;
	[dreg:$0x7] =	wrdreg s18  }
0x14: {  	s16 =	sshll.u32 s28, $0x4;
	s18 =	sshll.u32 s29, $0x1;
	[dreg:$0x8] =	wrdreg s30  }
0x15: {  	s31 =	sadd.s32 s21, s2;
	s24 =	sadd.s32 $0x4E20, s7;
	[dreg:$0x3] =	wrdreg s0  }
0x16: {  	s21 =	sadd.s32 $0xCD400, s11;
	s25 =	sadd.s32 $0x7530, s7;
	[dreg:$0xf] =	wrdreg s24  }
0x17: {  	s22 =	sadd.s32 $0x6B800, s14;
	s26 =	sadd.s32 $0x9C40, s7;
	[dreg:$0x10] =	wrdreg s25  }
0x18: {  	s28 =	sadd.s32 $0xC350, s7;
	s29 =	sadd.s32 $0xEA60, s7;
	[dreg:$0x11] =	wrdreg s26  }
0x19: {  	s30 =	sadd.s32 $0x11170, s7;
	s0 =	sshll.u32 s23, $0x4;
	[dreg:$0x12] =	wrdreg s28  }
0x1a: {  	s13 =	sadd.s32 s13, s2;
	s16 =	sadd.s32 s16, s2;
	[dreg:$0x13] =	wrdreg s29  }
0x1b: {  	s23 =	sadd.s32 s19, s2;
	s11 =	sshrl.u32 s4, $0x3;
	[dreg:$0x14] =	wrdreg s30  }
0x1c: {  	s19 =	sadd.s32 s8, s2;
	s14 =	sshrl.u32 s20, $0x3;
	[dreg:$0xa] =	wrdreg s11  }
0x1d: {  	s20 =	sshrl.u32 s31, $0x3;
	s31 =	sadd.s32 $0x13880, s7;
	[dreg:$0xb] =	wrdreg s14  }
0x1e: {  	s24 =	simm.s32 $0x1;
	s25 =	simm.s32 $0x320;
	[dreg:$0xd] =	wrdreg s20  }
0x1f: {  	s26 =	simm.s32 $0x0;
	s17 =	sshrl.u32 s23, $0x3;
	[dreg:$0x15] =	wrdreg s31  }
0x20: {  	s0 =	sadd.s32 s0, s2;
	s23 =	sadd.s32 $0x2710, s7;
	[dreg:$0xc] =	wrdreg s17  }
0x21: {  	s20 =	smul.u32 $0x30D4, s1;
	s0 =	sshrl.u32 s0, $0x3;
	[dreg:$0xe] =	wrdreg s23  }
0x22: {  	v0 =	vimm.f32 $0.0e+00;
	s17 =	sadd.s32 $0x15F90, s7;
	s23 =	simm.s32 $0x3520;
	[dreg:$0x9] =	wrdreg s0  }
.LBB2_1:
0x23: {  	s0 =	simm.s32 $0x40;
	s4 =	simm.s32 $0x0  }
.LBB2_2:
0x24: {  	p1 =	sne.s32 s0, $0x9C00;
	[tilespmem:s4+$0x3520] =	vst v0;
	s4 =	smov.u32 s0;
	s0 =	sadd.s32 $0x40, s0  }
.Ltmp0:
0x25: {  	(pc) =	sbr.rel @p1 .LBB2_2-.Ltmp0, $2  }
0x26: {  	_ =	sdelay $0x2  }
0x27: {  	s4 =	sshra.s32 s4, $0x2  }
0x28: {  	[tilespmem:s4+$0x3520] =	vst v0  }
0x29: {  	[spmem:s7] =	stream.linear.scatter [tilespmem:s23], [sflag:$0x1], $0x2710, $0x38;
	[tilespmem:$0x1E2D0] =	vst v63  }
0x2a: {  	_ =	swait.ge [sflag:s24], $0x2710  }
0x2b: {  	[sflag:s24] =	ssyncset.done $0x0  }
0x2c: {  	s0 =	rddreg [dreg:$0xe];
	[sflag:s24] =	ssyncadd.s32 $0xFFFFD8F0  }
0x2d: {  	[spmem:s0] =	stream.linear.scatter [tilespmem:s23], [sflag:$0x1], $0x2710, $0x38;
	[tilespmem:$0x1E2D0] =	vst v63  }
0x2e: {  	_ =	swait.ge [sflag:s24], $0x2710  }
0x2f: {  	[sflag:s24] =	ssyncset.done $0x0  }
0x30: {  	s4 =	rddreg [dreg:$0xf];
	[sflag:s24] =	ssyncadd.s32 $0xFFFFD8F0  }
0x31: {  	[spmem:s4] =	stream.linear.scatter [tilespmem:s23], [sflag:$0x1], $0x2710, $0x38;
	[tilespmem:$0x1E2D0] =	vst v63  }
0x32: {  	_ =	swait.ge [sflag:s24], $0x2710  }
0x33: {  	[sflag:s24] =	ssyncset.done $0x0  }
0x34: {  	s8 =	rddreg [dreg:$0x10];
	[sflag:s24] =	ssyncadd.s32 $0xFFFFD8F0  }
0x35: {  	[spmem:s8] =	stream.linear.scatter [tilespmem:s23], [sflag:$0x1], $0x2710, $0x38;
	[tilespmem:$0x1E2D0] =	vst v63  }
0x36: {  	_ =	swait.ge [sflag:s24], $0x2710  }
0x37: {  	[sflag:s24] =	ssyncset.done $0x0  }
0x38: {  	s11 =	rddreg [dreg:$0x11];
	[sflag:s24] =	ssyncadd.s32 $0xFFFFD8F0  }
0x39: {  	[spmem:s11] =	stream.linear.scatter [tilespmem:s23], [sflag:$0x1], $0x2710, $0x38;
	[tilespmem:$0x1E2D0] =	vst v63  }
0x3a: {  	_ =	swait.ge [sflag:s24], $0x2710  }
0x3b: {  	[sflag:s24] =	ssyncset.done $0x0  }
0x3c: {  	s14 =	rddreg [dreg:$0x12];
	[sflag:s24] =	ssyncadd.s32 $0xFFFFD8F0  }
0x3d: {  	[spmem:s14] =	stream.linear.scatter [tilespmem:s23], [sflag:$0x1], $0x2710, $0x38;
	[tilespmem:$0x1E2D0] =	vst v63  }
0x3e: {  	_ =	swait.ge [sflag:s24], $0x2710  }
0x3f: {  	[sflag:s24] =	ssyncset.done $0x0  }
0x40: {  	s28 =	rddreg [dreg:$0x13];
	[sflag:s24] =	ssyncadd.s32 $0xFFFFD8F0  }
0x41: {  	[spmem:s28] =	stream.linear.scatter [tilespmem:s23], [sflag:$0x1], $0x2710, $0x38;
	[tilespmem:$0x1E2D0] =	vst v63  }
0x42: {  	_ =	swait.ge [sflag:s24], $0x2710  }
0x43: {  	[sflag:s24] =	ssyncset.done $0x0  }
0x44: {  	s29 =	rddreg [dreg:$0x14];
	[sflag:s24] =	ssyncadd.s32 $0xFFFFD8F0  }
0x45: {  	[spmem:s29] =	stream.linear.scatter [tilespmem:s23], [sflag:$0x1], $0x2710, $0x38;
	[tilespmem:$0x1E2D0] =	vst v63  }
0x46: {  	_ =	swait.ge [sflag:s24], $0x2710  }
0x47: {  	[sflag:s24] =	ssyncset.done $0x0  }
0x48: {  	s30 =	rddreg [dreg:$0x15];
	[sflag:s24] =	ssyncadd.s32 $0xFFFFD8F0  }
0x49: {  	[spmem:s30] =	stream.linear.scatter [tilespmem:s23], [sflag:$0x1], $0x2710, $0x38;
	[tilespmem:$0x1E2D0] =	vst v63  }
0x4a: {  	_ =	swait.ge [sflag:s24], $0x2710  }
0x4b: {  	[sflag:s24] =	ssyncset.done $0x0  }
0x4c: {  	[sflag:s24] =	ssyncadd.s32 $0xFFFFD8F0  }
0x4d: {  	[spmem:s17] =	stream.linear.scatter [tilespmem:s23], [sflag:$0x1], $0x2710, $0x38;
	[tilespmem:$0x1E2D0] =	vst v63  }
0x4e: {  	_ =	swait.ge [sflag:s24], $0x2710  }
0x4f: {  	[sflag:s24] =	ssyncset.done $0x0  }
0x50: {  	[sflag:s24] =	ssyncadd.s32 $0xFFFFD8F0  }
0x51: {  	s31 =	sadd.s32 $0x0, s22;
	[bflag:$0x0] =	sbarrier.arrive $0xFFFF  }
0x52: {  	[tilespmem:s3], [sflag:$0x1] =	stream.linear.gather [hbm4b:s31+s3], $0x320, $0x38;
	[tilespmem:$0x1E2D0] =	vst v63  }
0x53: {  	_ =	swait.ge [sflag:s24], $0x320  }
0x54: {  	[sflag:s24] =	ssyncset.done $0x0  }
0x55: {  	[sflag:s24] =	ssyncadd.s32 $0xFFFFFCE0  }
0x56: {  	[tilespmem:s25], [sflag:$0x1] =	stream.linear.gather [hbm4b:s21+s3], $0x3200, $0x38;
	[tilespmem:$0x1E2D0] =	vst v63  }
0x57: {  	_ =	swait.ge [sflag:s24], $0x3200  }
0x58: {  	[sflag:s24] =	ssyncset.done $0x0  }
0x59: {  	[sflag:s24] =	ssyncadd.s32 $0xFFFFCE00  }
0x5a: {  	[spmem:s2] =	stream.indirect.scatter.add.f32 [tilespmem:s25], [sflag:$0x1], $0x10, s3, s25, $0xb8;
	[tilespmem:$0x1E2D0] =	vst v63  }
0x5b: {  	s0 =	sadd.s32 $0x640, s21;
	_ =	swait.ge [sflag:s24], $0x3200  }
0x5c: {  	s4 =	simm.s32 $0x64;
	s8 =	simm.s32 $0xC8;
	[sflag:s24] =	ssyncset.done $0x0  }
.LBB2_4:
0x5d: {  	s28 =	sadd.s32 s4, s22  }
0x5e: {  	[sflag:s24] =	ssyncadd.s32 $0xFFFFCE00;
	s4 =	smov.u32 s8;
	s29 =	sadd.s32 $0x64, s8  }
0x5f: {  	[tilespmem:s3], [sflag:$0x1] =	stream.linear.gather [hbm4b:s28+s3], $0x320, $0x38;
	[tilespmem:$0x1E2D0] =	vst v63  }
0x60: {  	p1 =	sne.s32 s8, $0x6144;
	_ =	swait.ge [sflag:s24], $0x320  }
0x61: {  	[sflag:s24] =	ssyncset.done $0x0  }
0x62: {  	[sflag:s24] =	ssyncadd.s32 $0xFFFFFCE0  }
0x63: {  	[tilespmem:s25], [sflag:$0x1] =	stream.linear.gather [hbm4b:s0+s3], $0x3200, $0x38;
	[tilespmem:$0x1E2D0] =	vst v63  }
0x64: {  	_ =	swait.ge [sflag:s24], $0x3200  }
.Ltmp1:
0x65: {  	[sflag:s24] =	ssyncset.done $0x0;
	(pc) =	sbr.rel @p1 .LBB2_4-.Ltmp1, $4  }
0x66: {  	[sflag:s24] =	ssyncadd.s32 $0xFFFFCE00  }
0x67: {  	[spmem:s2] =	stream.indirect.scatter.add.f32 [tilespmem:s25], [sflag:$0x1], $0x10, s3, s25, $0xb8;
	[tilespmem:$0x1E2D0] =	vst v63  }
0x68: {  	_ =	swait.ge [sflag:s24], $0x3200  }
0x69: {  	s8 =	smov.u32 s29;
	s0 =	sadd.s32 $0x640, s0;
	[sflag:s24] =	ssyncset.done $0x0  }
0x6a: {  	s4 =	sadd.s32 s4, s22;
	[sflag:s24] =	ssyncadd.s32 $0xFFFFCE00  }
0x6b: {  	[tilespmem:s3], [sflag:$0x1] =	stream.linear.gather [hbm4b:s4+s3], $0x320, $0x38;
	[tilespmem:$0x1E2D0] =	vst v63  }
0x6c: {  	_ =	swait.ge [sflag:s24], $0x320  }
0x6d: {  	[sflag:s24] =	ssyncset.done $0x0  }
0x6e: {  	[sflag:s24] =	ssyncadd.s32 $0xFFFFFCE0  }
0x6f: {  	[tilespmem:s25], [sflag:$0x1] =	stream.linear.gather [hbm4b:s0+s3], $0x3200, $0x38;
	[tilespmem:$0x1E2D0] =	vst v63  }
0x70: {  	_ =	swait.ge [sflag:s24], $0x3200  }
0x71: {  	[sflag:s24] =	ssyncset.done $0x0  }
0x72: {  	[sflag:s24] =	ssyncadd.s32 $0xFFFFCE00  }
0x73: {  	[spmem:s2] =	stream.indirect.scatter.add.f32 [tilespmem:s25], [sflag:$0x1], $0x10, s3, s25, $0xb8;
	[tilespmem:$0x1E2D0] =	vst v63  }
0x74: {  	_ =	swait.ge [sflag:s24], $0x3200  }
0x75: {  	s29 =	simm.s32 @p0 $0x1;
	[sflag:s24] =	ssyncset.done $0x0  }
0x76: {  	s4 =	sadd.s32 @p0 s5, s20;
	s0 =	sshll.u32 @p0 s1, $0x6;
	[sflag:s24] =	ssyncadd.s32 $0xFFFFCE00  }
0x77: {  	s30 =	sor.u32 @p0 $0x1C01, s0;
	s0 =	sshrl.u32 @p0 s7, $0x3;
	[bflag:$0x0] =	sbarrier.arrive $0xFFFF  }
0x78: {  	[hbm:s4], [sflag:s30] =	dma.local @p0 [spmem:s0], $0x4E2  }
0x79: {  	s8 =	sshrl.u32 @!p0 s7, $0x3;
	s31 =	simm.s32 @!p0 $0x2;
	_ =	swait.ge @p0 [sflag:s29], $0x4E2  }
0x7a: {  	s28 =	simm.s32 @!p0 $0x2;
	s0 =	sshll.u32 @!p0 s1, $0x6;
	[sflag:s29] =	ssyncset.done @p0 $0x0  }
0x7b: {  	s4 =	sadd.s32 @!p0 s6, s20;
	s0 =	sor.u32 @!p0 $0x1C02, s0;
	[sflag:s29] =	ssyncadd.s32 @p0 $0xFFFFFB1E  }
0x7c: {  	[hbm:s4], [sflag:s0] =	dma.local @!p0 [spmem:s8], $0x4E2  }
0x7d: {  	s11 =	sshll.u32 s1, $0x6;
	s28 =	simm.s32 @p0 $0x1;
	s4 =	smov.u32 s6  }
0x7e: {  	s8 =	sadd.s32 s28, s11;
	_ =	swait.ge @!p0 [sflag:s31], $0x4E2;
	s4 =	smov.u32 @p0 s5  }
0x7f: {  	s8 =	sadd.s32 $0x1C00, s8;
	[sflag:s31] =	ssyncset.done @!p0 $0x0;
	s11 =	rddreg [dreg:$0x4]  }
0x80: {  	s14 =	rddreg [dreg:$0x9];
	[sflag:s31] =	ssyncadd.s32 @!p0 $0xFFFFFB1E;
	s11 =	sadd.s32 s4, s11  }
0x81: {  	[hbm:s11], [sflag:s8] =	dma.local [spmem:s14], $0x4E2  }
0x82: {  	_ =	swait.ge [sflag:s28], $0x4E2  }
0x83: {  	[sflag:s28] =	ssyncset.done $0x0  }
0x84: {  	s11 =	sadd.s32 @p0 s5, s9;
	s14 =	sshrl.u32 @p0 s10, $0x3;
	[sflag:s28] =	ssyncadd.s32 $0xFFFFFB1E  }
0x85: {  	[hbm:s11], [sflag:s30] =	dma.local @p0 [spmem:s14], $0x4E2  }
0x86: {  	_ =	swait.ge @p0 [sflag:s29], $0x4E2  }
0x87: {  	[sflag:s29] =	ssyncset.done @p0 $0x0  }
0x88: {  	s11 =	sadd.s32 @!p0 s6, s9;
	s14 =	sshrl.u32 @!p0 s10, $0x3;
	[sflag:s29] =	ssyncadd.s32 @p0 $0xFFFFFB1E  }
0x89: {  	[hbm:s11], [sflag:s0] =	dma.local @!p0 [spmem:s14], $0x4E2  }
0x8a: {  	_ =	swait.ge @!p0 [sflag:s31], $0x4E2  }
0x8b: {  	[sflag:s31] =	ssyncset.done @!p0 $0x0;
	s14 =	rddreg [dreg:$0x5]  }
0x8c: {  	[sflag:s31] =	ssyncadd.s32 @!p0 $0xFFFFFB1E;
	s11 =	sadd.s32 s4, s14;
	s14 =	rddreg [dreg:$0xa]  }
0x8d: {  	[hbm:s11], [sflag:s8] =	dma.local [spmem:s14], $0x4E2  }
0x8e: {  	_ =	swait.ge [sflag:s28], $0x4E2  }
0x8f: {  	[sflag:s28] =	ssyncset.done $0x0  }
0x90: {  	s11 =	sadd.s32 @p0 s5, s12;
	s14 =	sshrl.u32 @p0 s13, $0x3;
	[sflag:s28] =	ssyncadd.s32 $0xFFFFFB1E  }
0x91: {  	[hbm:s11], [sflag:s30] =	dma.local @p0 [spmem:s14], $0x4E2  }
0x92: {  	_ =	swait.ge @p0 [sflag:s29], $0x4E2  }
0x93: {  	[sflag:s29] =	ssyncset.done @p0 $0x0  }
0x94: {  	s11 =	sadd.s32 @!p0 s6, s12;
	s14 =	sshrl.u32 @!p0 s13, $0x3;
	[sflag:s29] =	ssyncadd.s32 @p0 $0xFFFFFB1E  }
0x95: {  	[hbm:s11], [sflag:s0] =	dma.local @!p0 [spmem:s14], $0x4E2  }
0x96: {  	_ =	swait.ge @!p0 [sflag:s31], $0x4E2  }
0x97: {  	[sflag:s31] =	ssyncset.done @!p0 $0x0;
	s14 =	rddreg [dreg:$0x6]  }
0x98: {  	[sflag:s31] =	ssyncadd.s32 @!p0 $0xFFFFFB1E;
	s11 =	sadd.s32 s4, s14;
	s14 =	rddreg [dreg:$0xb]  }
0x99: {  	[hbm:s11], [sflag:s8] =	dma.local [spmem:s14], $0x4E2  }
0x9a: {  	_ =	swait.ge [sflag:s28], $0x4E2  }
0x9b: {  	[sflag:s28] =	ssyncset.done $0x0  }
0x9c: {  	s11 =	sadd.s32 @p0 s5, s15;
	s14 =	sshrl.u32 @p0 s16, $0x3;
	[sflag:s28] =	ssyncadd.s32 $0xFFFFFB1E  }
0x9d: {  	[hbm:s11], [sflag:s30] =	dma.local @p0 [spmem:s14], $0x4E2  }
0x9e: {  	_ =	swait.ge @p0 [sflag:s29], $0x4E2  }
0x9f: {  	[sflag:s29] =	ssyncset.done @p0 $0x0  }
0xa0: {  	s11 =	sadd.s32 @!p0 s6, s15;
	s14 =	sshrl.u32 @!p0 s16, $0x3;
	[sflag:s29] =	ssyncadd.s32 @p0 $0xFFFFFB1E  }
0xa1: {  	[hbm:s11], [sflag:s0] =	dma.local @!p0 [spmem:s14], $0x4E2  }
0xa2: {  	_ =	swait.ge @!p0 [sflag:s31], $0x4E2  }
0xa3: {  	[sflag:s31] =	ssyncset.done @!p0 $0x0;
	s14 =	rddreg [dreg:$0x7]  }
0xa4: {  	[sflag:s31] =	ssyncadd.s32 @!p0 $0xFFFFFB1E;
	s11 =	sadd.s32 s4, s14;
	s14 =	rddreg [dreg:$0xc]  }
0xa5: {  	[hbm:s11], [sflag:s8] =	dma.local [spmem:s14], $0x4E2  }
0xa6: {  	_ =	swait.ge [sflag:s28], $0x4E2  }
0xa7: {  	[sflag:s28] =	ssyncset.done $0x0  }
0xa8: {  	s11 =	sadd.s32 @p0 s5, s18;
	s14 =	sshrl.u32 @p0 s19, $0x3;
	[sflag:s28] =	ssyncadd.s32 $0xFFFFFB1E  }
0xa9: {  	[hbm:s11], [sflag:s30] =	dma.local @p0 [spmem:s14], $0x4E2  }
0xaa: {  	_ =	swait.ge @p0 [sflag:s29], $0x4E2  }
0xab: {  	[sflag:s29] =	ssyncset.done @p0 $0x0  }
0xac: {  	s11 =	sadd.s32 @!p0 s6, s18;
	s14 =	sshrl.u32 @!p0 s19, $0x3;
	[sflag:s29] =	ssyncadd.s32 @p0 $0xFFFFFB1E  }
0xad: {  	[hbm:s11], [sflag:s0] =	dma.local @!p0 [spmem:s14], $0x4E2  }
0xae: {  	_ =	swait.ge @!p0 [sflag:s31], $0x4E2  }
0xaf: {  	[sflag:s31] =	ssyncset.done @!p0 $0x0;
	s29 =	rddreg [dreg:$0x8]  }
0xb0: {  	s30 =	rddreg [dreg:$0xd];
	[sflag:s31] =	ssyncadd.s32 @!p0 $0xFFFFFB1E;
	s0 =	sadd.s32 s4, s29  }
0xb1: {  	[hbm:s0], [sflag:s8] =	dma.local [spmem:s30], $0x4E2  }
0xb2: {  	_ =	swait.ge [sflag:s28], $0x4E2  }
0xb3: {  	s26 =	sadd.s32 $0x1, s26;
	s31 =	rddreg [dreg:$0x3]  }
0xb4: {  	p1 =	sne.s32 s26, s31  }
.Ltmp2:
0xb5: {  	_ = 	snop;
	(pc) =	sbr.rel @p1 .LBB2_1-.Ltmp2, $3  }
0xb6: {  	_ =	sdelay $0x1  }
0xb7: {  	[sflag:s28] =	ssyncset.done $0x0  }
0xb8: {  	[sflag:s28] =	ssyncadd.s32 $0xFFFFFB1E  }
0xb9: {  	_ =	sfence.sel $0x180000  }
0xba: {  	[bflag:$0x0] =	sbarrier.arrive $0xFFFF  }
0xbb: {  	_ =	strace $0x90000053  }
0xbc: {  	[bflag:$0x2] =	sbarrier.arrive $0xFFFF  }
0xbd: {  	p0 =	sne.s32 s1, $0x0;
	s0 =	rddreg [dreg:$0x2]  }
0xbe: {  	s0 =	sadd.s32 @!p0 $0x100000, s0  }
0xbf: {  	[sflag:s0] =	ssyncadd.tile.s32 @!p0 $0x1;
	_ =	shalt  }
.Lfunc_end2:
_tile_overlayer_lowered:
.L_overlay_start_2:
0xc0: {  	(tag) =	ssettag $0x2  }
0xc1: {  	s0 =	rddreg [dreg:$0x0];
	s2 =	stileid.u32  }
0xc2: {  	s1 =	rddreg [dreg:$0x1];
	p0 =	sne.s32 s2, $0x0  }
0xc3: {  	s3 =	rddreg [dreg:$0x2];
	[bflag:$0x3] =	sbarrier.arrive $0xFFFF;
	s2 =	simm.s32 @!p0 $0x1C01  }
0xc4: {  	[timem:s3], [sflag:s2] =	dma.local @!p0 [hbm:s0], s1  }
0xc5: {  	s0 =	simm.s32 @!p0 $0x1  }
0xc6: {  	_ =	swait.ge @!p0 [sflag:s0], s1  }
0xc7: {  	s1 =	ssub.s32 @!p0 $0x0, s1;
	[sflag:s0] =	ssyncset.done @!p0 $0x0  }
0xc8: {  	[sflag:s0] =	ssyncadd.s32 @!p0 s1  }
0xc9: {  	[bflag:$0x3] =	sbarrier.arrive $0xFFFF  }
0xca: {  	_ =	shalt  }

</sc_bundles>
